<compile_context>
chip_gen: v7x
topology: tpu7x:2x2x1
jax: 0.10.2.dev20260603
libtpu: 0.0.44.dev20260713+nightly
codegen_flags: <defaults>
</compile_context>

<pallas_src>
import functools

import jax
import jax.numpy as jnp
from jax import lax
from jax.experimental import pallas as pl
from jax.experimental.pallas import tpu as pltpu
from jax.experimental.pallas import tpu_sc as plsc

N = 10000
E = 320000
D = 128
G = 8

NC = 2
NS = 16
NW = NC * NS
CH = 112
NCHUNK = 90
PADE = NW * NCHUNK * CH
NB = 3
NJ = 6
NOUTER = NCHUNK // NJ
RPT = 624
TAIL = N - NS * RPT

_mesh = plsc.VectorSubcoreMesh(core_axis_name="c", subcore_axis_name="s")


@functools.partial(
    pl.kernel,
    out_type=jax.ShapeDtypeStruct((NC, N, D), jnp.float32),
    mesh=_mesh,
    scratch_types=[
        [pltpu.VMEM((CH,), jnp.int32) for _ in range(NJ)],
        [pltpu.VMEM((CH,), jnp.int32) for _ in range(NJ)],
        [pltpu.VMEM((CH, D), jnp.float32) for _ in range(NB)],
        pltpu.VMEM_SHARED((N + 512, D), jnp.float32),
        pltpu.SemaphoreType.DMA((NB,)),
        pltpu.SemaphoreType.DMA((NB,)),
        pltpu.SemaphoreType.DMA((NJ,)),
        pltpu.SemaphoreType.DMA((NJ,)),
    ],
)
def _sc_agg(h_hbm, src_hbm, dst_hbm, out_hbm,
            si, di, rows, acc_sh, sem_g, sem_s, sem_si, sem_di):
    c = lax.axis_index("c")
    s = lax.axis_index("s")
    wid = c * NS + s

    base = wid * NCHUNK * CH

    def _issue_idx(off, j):
        pltpu.async_copy(src_hbm.at[pl.ds(off, CH)], si[j], sem_si.at[j])
        pltpu.async_copy(dst_hbm.at[pl.ds(off, CH)], di[j], sem_di.at[j])

    def _wait_idx(off, j):
        pltpu.make_async_copy(
            src_hbm.at[pl.ds(off, CH)], si[j], sem_si.at[j]).wait()
        pltpu.make_async_copy(
            dst_hbm.at[pl.ds(off, CH)], di[j], sem_di.at[j]).wait()

    def _issue_gather(j, b):
        pltpu.async_copy(h_hbm.at[si[j]], rows[b], sem_g.at[b])

    def _wait_gather(b):
        pltpu.make_async_copy(h_hbm.at[si[0]], rows[b], sem_g.at[b]).wait()

    def _drain_scatter(b, j):
        pltpu.make_async_copy(rows[b], acc_sh.at[di[j]], sem_s.at[b]).wait()

    for j in range(4):
        _issue_idx(base + j * CH, j)
    for i in range(2):
        _wait_idx(base + i * CH, i)
        _issue_gather(i, i)

    zv = jnp.zeros((16,), jnp.float32)

    def _zrow(i, _):
        def _zcol(j, _):
            rows[2][i, pl.ds(j * 16, 16)] = zv
            return 0
        return lax.fori_loop(0, D // 16, _zcol, 0)

    lax.fori_loop(0, CH, _zrow, 0)

    def _zcp(k, _):
        pltpu.sync_copy(rows[2], acc_sh.at[pl.ds(s * RPT + k * CH, CH)])
        return 0

    lax.fori_loop(0, RPT // CH, _zcp, 0)
    pltpu.sync_copy(rows[2].at[pl.ds(0, RPT % CH)],
                    acc_sh.at[pl.ds(s * RPT + (RPT // CH) * CH, RPT % CH)])

    @pl.when(s == NS - 1)
    def _ztail():
        pltpu.sync_copy(rows[2].at[pl.ds(0, TAIL)],
                        acc_sh.at[pl.ds(NS * RPT, TAIL)])

    plsc.subcore_barrier()

    def _outer(g, _):
        for u in range(NJ):
            i_off = base + (NJ * g + u) * CH
            b = u % NB
            j = u

            _wait_gather(b)
            pltpu.async_copy(rows[b], acc_sh.at[di[j]], sem_s.at[b], add=True)

            def _dr(b=b, j=j):
                _drain_scatter((b + NB - 1) % NB, (j + NJ - 1) % NJ)

            if u == 0:
                pl.when(g > 0)(_dr)
            else:
                _dr()

            def _next_gather(i_off=i_off, j=j, b=b):
                _wait_idx(i_off + 2 * CH, (j + 2) % NJ)
                _issue_gather((j + 2) % NJ, (b + 2) % NB)

            if u < 4:
                _next_gather()
            else:
                pl.when(g < NOUTER - 1)(_next_gather)

            def _pf_idx(i_off=i_off, j=j):
                _issue_idx(i_off + 4 * CH, (j + 4) % NJ)

            if u < 2:
                _pf_idx()
            else:
                pl.when(g < NOUTER - 1)(_pf_idx)
        return 0

    lax.fori_loop(0, NOUTER, _outer, 0)

    _drain_scatter((NCHUNK - 1) % NB, (NCHUNK - 1) % NJ)

    plsc.subcore_barrier()

    pltpu.sync_copy(acc_sh.at[pl.ds(s * RPT, RPT)],
                    out_hbm.at[c, pl.ds(s * RPT, RPT)])

    @pl.when(s == NS - 1)
    def _wtail():
        pltpu.sync_copy(acc_sh.at[pl.ds(NS * RPT, TAIL)],
                        out_hbm.at[c, pl.ds(NS * RPT, TAIL)])


def _mlp_pool_body(emit_h, h_ref, agg_ref, batch_ref,
                   W1_ref, b1_ref, g_ref, be_ref, W2_ref, b2_ref, *outs):
    z = h_ref[...] + agg_ref[0] + agg_ref[1]
    z = jnp.dot(z, W1_ref[...], preferred_element_type=jnp.float32) + b1_ref[...]
    mean = jnp.mean(z, axis=0, keepdims=True)
    var = jnp.mean(z * z, axis=0, keepdims=True) - mean * mean
    z = (z - mean) * (g_ref[...] * lax.rsqrt(var + 1e-5)) + be_ref[...]
    z = jnp.maximum(z, 0.0)
    z = jnp.dot(z, W2_ref[...], preferred_element_type=jnp.float32) + b2_ref[...]
    h = jnp.maximum(z, 0.0)
    onehot = (batch_ref[...] ==
              lax.broadcasted_iota(jnp.int32, (G, N), 0)).astype(jnp.float32)
    pool = jnp.dot(onehot, h, preferred_element_type=jnp.float32)
    if emit_h:
        outs[0][...] = h
        outs[1][...] = pool
    else:
        outs[0][...] = pool


def _tc_layer(h, agg2, batch2d, W1, b1, gamma, beta, W2, b2, emit_h):
    if emit_h:
        out_shape = (jax.ShapeDtypeStruct((N, D), jnp.float32),
                     jax.ShapeDtypeStruct((G, D), jnp.float32))
    else:
        out_shape = (jax.ShapeDtypeStruct((G, D), jnp.float32),)
    return pl.pallas_call(
        functools.partial(_mlp_pool_body, emit_h),
        out_shape=out_shape,
    )(h, agg2, batch2d,
      W1, b1.reshape(1, D), gamma.reshape(1, D), beta.reshape(1, D),
      W2, b2.reshape(1, D))


def kernel(x, edge_index, batch_node_id,
           W1_0, b1_0, gamma_0, beta_0, W2_0, b2_0,
           W1_1, b1_1, gamma_1, beta_1, W2_1, b2_1):
    pad = PADE - E
    src = jnp.concatenate(
        [edge_index[0], jnp.arange(pad, dtype=jnp.int32) % N])
    dst = jnp.concatenate(
        [edge_index[1], N + (jnp.arange(pad, dtype=jnp.int32) % 512)])
    batch2d = batch_node_id.reshape(1, N)

    agg_x = _sc_agg(x, src, dst)
    h1, pool1 = _tc_layer(x, agg_x, batch2d,
                          W1_0, b1_0, gamma_0, beta_0, W2_0, b2_0, True)
    agg_h1 = _sc_agg(h1, src, dst)
    (pool2,) = _tc_layer(h1, agg_h1, batch2d,
                         W1_1, b1_1, gamma_1, beta_1, W2_1, b2_1, False)
    return jnp.concatenate([pool1, pool2], axis=1)

# --- scband reference (transcript-rebuilt; emitter-appended) ---
"""Pipeline reference for scband-gin-encoder-755914244127 (READ-ONLY COPY).

The authoritative reference and input builder live on the scoring server;
editing this copy changes nothing except your own understanding.
"""

import jax, jax.numpy as jnp
import numpy as np

N = 10000
E = 320000
D = 128
DH = 128
G = 8


def setup_inputs(seed: int = 0) -> dict:
    key = jax.random.key(seed)
    ks = jax.random.split(key, 16)
    x = jax.random.normal(ks[0], (N, D), dtype=jnp.float32)
    edge_index = jax.random.randint(ks[1], (2, E), 0, N, dtype=jnp.int32)
    batch_node_id = jnp.sort(jax.random.randint(ks[2], (N,), 0, G, dtype=jnp.int32))
    W1_0 = jax.random.normal(ks[3], (D, DH), dtype=jnp.float32) * 0.05
    b1_0 = jnp.zeros((DH,), dtype=jnp.float32)
    gamma_0 = jnp.ones((DH,), dtype=jnp.float32)
    beta_0 = jnp.zeros((DH,), dtype=jnp.float32)
    W2_0 = jax.random.normal(ks[4], (DH, DH), dtype=jnp.float32) * 0.05
    b2_0 = jnp.zeros((DH,), dtype=jnp.float32)
    W1_1 = jax.random.normal(ks[5], (DH, DH), dtype=jnp.float32) * 0.05
    b1_1 = jnp.zeros((DH,), dtype=jnp.float32)
    gamma_1 = jnp.ones((DH,), dtype=jnp.float32)
    beta_1 = jnp.zeros((DH,), dtype=jnp.float32)
    W2_1 = jax.random.normal(ks[6], (DH, DH), dtype=jnp.float32) * 0.05
    b2_1 = jnp.zeros((DH,), dtype=jnp.float32)
    return {"x": x, "edge_index": edge_index, "batch_node_id": batch_node_id,
            "W1_0": W1_0, "b1_0": b1_0, "gamma_0": gamma_0, "beta_0": beta_0, "W2_0": W2_0, "b2_0": b2_0,
            "W1_1": W1_1, "b1_1": b1_1, "gamma_1": gamma_1, "beta_1": beta_1, "W2_1": W2_1, "b2_1": b2_1}


def _gin_layer(h, src, dst, W1, b1, gamma, beta, W2, b2):
    # GINConv with eps=0: nn((1+eps)*x + sum_{j->i} x_j)
    agg = jax.ops.segment_sum(jnp.take(h, src, axis=0), dst, num_segments=h.shape[0])
    z = h + agg
    z = z @ W1 + b1
    # BatchNorm1d (training-mode batch statistics, biased variance)
    mean = jnp.mean(z, axis=0)
    var = jnp.var(z, axis=0)
    z = (z - mean) / jnp.sqrt(var + 1e-5) * gamma + beta
    z = jax.nn.relu(z)
    z = jax.nn.relu(z @ W2 + b2)
    return z


def reference(x, edge_index, batch_node_id,
              W1_0, b1_0, gamma_0, beta_0, W2_0, b2_0,
              W1_1, b1_1, gamma_1, beta_1, W2_1, b2_1):
    src = edge_index[0]
    dst = edge_index[1]
    h1 = _gin_layer(x, src, dst, W1_0, b1_0, gamma_0, beta_0, W2_0, b2_0)
    h2 = _gin_layer(h1, src, dst, W1_1, b1_1, gamma_1, beta_1, W2_1, b2_1)
    pool1 = jax.ops.segment_sum(h1, batch_node_id, num_segments=G)
    pool2 = jax.ops.segment_sum(h2, batch_node_id, num_segments=G)
    graph_embeds = jnp.concatenate([pool1, pool2], axis=1)
    return graph_embeds

if __name__ == "__main__":
    import jax
    _d = setup_inputs()
    print(jax.jit(kernel)(*tuple(_d.values())))

</pallas_src>

<mosaic_0001>
#map = affine_map<(d0, d1) -> (0, 0)>
#map1 = affine_map<(d0, d1) -> (0)>
#map2 = affine_map<(d0, d1) -> (0, 0, 0)>
module attributes {stable_mosaic.version = 14 : i64} {
  func.func @_sc_agg(%arg0: i32, %arg1: i32, %arg2: memref<10000x128xf32, #tpu.memory_space<hbm>>, %arg3: memref<322560xi32, #tpu.memory_space<hbm>>, %arg4: memref<322560xi32, #tpu.memory_space<hbm>>, %arg5: memref<2x10000x128xf32, #tpu.memory_space<hbm>>, %arg6: memref<112xi32, #tpu.memory_space<vmem>>, %arg7: memref<112xi32, #tpu.memory_space<vmem>>, %arg8: memref<112xi32, #tpu.memory_space<vmem>>, %arg9: memref<112xi32, #tpu.memory_space<vmem>>, %arg10: memref<112xi32, #tpu.memory_space<vmem>>, %arg11: memref<112xi32, #tpu.memory_space<vmem>>, %arg12: memref<112xi32, #tpu.memory_space<vmem>>, %arg13: memref<112xi32, #tpu.memory_space<vmem>>, %arg14: memref<112xi32, #tpu.memory_space<vmem>>, %arg15: memref<112xi32, #tpu.memory_space<vmem>>, %arg16: memref<112xi32, #tpu.memory_space<vmem>>, %arg17: memref<112xi32, #tpu.memory_space<vmem>>, %arg18: memref<112x128xf32, #tpu.memory_space<vmem>>, %arg19: memref<112x128xf32, #tpu.memory_space<vmem>>, %arg20: memref<112x128xf32, #tpu.memory_space<vmem>>, %arg21: memref<10512x128xf32, #tpu.memory_space<vmem_shared>>, %arg22: memref<3x!tpu.dma_semaphore, #tpu.memory_space<semaphore_mem>>, %arg23: memref<3x!tpu.dma_semaphore, #tpu.memory_space<semaphore_mem>>, %arg24: memref<6x!tpu.dma_semaphore, #tpu.memory_space<semaphore_mem>>, %arg25: memref<6x!tpu.dma_semaphore, #tpu.memory_space<semaphore_mem>>) attributes {dimension_semantics = [#tpu.dimension_semantics<core_parallel>, #tpu.dimension_semantics<subcore_parallel>], iteration_bounds = array<i64: 2, 16>, scalar_prefetch = 0 : i64, scratch_operands = 20 : i64, tpu.core_type = #tpu.core_type<sc_vector_subcore>, window_params = [{transform_indices = #map}, {transform_indices = #map1}, {transform_indices = #map1}, {transform_indices = #map2}]} {
    %mul3A = arith.constant 16 : i32
    %mul3A_0 = arith.muli %arg0, %mul3A : i32
    %add3A = arith.addi %mul3A_0, %arg1 : i32
    %mul3A_1 = arith.constant 90 : i32
    %mul3A_2 = arith.muli %add3A, %mul3A_1 : i32
    %mul3A_3 = arith.constant 112 : i32
    %mul3A_4 = arith.muli %mul3A_2, %mul3A_3 : i32
    %add3A_5 = arith.constant 0 : i32
    %add3A_6 = arith.addi %mul3A_4, %add3A_5 : i32
    %dma_start3A = arith.constant 0 : i32
    %dma_start3A_7 = tpu.memref_slice %arg3[%add3A_6] : memref<322560xi32, #tpu.memory_space<hbm>> -> memref<112xi32, #tpu.memory_space<hbm>>
    %dma_start3A_8 = tpu.memref_slice %arg24[%dma_start3A] : memref<6x!tpu.dma_semaphore, #tpu.memory_space<semaphore_mem>> -> memref<1x!tpu.dma_semaphore, #tpu.memory_space<semaphore_mem>>
    %dma_start3A_9 = tpu.memref_squeeze %dma_start3A_8 : memref<1x!tpu.dma_semaphore, #tpu.memory_space<semaphore_mem>> -> memref<!tpu.dma_semaphore, #tpu.memory_space<semaphore_mem>>
    %dma_start3A_10 = tpu.memref_slice %arg3[%add3A_6] : memref<322560xi32, #tpu.memory_space<hbm>> -> memref<112xi32, #tpu.memory_space<hbm>>
    tpu.enqueue_dma source(%dma_start3A_10 : memref<112xi32, #tpu.memory_space<hbm>>) target(%arg6 : memref<112xi32, #tpu.memory_space<vmem>>) target_semaphore(%dma_start3A_9 : memref<!tpu.dma_semaphore, #tpu.memory_space<semaphore_mem>>)
    %dma_start3A_11 = arith.constant 0 : i32
    %dma_start3A_12 = tpu.memref_slice %arg4[%add3A_6] : memref<322560xi32, #tpu.memory_space<hbm>> -> memref<112xi32, #tpu.memory_space<hbm>>
    %dma_start3A_13 = tpu.memref_slice %arg25[%dma_start3A_11] : memref<6x!tpu.dma_semaphore, #tpu.memory_space<semaphore_mem>> -> memref<1x!tpu.dma_semaphore, #tpu.memory_space<semaphore_mem>>
    %dma_start3A_14 = tpu.memref_squeeze %dma_start3A_13 : memref<1x!tpu.dma_semaphore, #tpu.memory_space<semaphore_mem>> -> memref<!tpu.dma_semaphore, #tpu.memory_space<semaphore_mem>>
    %dma_start3A_15 = tpu.memref_slice %arg4[%add3A_6] : memref<322560xi32, #tpu.memory_space<hbm>> -> memref<112xi32, #tpu.memory_space<hbm>>
    tpu.enqueue_dma source(%dma_start3A_15 : memref<112xi32, #tpu.memory_space<hbm>>) target(%arg12 : memref<112xi32, #tpu.memory_space<vmem>>) target_semaphore(%dma_start3A_14 : memref<!tpu.dma_semaphore, #tpu.memory_space<semaphore_mem>>)
    %add3A_16 = arith.constant 112 : i32
    %add3A_17 = arith.addi %mul3A_4, %add3A_16 : i32
    %dma_start3A_18 = arith.constant 1 : i32
    %dma_start3A_19 = tpu.memref_slice %arg3[%add3A_17] : memref<322560xi32, #tpu.memory_space<hbm>> -> memref<112xi32, #tpu.memory_space<hbm>>
    %dma_start3A_20 = tpu.memref_slice %arg24[%dma_start3A_18] : memref<6x!tpu.dma_semaphore, #tpu.memory_space<semaphore_mem>> -> memref<1x!tpu.dma_semaphore, #tpu.memory_space<semaphore_mem>>
    %dma_start3A_21 = tpu.memref_squeeze %dma_start3A_20 : memref<1x!tpu.dma_semaphore, #tpu.memory_space<semaphore_mem>> -> memref<!tpu.dma_semaphore, #tpu.memory_space<semaphore_mem>>
    %dma_start3A_22 = tpu.memref_slice %arg3[%add3A_17] : memref<322560xi32, #tpu.memory_space<hbm>> -> memref<112xi32, #tpu.memory_space<hbm>>
    tpu.enqueue_dma source(%dma_start3A_22 : memref<112xi32, #tpu.memory_space<hbm>>) target(%arg7 : memref<112xi32, #tpu.memory_space<vmem>>) target_semaphore(%dma_start3A_21 : memref<!tpu.dma_semaphore, #tpu.memory_space<semaphore_mem>>)
    %dma_start3A_23 = arith.constant 1 : i32
    %dma_start3A_24 = tpu.memref_slice %arg4[%add3A_17] : memref<322560xi32, #tpu.memory_space<hbm>> -> memref<112xi32, #tpu.memory_space<hbm>>
    %dma_start3A_25 = tpu.memref_slice %arg25[%dma_start3A_23] : memref<6x!tpu.dma_semaphore, #tpu.memory_space<semaphore_mem>> -> memref<1x!tpu.dma_semaphore, #tpu.memory_space<semaphore_mem>>
    %dma_start3A_26 = tpu.memref_squeeze %dma_start3A_25 : memref<1x!tpu.dma_semaphore, #tpu.memory_space<semaphore_mem>> -> memref<!tpu.dma_semaphore, #tpu.memory_space<semaphore_mem>>
    %dma_start3A_27 = tpu.memref_slice %arg4[%add3A_17] : memref<322560xi32, #tpu.memory_space<hbm>> -> memref<112xi32, #tpu.memory_space<hbm>>
    tpu.enqueue_dma source(%dma_start3A_27 : memref<112xi32, #tpu.memory_space<hbm>>) target(%arg13 : memref<112xi32, #tpu.memory_space<vmem>>) target_semaphore(%dma_start3A_26 : memref<!tpu.dma_semaphore, #tpu.memory_space<semaphore_mem>>)
    %add3A_28 = arith.constant 224 : i32
    %add3A_29 = arith.addi %mul3A_4, %add3A_28 : i32
    %dma_start3A_30 = arith.constant 2 : i32
    %dma_start3A_31 = tpu.memref_slice %arg3[%add3A_29] : memref<322560xi32, #tpu.memory_space<hbm>> -> memref<112xi32, #tpu.memory_space<hbm>>
    %dma_start3A_32 = tpu.memref_slice %arg24[%dma_start3A_30] : memref<6x!tpu.dma_semaphore, #tpu.memory_space<semaphore_mem>> -> memref<1x!tpu.dma_semaphore, #tpu.memory_space<semaphore_mem>>
    %dma_start3A_33 = tpu.memref_squeeze %dma_start3A_32 : memref<1x!tpu.dma_semaphore, #tpu.memory_space<semaphore_mem>> -> memref<!tpu.dma_semaphore, #tpu.memory_space<semaphore_mem>>
    %dma_start3A_34 = tpu.memref_slice %arg3[%add3A_29] : memref<322560xi32, #tpu.memory_space<hbm>> -> memref<112xi32, #tpu.memory_space<hbm>>
    tpu.enqueue_dma source(%dma_start3A_34 : memref<112xi32, #tpu.memory_space<hbm>>) target(%arg8 : memref<112xi32, #tpu.memory_space<vmem>>) target_semaphore(%dma_start3A_33 : memref<!tpu.dma_semaphore, #tpu.memory_space<semaphore_mem>>)
    %dma_start3A_35 = arith.constant 2 : i32
    %dma_start3A_36 = tpu.memref_slice %arg4[%add3A_29] : memref<322560xi32, #tpu.memory_space<hbm>> -> memref<112xi32, #tpu.memory_space<hbm>>
    %dma_start3A_37 = tpu.memref_slice %arg25[%dma_start3A_35] : memref<6x!tpu.dma_semaphore, #tpu.memory_space<semaphore_mem>> -> memref<1x!tpu.dma_semaphore, #tpu.memory_space<semaphore_mem>>
    %dma_start3A_38 = tpu.memref_squeeze %dma_start3A_37 : memref<1x!tpu.dma_semaphore, #tpu.memory_space<semaphore_mem>> -> memref<!tpu.dma_semaphore, #tpu.memory_space<semaphore_mem>>
    %dma_start3A_39 = tpu.memref_slice %arg4[%add3A_29] : memref<322560xi32, #tpu.memory_space<hbm>> -> memref<112xi32, #tpu.memory_space<hbm>>
    tpu.enqueue_dma source(%dma_start3A_39 : memref<112xi32, #tpu.memory_space<hbm>>) target(%arg14 : memref<112xi32, #tpu.memory_space<vmem>>) target_semaphore(%dma_start3A_38 : memref<!tpu.dma_semaphore, #tpu.memory_space<semaphore_mem>>)
    %add3A_40 = arith.constant 336 : i32
    %add3A_41 = arith.addi %mul3A_4, %add3A_40 : i32
    %dma_start3A_42 = arith.constant 3 : i32
    %dma_start3A_43 = tpu.memref_slice %arg3[%add3A_41] : memref<322560xi32, #tpu.memory_space<hbm>> -> memref<112xi32, #tpu.memory_space<hbm>>
    %dma_start3A_44 = tpu.memref_slice %arg24[%dma_start3A_42] : memref<6x!tpu.dma_semaphore, #tpu.memory_space<semaphore_mem>> -> memref<1x!tpu.dma_semaphore, #tpu.memory_space<semaphore_mem>>
    %dma_start3A_45 = tpu.memref_squeeze %dma_start3A_44 : memref<1x!tpu.dma_semaphore, #tpu.memory_space<semaphore_mem>> -> memref<!tpu.dma_semaphore, #tpu.memory_space<semaphore_mem>>
    %dma_start3A_46 = tpu.memref_slice %arg3[%add3A_41] : memref<322560xi32, #tpu.memory_space<hbm>> -> memref<112xi32, #tpu.memory_space<hbm>>
    tpu.enqueue_dma source(%dma_start3A_46 : memref<112xi32, #tpu.memory_space<hbm>>) target(%arg9 : memref<112xi32, #tpu.memory_space<vmem>>) target_semaphore(%dma_start3A_45 : memref<!tpu.dma_semaphore, #tpu.memory_space<semaphore_mem>>)
    %dma_start3A_47 = arith.constant 3 : i32
    %dma_start3A_48 = tpu.memref_slice %arg4[%add3A_41] : memref<322560xi32, #tpu.memory_space<hbm>> -> memref<112xi32, #tpu.memory_space<hbm>>
    %dma_start3A_49 = tpu.memref_slice %arg25[%dma_start3A_47] : memref<6x!tpu.dma_semaphore, #tpu.memory_space<semaphore_mem>> -> memref<1x!tpu.dma_semaphore, #tpu.memory_space<semaphore_mem>>
    %dma_start3A_50 = tpu.memref_squeeze %dma_start3A_49 : memref<1x!tpu.dma_semaphore, #tpu.memory_space<semaphore_mem>> -> memref<!tpu.dma_semaphore, #tpu.memory_space<semaphore_mem>>
    %dma_start3A_51 = tpu.memref_slice %arg4[%add3A_41] : memref<322560xi32, #tpu.memory_space<hbm>> -> memref<112xi32, #tpu.memory_space<hbm>>
    tpu.enqueue_dma source(%dma_start3A_51 : memref<112xi32, #tpu.memory_space<hbm>>) target(%arg15 : memref<112xi32, #tpu.memory_space<vmem>>) target_semaphore(%dma_start3A_50 : memref<!tpu.dma_semaphore, #tpu.memory_space<semaphore_mem>>)
    %add3A_52 = arith.constant 0 : i32
    %add3A_53 = arith.addi %mul3A_4, %add3A_52 : i32
    %dma_wait3A = arith.constant 0 : i32
    %dma_wait3A_54 = tpu.memref_slice %arg3[%add3A_53] : memref<322560xi32, #tpu.memory_space<hbm>> -> memref<112xi32, #tpu.memory_space<hbm>>
    %dma_wait3A_55 = tpu.memref_slice %arg24[%dma_wait3A] : memref<6x!tpu.dma_semaphore, #tpu.memory_space<semaphore_mem>> -> memref<1x!tpu.dma_semaphore, #tpu.memory_space<semaphore_mem>>
    %dma_wait3A_56 = tpu.memref_squeeze %dma_wait3A_55 : memref<1x!tpu.dma_semaphore, #tpu.memory_space<semaphore_mem>> -> memref<!tpu.dma_semaphore, #tpu.memory_space<semaphore_mem>>
    %dma_wait3A_57 = tpu.memref_slice %arg3[%add3A_53] : memref<322560xi32, #tpu.memory_space<hbm>> -> memref<112xi32, #tpu.memory_space<hbm>>
    tpu.wait_dma2 semaphore(%dma_wait3A_56 : memref<!tpu.dma_semaphore, #tpu.memory_space<semaphore_mem>>) src(%dma_wait3A_57 : memref<112xi32, #tpu.memory_space<hbm>>) dst(%arg6 : memref<112xi32, #tpu.memory_space<vmem>>)
    %dma_wait3A_58 = arith.constant 0 : i32
    %dma_wait3A_59 = tpu.memref_slice %arg4[%add3A_53] : memref<322560xi32, #tpu.memory_space<hbm>> -> memref<112xi32, #tpu.memory_space<hbm>>
    %dma_wait3A_60 = tpu.memref_slice %arg25[%dma_wait3A_58] : memref<6x!tpu.dma_semaphore, #tpu.memory_space<semaphore_mem>> -> memref<1x!tpu.dma_semaphore, #tpu.memory_space<semaphore_mem>>
    %dma_wait3A_61 = tpu.memref_squeeze %dma_wait3A_60 : memref<1x!tpu.dma_semaphore, #tpu.memory_space<semaphore_mem>> -> memref<!tpu.dma_semaphore, #tpu.memory_space<semaphore_mem>>
    %dma_wait3A_62 = tpu.memref_slice %arg4[%add3A_53] : memref<322560xi32, #tpu.memory_space<hbm>> -> memref<112xi32, #tpu.memory_space<hbm>>
    tpu.wait_dma2 semaphore(%dma_wait3A_61 : memref<!tpu.dma_semaphore, #tpu.memory_space<semaphore_mem>>) src(%dma_wait3A_62 : memref<112xi32, #tpu.memory_space<hbm>>) dst(%arg12 : memref<112xi32, #tpu.memory_space<vmem>>)
    %dma_start3A_63 = arith.constant 0 : i32
    %dma_start3A_64 = arith.constant 0 : i32
    %dma_start3A_65 = arith.constant 0 : i32
    %dma_start3A_66 = tpu.memref_slice %arg2[%dma_start3A_64, %dma_start3A_65] : memref<10000x128xf32, #tpu.memory_space<hbm>> -> memref<10000x128xf32, #tpu.memory_space<hbm>>
    %dma_start3A_67 = tpu.memref_slice %arg22[%dma_start3A_63] : memref<3x!tpu.dma_semaphore, #tpu.memory_space<semaphore_mem>> -> memref<1x!tpu.dma_semaphore, #tpu.memory_space<semaphore_mem>>
    %dma_start3A_68 = tpu.memref_squeeze %dma_start3A_67 : memref<1x!tpu.dma_semaphore, #tpu.memory_space<semaphore_mem>> -> memref<!tpu.dma_semaphore, #tpu.memory_space<semaphore_mem>>
    tpu.enqueue_indirect_dma source(%dma_start3A_66 : memref<10000x128xf32, #tpu.memory_space<hbm>>) target(%arg18 : memref<112x128xf32, #tpu.memory_space<vmem>>) offsets(%arg6 : memref<112xi32, #tpu.memory_space<vmem>>) semaphore(%dma_start3A_68 : memref<!tpu.dma_semaphore, #tpu.memory_space<semaphore_mem>>)
    %add3A_69 = arith.constant 112 : i32
    %add3A_70 = arith.addi %mul3A_4, %add3A_69 : i32
    %dma_wait3A_71 = arith.constant 1 : i32
    %dma_wait3A_72 = tpu.memref_slice %arg3[%add3A_70] : memref<322560xi32, #tpu.memory_space<hbm>> -> memref<112xi32, #tpu.memory_space<hbm>>
    %dma_wait3A_73 = tpu.memref_slice %arg24[%dma_wait3A_71] : memref<6x!tpu.dma_semaphore, #tpu.memory_space<semaphore_mem>> -> memref<1x!tpu.dma_semaphore, #tpu.memory_space<semaphore_mem>>
    %dma_wait3A_74 = tpu.memref_squeeze %dma_wait3A_73 : memref<1x!tpu.dma_semaphore, #tpu.memory_space<semaphore_mem>> -> memref<!tpu.dma_semaphore, #tpu.memory_space<semaphore_mem>>
    %dma_wait3A_75 = tpu.memref_slice %arg3[%add3A_70] : memref<322560xi32, #tpu.memory_space<hbm>> -> memref<112xi32, #tpu.memory_space<hbm>>
    tpu.wait_dma2 semaphore(%dma_wait3A_74 : memref<!tpu.dma_semaphore, #tpu.memory_space<semaphore_mem>>) src(%dma_wait3A_75 : memref<112xi32, #tpu.memory_space<hbm>>) dst(%arg7 : memref<112xi32, #tpu.memory_space<vmem>>)
    %dma_wait3A_76 = arith.constant 1 : i32
    %dma_wait3A_77 = tpu.memref_slice %arg4[%add3A_70] : memref<322560xi32, #tpu.memory_space<hbm>> -> memref<112xi32, #tpu.memory_space<hbm>>
    %dma_wait3A_78 = tpu.memref_slice %arg25[%dma_wait3A_76] : memref<6x!tpu.dma_semaphore, #tpu.memory_space<semaphore_mem>> -> memref<1x!tpu.dma_semaphore, #tpu.memory_space<semaphore_mem>>
    %dma_wait3A_79 = tpu.memref_squeeze %dma_wait3A_78 : memref<1x!tpu.dma_semaphore, #tpu.memory_space<semaphore_mem>> -> memref<!tpu.dma_semaphore, #tpu.memory_space<semaphore_mem>>
    %dma_wait3A_80 = tpu.memref_slice %arg4[%add3A_70] : memref<322560xi32, #tpu.memory_space<hbm>> -> memref<112xi32, #tpu.memory_space<hbm>>
    tpu.wait_dma2 semaphore(%dma_wait3A_79 : memref<!tpu.dma_semaphore, #tpu.memory_space<semaphore_mem>>) src(%dma_wait3A_80 : memref<112xi32, #tpu.memory_space<hbm>>) dst(%arg13 : memref<112xi32, #tpu.memory_space<vmem>>)
    %dma_start3A_81 = arith.constant 1 : i32
    %dma_start3A_82 = arith.constant 0 : i32
    %dma_start3A_83 = arith.constant 0 : i32
    %dma_start3A_84 = tpu.memref_slice %arg2[%dma_start3A_82, %dma_start3A_83] : memref<10000x128xf32, #tpu.memory_space<hbm>> -> memref<10000x128xf32, #tpu.memory_space<hbm>>
    %dma_start3A_85 = tpu.memref_slice %arg22[%dma_start3A_81] : memref<3x!tpu.dma_semaphore, #tpu.memory_space<semaphore_mem>> -> memref<1x!tpu.dma_semaphore, #tpu.memory_space<semaphore_mem>>
    %dma_start3A_86 = tpu.memref_squeeze %dma_start3A_85 : memref<1x!tpu.dma_semaphore, #tpu.memory_space<semaphore_mem>> -> memref<!tpu.dma_semaphore, #tpu.memory_space<semaphore_mem>>
    tpu.enqueue_indirect_dma source(%dma_start3A_84 : memref<10000x128xf32, #tpu.memory_space<hbm>>) target(%arg19 : memref<112x128xf32, #tpu.memory_space<vmem>>) offsets(%arg7 : memref<112xi32, #tpu.memory_space<vmem>>) semaphore(%dma_start3A_86 : memref<!tpu.dma_semaphore, #tpu.memory_space<semaphore_mem>>)
    %broadcast_in_dim3A = arith.constant 0.000000e+00 : f32
    %broadcast_in_dim3A_87 = vector.broadcast %broadcast_in_dim3A : f32 to vector<16xf32>
    %scan3A = arith.constant 0 : i32
    %scan3A_88 = arith.constant 0 : i32
    %scan3A_89 = arith.constant 112 : i32
    %scan3A_90 = arith.addi %scan3A_88, %scan3A_89 : i32
    %scan3A_91 = arith.constant 1 : i32
    %scan3A_92 = scf.for %scan3A_130 = %scan3A_88 to %scan3A_90 step %scan3A_91 iter_args(%scan3A_131 = %scan3A) -> (i32)  : i32 {
      %scan3A_132 = arith.constant 0 : i32
      %scan3A_133 = arith.constant 0 : i32
      %scan3A_134 = arith.constant 8 : i32
      %scan3A_135 = arith.addi %scan3A_133, %scan3A_134 : i32
      %scan3A_136 = arith.constant 1 : i32
      %scan3A_137 = scf.for %scan3A_139 = %scan3A_133 to %scan3A_135 step %scan3A_136 iter_args(%scan3A_140 = %scan3A_132) -> (i32)  : i32 {
        %mul3A_141 = arith.constant 16 : i32
        %mul3A_142 = arith.muli %scan3A_139, %mul3A_141 : i32
        %swap3A = arith.index_cast %scan3A_130 : i32 to index
        %swap3A_143 = arith.index_cast %mul3A_142 : i32 to index
        %swap3A_144 = tpu.vector_load %arg20[%swap3A, %swap3A_143] {strides = array<i32>} : memref<112x128xf32, #tpu.memory_space<vmem>>, vector<1x16xf32>,
        %swap3A_145 = vector.shape_cast %swap3A_144 : vector<1x16xf32> to vector<16xf32>
        %swap3A_146 = vector.shape_cast %broadcast_in_dim3A_87 : vector<16xf32> to vector<1x16xf32>
        tpu.vector_store %arg20[%swap3A, %swap3A_143], %swap3A_146 {strides = array<i32>} : memref<112x128xf32, #tpu.memory_space<vmem>>, vector<1x16xf32>,
        %scan3A_147 = arith.constant 0 : i32
        scf.yield %scan3A_147 : i32
      }
      %scan3A_138 = arith.constant 8 : i32
      scf.yield %scan3A_137 : i32
    }
    %scan3A_93 = arith.constant 112 : i32
    %scan3A_94 = arith.constant 0 : i32
    %scan3A_95 = arith.constant 0 : i32
    %scan3A_96 = arith.constant 5 : i32
    %scan3A_97 = arith.addi %scan3A_95, %scan3A_96 : i32
    %scan3A_98 = arith.constant 1 : i32
    %scan3A_99 = scf.for %scan3A_130 = %scan3A_95 to %scan3A_97 step %scan3A_98 iter_args(%scan3A_131 = %scan3A_94) -> (i32)  : i32 {
      %mul3A_132 = arith.constant 624 : i32
      %mul3A_133 = arith.muli %arg1, %mul3A_132 : i32
      %mul3A_134 = arith.constant 112 : i32
      %mul3A_135 = arith.muli %scan3A_130, %mul3A_134 : i32
      %add3A_136 = arith.addi %mul3A_133, %mul3A_135 : i32
      "tpu.region"() ({
        %run_scoped3A = tpu.sem_alloc : memref<!tpu.dma_semaphore, #tpu.memory_space<semaphore_mem>>
        %dma_start3A_138 = arith.constant 0 : i32
        %dma_start3A_139 = tpu.memref_slice %arg21[%add3A_136, %dma_start3A_138] : memref<10512x128xf32, #tpu.memory_space<vmem_shared>> -> memref<112x128xf32, #tpu.memory_space<vmem_shared>>
        %dma_start3A_140 = arith.constant 0 : i32
        %dma_start3A_141 = tpu.memref_slice %arg21[%add3A_136, %dma_start3A_140] : memref<10512x128xf32, #tpu.memory_space<vmem_shared>> -> memref<112x128xf32, #tpu.memory_space<vmem_shared>>
        tpu.enqueue_dma source(%arg20 : memref<112x128xf32, #tpu.memory_space<vmem>>) target(%dma_start3A_141 : memref<112x128xf32, #tpu.memory_space<vmem_shared>>) target_semaphore(%run_scoped3A : memref<!tpu.dma_semaphore, #tpu.memory_space<semaphore_mem>>)
        %dma_wait3A_142 = arith.constant 0 : i32
        %dma_wait3A_143 = tpu.memref_slice %arg21[%add3A_136, %dma_wait3A_142] : memref<10512x128xf32, #tpu.memory_space<vmem_shared>> -> memref<112x128xf32, #tpu.memory_space<vmem_shared>>
        %dma_wait3A_144 = arith.constant 0 : i32
        %dma_wait3A_145 = tpu.memref_slice %arg21[%add3A_136, %dma_wait3A_144] : memref<10512x128xf32, #tpu.memory_space<vmem_shared>> -> memref<112x128xf32, #tpu.memory_space<vmem_shared>>
        tpu.wait_dma2 semaphore(%run_scoped3A : memref<!tpu.dma_semaphore, #tpu.memory_space<semaphore_mem>>) src(%arg20 : memref<112x128xf32, #tpu.memory_space<vmem>>) dst(%dma_wait3A_145 : memref<112x128xf32, #tpu.memory_space<vmem_shared>>)
        tpu.yield
      }) : () -> ()
      %scan3A_137 = arith.constant 0 : i32
      scf.yield %scan3A_137 : i32
    }
    %scan3A_100 = arith.constant 5 : i32
    %mul3A_101 = arith.constant 624 : i32
    %mul3A_102 = arith.muli %arg1, %mul3A_101 : i32
    %add3A_103 = arith.constant 560 : i32
    %add3A_104 = arith.addi %mul3A_102, %add3A_103 : i32
    "tpu.region"() ({
      %run_scoped3A = tpu.sem_alloc : memref<!tpu.dma_semaphore, #tpu.memory_space<semaphore_mem>>
      %dma_start3A_130 = arith.constant 0 : i32
      %dma_start3A_131 = arith.constant 0 : i32
      %dma_start3A_132 = tpu.memref_slice %arg20[%dma_start3A_130, %dma_start3A_131] : memref<112x128xf32, #tpu.memory_space<vmem>> -> memref<64x128xf32, #tpu.memory_space<vmem>>
      %dma_start3A_133 = arith.constant 0 : i32
      %dma_start3A_134 = tpu.memref_slice %arg21[%add3A_104, %dma_start3A_133] : memref<10512x128xf32, #tpu.memory_space<vmem_shared>> -> memref<64x128xf32, #tpu.memory_space<vmem_shared>>
      %dma_start3A_135 = arith.constant 0 : i32
      %dma_start3A_136 = tpu.memref_slice %arg21[%add3A_104, %dma_start3A_135] : memref<10512x128xf32, #tpu.memory_space<vmem_shared>> -> memref<64x128xf32, #tpu.memory_space<vmem_shared>>
      %dma_start3A_137 = arith.constant 0 : i32
      %dma_start3A_138 = arith.constant 0 : i32
      %dma_start3A_139 = tpu.memref_slice %arg20[%dma_start3A_137, %dma_start3A_138] : memref<112x128xf32, #tpu.memory_space<vmem>> -> memref<64x128xf32, #tpu.memory_space<vmem>>
      tpu.enqueue_dma source(%dma_start3A_139 : memref<64x128xf32, #tpu.memory_space<vmem>>) target(%dma_start3A_136 : memref<64x128xf32, #tpu.memory_space<vmem_shared>>) target_semaphore(%run_scoped3A : memref<!tpu.dma_semaphore, #tpu.memory_space<semaphore_mem>>)
      %dma_wait3A_140 = arith.constant 0 : i32
      %dma_wait3A_141 = arith.constant 0 : i32
      %dma_wait3A_142 = tpu.memref_slice %arg20[%dma_wait3A_140, %dma_wait3A_141] : memref<112x128xf32, #tpu.memory_space<vmem>> -> memref<64x128xf32, #tpu.memory_space<vmem>>
      %dma_wait3A_143 = arith.constant 0 : i32
      %dma_wait3A_144 = tpu.memref_slice %arg21[%add3A_104, %dma_wait3A_143] : memref<10512x128xf32, #tpu.memory_space<vmem_shared>> -> memref<64x128xf32, #tpu.memory_space<vmem_shared>>
      %dma_wait3A_145 = arith.constant 0 : i32
      %dma_wait3A_146 = tpu.memref_slice %arg21[%add3A_104, %dma_wait3A_145] : memref<10512x128xf32, #tpu.memory_space<vmem_shared>> -> memref<64x128xf32, #tpu.memory_space<vmem_shared>>
      %dma_wait3A_147 = arith.constant 0 : i32
      %dma_wait3A_148 = arith.constant 0 : i32
      %dma_wait3A_149 = tpu.memref_slice %arg20[%dma_wait3A_147, %dma_wait3A_148] : memref<112x128xf32, #tpu.memory_space<vmem>> -> memref<64x128xf32, #tpu.memory_space<vmem>>
      tpu.wait_dma2 semaphore(%run_scoped3A : memref<!tpu.dma_semaphore, #tpu.memory_space<semaphore_mem>>) src(%dma_wait3A_149 : memref<64x128xf32, #tpu.memory_space<vmem>>) dst(%dma_wait3A_146 : memref<64x128xf32, #tpu.memory_space<vmem_shared>>)
      tpu.yield
    }) : () -> ()
    %eq3A = arith.constant 15 : i32
    %eq3A_105 = arith.cmpi eq, %arg1, %eq3A : i32
    %convert_element_type3A = arith.extui %eq3A_105 : i1 to i32
    %cond3A = arith.constant 0 : i32
    %cond3A_106 = arith.cmpi ne, %convert_element_type3A, %cond3A : i32
    scf.if %cond3A_106 {
      "tpu.region"() ({
        %run_scoped3A = tpu.sem_alloc : memref<!tpu.dma_semaphore, #tpu.memory_space<semaphore_mem>>
        %dma_start3A_130 = arith.constant 0 : i32
        %dma_start3A_131 = arith.constant 0 : i32
        %dma_start3A_132 = tpu.memref_slice %arg20[%dma_start3A_130, %dma_start3A_131] : memref<112x128xf32, #tpu.memory_space<vmem>> -> memref<16x128xf32, #tpu.memory_space<vmem>>
        %dma_start3A_133 = arith.constant 9984 : i32
        %dma_start3A_134 = arith.constant 0 : i32
        %dma_start3A_135 = tpu.memref_slice %arg21[%dma_start3A_133, %dma_start3A_134] : memref<10512x128xf32, #tpu.memory_space<vmem_shared>> -> memref<16x128xf32, #tpu.memory_space<vmem_shared>>
        %dma_start3A_136 = arith.constant 9984 : i32
        %dma_start3A_137 = arith.constant 0 : i32
        %dma_start3A_138 = tpu.memref_slice %arg21[%dma_start3A_136, %dma_start3A_137] : memref<10512x128xf32, #tpu.memory_space<vmem_shared>> -> memref<16x128xf32, #tpu.memory_space<vmem_shared>>
        %dma_start3A_139 = arith.constant 0 : i32
        %dma_start3A_140 = arith.constant 0 : i32
        %dma_start3A_141 = tpu.memref_slice %arg20[%dma_start3A_139, %dma_start3A_140] : memref<112x128xf32, #tpu.memory_space<vmem>> -> memref<16x128xf32, #tpu.memory_space<vmem>>
        tpu.enqueue_dma source(%dma_start3A_141 : memref<16x128xf32, #tpu.memory_space<vmem>>) target(%dma_start3A_138 : memref<16x128xf32, #tpu.memory_space<vmem_shared>>) target_semaphore(%run_scoped3A : memref<!tpu.dma_semaphore, #tpu.memory_space<semaphore_mem>>)
        %dma_wait3A_142 = arith.constant 0 : i32
        %dma_wait3A_143 = arith.constant 0 : i32
        %dma_wait3A_144 = tpu.memref_slice %arg20[%dma_wait3A_142, %dma_wait3A_143] : memref<112x128xf32, #tpu.memory_space<vmem>> -> memref<16x128xf32, #tpu.memory_space<vmem>>
        %dma_wait3A_145 = arith.constant 9984 : i32
        %dma_wait3A_146 = arith.constant 0 : i32
        %dma_wait3A_147 = tpu.memref_slice %arg21[%dma_wait3A_145, %dma_wait3A_146] : memref<10512x128xf32, #tpu.memory_space<vmem_shared>> -> memref<16x128xf32, #tpu.memory_space<vmem_shared>>
        %dma_wait3A_148 = arith.constant 9984 : i32
        %dma_wait3A_149 = arith.constant 0 : i32
        %dma_wait3A_150 = tpu.memref_slice %arg21[%dma_wait3A_148, %dma_wait3A_149] : memref<10512x128xf32, #tpu.memory_space<vmem_shared>> -> memref<16x128xf32, #tpu.memory_space<vmem_shared>>
        %dma_wait3A_151 = arith.constant 0 : i32
        %dma_wait3A_152 = arith.constant 0 : i32
        %dma_wait3A_153 = tpu.memref_slice %arg20[%dma_wait3A_151, %dma_wait3A_152] : memref<112x128xf32, #tpu.memory_space<vmem>> -> memref<16x128xf32, #tpu.memory_space<vmem>>
        tpu.wait_dma2 semaphore(%run_scoped3A : memref<!tpu.dma_semaphore, #tpu.memory_space<semaphore_mem>>) src(%dma_wait3A_153 : memref<16x128xf32, #tpu.memory_space<vmem>>) dst(%dma_wait3A_150 : memref<16x128xf32, #tpu.memory_space<vmem_shared>>)
        tpu.yield
      }) : () -> ()
    } else {
    }
    %barrier3A = arith.constant 0 : index
    tpu.barrier barrier_id(%barrier3A)
    %scan3A_107 = arith.constant 0 : i32
    %scan3A_108 = arith.constant 0 : i32
    %scan3A_109 = arith.constant 15 : i32
    %scan3A_110 = arith.addi %scan3A_108, %scan3A_109 : i32
    %scan3A_111 = arith.constant 1 : i32
    %scan3A_112 = scf.for %scan3A_130 = %scan3A_108 to %scan3A_110 step %scan3A_111 iter_args(%scan3A_131 = %scan3A_107) -> (i32)  : i32 {
      %mul3A_132 = arith.constant 6 : i32
      %mul3A_133 = arith.muli %mul3A_132, %scan3A_130 : i32
      %add3A_134 = arith.constant 0 : i32
      %add3A_135 = arith.addi %mul3A_133, %add3A_134 : i32
      %mul3A_136 = arith.constant 112 : i32
      %mul3A_137 = arith.muli %add3A_135, %mul3A_136 : i32
      %add3A_138 = arith.addi %mul3A_4, %mul3A_137 : i32
      %dma_wait3A_139 = arith.constant 0 : i32
      %dma_wait3A_140 = arith.constant 0 : i32
      %dma_wait3A_141 = arith.constant 0 : i32
      %dma_wait3A_142 = tpu.memref_slice %arg2[%dma_wait3A_140, %dma_wait3A_141] : memref<10000x128xf32, #tpu.memory_space<hbm>> -> memref<10000x128xf32, #tpu.memory_space<hbm>>
      %dma_wait3A_143 = tpu.memref_slice %arg22[%dma_wait3A_139] : memref<3x!tpu.dma_semaphore, #tpu.memory_space<semaphore_mem>> -> memref<1x!tpu.dma_semaphore, #tpu.memory_space<semaphore_mem>>
      %dma_wait3A_144 = tpu.memref_squeeze %dma_wait3A_143 : memref<1x!tpu.dma_semaphore, #tpu.memory_space<semaphore_mem>> -> memref<!tpu.dma_semaphore, #tpu.memory_space<semaphore_mem>>
      tpu.wait_indirect_dma semaphore(%dma_wait3A_144 : memref<!tpu.dma_semaphore, #tpu.memory_space<semaphore_mem>>) src(%dma_wait3A_142 : memref<10000x128xf32, #tpu.memory_space<hbm>>) dst(%arg18 : memref<112x128xf32, #tpu.memory_space<vmem>>)
      %dma_start3A_145 = arith.constant 0 : i32
      %dma_start3A_146 = arith.constant 0 : i32
      %dma_start3A_147 = arith.constant 0 : i32
      %dma_start3A_148 = tpu.memref_slice %arg21[%dma_start3A_146, %dma_start3A_147] : memref<10512x128xf32, #tpu.memory_space<vmem_shared>> -> memref<10512x128xf32, #tpu.memory_space<vmem_shared>>
      %dma_start3A_149 = tpu.memref_slice %arg23[%dma_start3A_145] : memref<3x!tpu.dma_semaphore, #tpu.memory_space<semaphore_mem>> -> memref<1x!tpu.dma_semaphore, #tpu.memory_space<semaphore_mem>>
      %dma_start3A_150 = tpu.memref_squeeze %dma_start3A_149 : memref<1x!tpu.dma_semaphore, #tpu.memory_space<semaphore_mem>> -> memref<!tpu.dma_semaphore, #tpu.memory_space<semaphore_mem>>
      tpu.enqueue_indirect_dma source(%arg18 : memref<112x128xf32, #tpu.memory_space<vmem>>) target(%dma_start3A_148 : memref<10512x128xf32, #tpu.memory_space<vmem_shared>>) offsets(%arg12 : memref<112xi32, #tpu.memory_space<vmem>>) semaphore(%dma_start3A_150 : memref<!tpu.dma_semaphore, #tpu.memory_space<semaphore_mem>>) {add = true}
      %gt3A = arith.constant 0 : i32
      %gt3A_151 = arith.cmpi sgt, %scan3A_130, %gt3A : i32
      %convert_element_type3A_152 = arith.extui %gt3A_151 : i1 to i32
      %cond3A_153 = arith.constant 0 : i32
      %cond3A_154 = arith.cmpi ne, %convert_element_type3A_152, %cond3A_153 : i32
      scf.if %cond3A_154 {
        %dma_wait3A_406 = arith.constant 2 : i32
        %dma_wait3A_407 = arith.constant 0 : i32
        %dma_wait3A_408 = arith.constant 0 : i32
        %dma_wait3A_409 = tpu.memref_slice %arg21[%dma_wait3A_407, %dma_wait3A_408] : memref<10512x128xf32, #tpu.memory_space<vmem_shared>> -> memref<10512x128xf32, #tpu.memory_space<vmem_shared>>
        %dma_wait3A_410 = tpu.memref_slice %arg23[%dma_wait3A_406] : memref<3x!tpu.dma_semaphore, #tpu.memory_space<semaphore_mem>> -> memref<1x!tpu.dma_semaphore, #tpu.memory_space<semaphore_mem>>
        %dma_wait3A_411 = tpu.memref_squeeze %dma_wait3A_410 : memref<1x!tpu.dma_semaphore, #tpu.memory_space<semaphore_mem>> -> memref<!tpu.dma_semaphore, #tpu.memory_space<semaphore_mem>>
        tpu.wait_indirect_dma semaphore(%dma_wait3A_411 : memref<!tpu.dma_semaphore, #tpu.memory_space<semaphore_mem>>) src(%arg20 : memref<112x128xf32, #tpu.memory_space<vmem>>) dst(%dma_wait3A_409 : memref<10512x128xf32, #tpu.memory_space<vmem_shared>>)
      } else {
      }
      %add3A_155 = arith.constant 224 : i32
      %add3A_156 = arith.addi %add3A_138, %add3A_155 : i32
      %dma_wait3A_157 = arith.constant 2 : i32
      %dma_wait3A_158 = tpu.memref_slice %arg3[%add3A_156] : memref<322560xi32, #tpu.memory_space<hbm>> -> memref<112xi32, #tpu.memory_space<hbm>>
      %dma_wait3A_159 = tpu.memref_slice %arg24[%dma_wait3A_157] : memref<6x!tpu.dma_semaphore, #tpu.memory_space<semaphore_mem>> -> memref<1x!tpu.dma_semaphore, #tpu.memory_space<semaphore_mem>>
      %dma_wait3A_160 = tpu.memref_squeeze %dma_wait3A_159 : memref<1x!tpu.dma_semaphore, #tpu.memory_space<semaphore_mem>> -> memref<!tpu.dma_semaphore, #tpu.memory_space<semaphore_mem>>
      %dma_wait3A_161 = tpu.memref_slice %arg3[%add3A_156] : memref<322560xi32, #tpu.memory_space<hbm>> -> memref<112xi32, #tpu.memory_space<hbm>>
      tpu.wait_dma2 semaphore(%dma_wait3A_160 : memref<!tpu.dma_semaphore, #tpu.memory_space<semaphore_mem>>) src(%dma_wait3A_161 : memref<112xi32, #tpu.memory_space<hbm>>) dst(%arg8 : memref<112xi32, #tpu.memory_space<vmem>>)
      %dma_wait3A_162 = arith.constant 2 : i32
      %dma_wait3A_163 = tpu.memref_slice %arg4[%add3A_156] : memref<322560xi32, #tpu.memory_space<hbm>> -> memref<112xi32, #tpu.memory_space<hbm>>
      %dma_wait3A_164 = tpu.memref_slice %arg25[%dma_wait3A_162] : memref<6x!tpu.dma_semaphore, #tpu.memory_space<semaphore_mem>> -> memref<1x!tpu.dma_semaphore, #tpu.memory_space<semaphore_mem>>
      %dma_wait3A_165 = tpu.memref_squeeze %dma_wait3A_164 : memref<1x!tpu.dma_semaphore, #tpu.memory_space<semaphore_mem>> -> memref<!tpu.dma_semaphore, #tpu.memory_space<semaphore_mem>>
      %dma_wait3A_166 = tpu.memref_slice %arg4[%add3A_156] : memref<322560xi32, #tpu.memory_space<hbm>> -> memref<112xi32, #tpu.memory_space<hbm>>
      tpu.wait_dma2 semaphore(%dma_wait3A_165 : memref<!tpu.dma_semaphore, #tpu.memory_space<semaphore_mem>>) src(%dma_wait3A_166 : memref<112xi32, #tpu.memory_space<hbm>>) dst(%arg14 : memref<112xi32, #tpu.memory_space<vmem>>)
      %dma_start3A_167 = arith.constant 2 : i32
      %dma_start3A_168 = arith.constant 0 : i32
      %dma_start3A_169 = arith.constant 0 : i32
      %dma_start3A_170 = tpu.memref_slice %arg2[%dma_start3A_168, %dma_start3A_169] : memref<10000x128xf32, #tpu.memory_space<hbm>> -> memref<10000x128xf32, #tpu.memory_space<hbm>>
      %dma_start3A_171 = tpu.memref_slice %arg22[%dma_start3A_167] : memref<3x!tpu.dma_semaphore, #tpu.memory_space<semaphore_mem>> -> memref<1x!tpu.dma_semaphore, #tpu.memory_space<semaphore_mem>>
      %dma_start3A_172 = tpu.memref_squeeze %dma_start3A_171 : memref<1x!tpu.dma_semaphore, #tpu.memory_space<semaphore_mem>> -> memref<!tpu.dma_semaphore, #tpu.memory_space<semaphore_mem>>
      tpu.enqueue_indirect_dma source(%dma_start3A_170 : memref<10000x128xf32, #tpu.memory_space<hbm>>) target(%arg20 : memref<112x128xf32, #tpu.memory_space<vmem>>) offsets(%arg8 : memref<112xi32, #tpu.memory_space<vmem>>) semaphore(%dma_start3A_172 : memref<!tpu.dma_semaphore, #tpu.memory_space<semaphore_mem>>)
      %add3A_173 = arith.constant 448 : i32
      %add3A_174 = arith.addi %add3A_138, %add3A_173 : i32
      %dma_start3A_175 = arith.constant 4 : i32
      %dma_start3A_176 = tpu.memref_slice %arg3[%add3A_174] : memref<322560xi32, #tpu.memory_space<hbm>> -> memref<112xi32, #tpu.memory_space<hbm>>
      %dma_start3A_177 = tpu.memref_slice %arg24[%dma_start3A_175] : memref<6x!tpu.dma_semaphore, #tpu.memory_space<semaphore_mem>> -> memref<1x!tpu.dma_semaphore, #tpu.memory_space<semaphore_mem>>
      %dma_start3A_178 = tpu.memref_squeeze %dma_start3A_177 : memref<1x!tpu.dma_semaphore, #tpu.memory_space<semaphore_mem>> -> memref<!tpu.dma_semaphore, #tpu.memory_space<semaphore_mem>>
      %dma_start3A_179 = tpu.memref_slice %arg3[%add3A_174] : memref<322560xi32, #tpu.memory_space<hbm>> -> memref<112xi32, #tpu.memory_space<hbm>>
      tpu.enqueue_dma source(%dma_start3A_179 : memref<112xi32, #tpu.memory_space<hbm>>) target(%arg10 : memref<112xi32, #tpu.memory_space<vmem>>) target_semaphore(%dma_start3A_178 : memref<!tpu.dma_semaphore, #tpu.memory_space<semaphore_mem>>)
      %dma_start3A_180 = arith.constant 4 : i32
      %dma_start3A_181 = tpu.memref_slice %arg4[%add3A_174] : memref<322560xi32, #tpu.memory_space<hbm>> -> memref<112xi32, #tpu.memory_space<hbm>>
      %dma_start3A_182 = tpu.memref_slice %arg25[%dma_start3A_180] : memref<6x!tpu.dma_semaphore, #tpu.memory_space<semaphore_mem>> -> memref<1x!tpu.dma_semaphore, #tpu.memory_space<semaphore_mem>>
      %dma_start3A_183 = tpu.memref_squeeze %dma_start3A_182 : memref<1x!tpu.dma_semaphore, #tpu.memory_space<semaphore_mem>> -> memref<!tpu.dma_semaphore, #tpu.memory_space<semaphore_mem>>
      %dma_start3A_184 = tpu.memref_slice %arg4[%add3A_174] : memref<322560xi32, #tpu.memory_space<hbm>> -> memref<112xi32, #tpu.memory_space<hbm>>
      tpu.enqueue_dma source(%dma_start3A_184 : memref<112xi32, #tpu.memory_space<hbm>>) target(%arg16 : memref<112xi32, #tpu.memory_space<vmem>>) target_semaphore(%dma_start3A_183 : memref<!tpu.dma_semaphore, #tpu.memory_space<semaphore_mem>>)
      %mul3A_185 = arith.constant 6 : i32
      %mul3A_186 = arith.muli %mul3A_185, %scan3A_130 : i32
      %add3A_187 = arith.constant 1 : i32
      %add3A_188 = arith.addi %mul3A_186, %add3A_187 : i32
      %mul3A_189 = arith.constant 112 : i32
      %mul3A_190 = arith.muli %add3A_188, %mul3A_189 : i32
      %add3A_191 = arith.addi %mul3A_4, %mul3A_190 : i32
      %dma_wait3A_192 = arith.constant 1 : i32
      %dma_wait3A_193 = arith.constant 0 : i32
      %dma_wait3A_194 = arith.constant 0 : i32
      %dma_wait3A_195 = tpu.memref_slice %arg2[%dma_wait3A_193, %dma_wait3A_194] : memref<10000x128xf32, #tpu.memory_space<hbm>> -> memref<10000x128xf32, #tpu.memory_space<hbm>>
      %dma_wait3A_196 = tpu.memref_slice %arg22[%dma_wait3A_192] : memref<3x!tpu.dma_semaphore, #tpu.memory_space<semaphore_mem>> -> memref<1x!tpu.dma_semaphore, #tpu.memory_space<semaphore_mem>>
      %dma_wait3A_197 = tpu.memref_squeeze %dma_wait3A_196 : memref<1x!tpu.dma_semaphore, #tpu.memory_space<semaphore_mem>> -> memref<!tpu.dma_semaphore, #tpu.memory_space<semaphore_mem>>
      tpu.wait_indirect_dma semaphore(%dma_wait3A_197 : memref<!tpu.dma_semaphore, #tpu.memory_space<semaphore_mem>>) src(%dma_wait3A_195 : memref<10000x128xf32, #tpu.memory_space<hbm>>) dst(%arg19 : memref<112x128xf32, #tpu.memory_space<vmem>>)
      %dma_start3A_198 = arith.constant 1 : i32
      %dma_start3A_199 = arith.constant 0 : i32
      %dma_start3A_200 = arith.constant 0 : i32
      %dma_start3A_201 = tpu.memref_slice %arg21[%dma_start3A_199, %dma_start3A_200] : memref<10512x128xf32, #tpu.memory_space<vmem_shared>> -> memref<10512x128xf32, #tpu.memory_space<vmem_shared>>
      %dma_start3A_202 = tpu.memref_slice %arg23[%dma_start3A_198] : memref<3x!tpu.dma_semaphore, #tpu.memory_space<semaphore_mem>> -> memref<1x!tpu.dma_semaphore, #tpu.memory_space<semaphore_mem>>
      %dma_start3A_203 = tpu.memref_squeeze %dma_start3A_202 : memref<1x!tpu.dma_semaphore, #tpu.memory_space<semaphore_mem>> -> memref<!tpu.dma_semaphore, #tpu.memory_space<semaphore_mem>>
      tpu.enqueue_indirect_dma source(%arg19 : memref<112x128xf32, #tpu.memory_space<vmem>>) target(%dma_start3A_201 : memref<10512x128xf32, #tpu.memory_space<vmem_shared>>) offsets(%arg13 : memref<112xi32, #tpu.memory_space<vmem>>) semaphore(%dma_start3A_203 : memref<!tpu.dma_semaphore, #tpu.memory_space<semaphore_mem>>) {add = true}
      %dma_wait3A_204 = arith.constant 0 : i32
      %dma_wait3A_205 = arith.constant 0 : i32
      %dma_wait3A_206 = arith.constant 0 : i32
      %dma_wait3A_207 = tpu.memref_slice %arg21[%dma_wait3A_205, %dma_wait3A_206] : memref<10512x128xf32, #tpu.memory_space<vmem_shared>> -> memref<10512x128xf32, #tpu.memory_space<vmem_shared>>
      %dma_wait3A_208 = tpu.memref_slice %arg23[%dma_wait3A_204] : memref<3x!tpu.dma_semaphore, #tpu.memory_space<semaphore_mem>> -> memref<1x!tpu.dma_semaphore, #tpu.memory_space<semaphore_mem>>
      %dma_wait3A_209 = tpu.memref_squeeze %dma_wait3A_208 : memref<1x!tpu.dma_semaphore, #tpu.memory_space<semaphore_mem>> -> memref<!tpu.dma_semaphore, #tpu.memory_space<semaphore_mem>>
      tpu.wait_indirect_dma semaphore(%dma_wait3A_209 : memref<!tpu.dma_semaphore, #tpu.memory_space<semaphore_mem>>) src(%arg18 : memref<112x128xf32, #tpu.memory_space<vmem>>) dst(%dma_wait3A_207 : memref<10512x128xf32, #tpu.memory_space<vmem_shared>>)
      %add3A_210 = arith.constant 224 : i32
      %add3A_211 = arith.addi %add3A_191, %add3A_210 : i32
      %dma_wait3A_212 = arith.constant 3 : i32
      %dma_wait3A_213 = tpu.memref_slice %arg3[%add3A_211] : memref<322560xi32, #tpu.memory_space<hbm>> -> memref<112xi32, #tpu.memory_space<hbm>>
      %dma_wait3A_214 = tpu.memref_slice %arg24[%dma_wait3A_212] : memref<6x!tpu.dma_semaphore, #tpu.memory_space<semaphore_mem>> -> memref<1x!tpu.dma_semaphore, #tpu.memory_space<semaphore_mem>>
      %dma_wait3A_215 = tpu.memref_squeeze %dma_wait3A_214 : memref<1x!tpu.dma_semaphore, #tpu.memory_space<semaphore_mem>> -> memref<!tpu.dma_semaphore, #tpu.memory_space<semaphore_mem>>
      %dma_wait3A_216 = tpu.memref_slice %arg3[%add3A_211] : memref<322560xi32, #tpu.memory_space<hbm>> -> memref<112xi32, #tpu.memory_space<hbm>>
      tpu.wait_dma2 semaphore(%dma_wait3A_215 : memref<!tpu.dma_semaphore, #tpu.memory_space<semaphore_mem>>) src(%dma_wait3A_216 : memref<112xi32, #tpu.memory_space<hbm>>) dst(%arg9 : memref<112xi32, #tpu.memory_space<vmem>>)
      %dma_wait3A_217 = arith.constant 3 : i32
      %dma_wait3A_218 = tpu.memref_slice %arg4[%add3A_211] : memref<322560xi32, #tpu.memory_space<hbm>> -> memref<112xi32, #tpu.memory_space<hbm>>
      %dma_wait3A_219 = tpu.memref_slice %arg25[%dma_wait3A_217] : memref<6x!tpu.dma_semaphore, #tpu.memory_space<semaphore_mem>> -> memref<1x!tpu.dma_semaphore, #tpu.memory_space<semaphore_mem>>
      %dma_wait3A_220 = tpu.memref_squeeze %dma_wait3A_219 : memref<1x!tpu.dma_semaphore, #tpu.memory_space<semaphore_mem>> -> memref<!tpu.dma_semaphore, #tpu.memory_space<semaphore_mem>>
      %dma_wait3A_221 = tpu.memref_slice %arg4[%add3A_211] : memref<322560xi32, #tpu.memory_space<hbm>> -> memref<112xi32, #tpu.memory_space<hbm>>
      tpu.wait_dma2 semaphore(%dma_wait3A_220 : memref<!tpu.dma_semaphore, #tpu.memory_space<semaphore_mem>>) src(%dma_wait3A_221 : memref<112xi32, #tpu.memory_space<hbm>>) dst(%arg15 : memref<112xi32, #tpu.memory_space<vmem>>)
      %dma_start3A_222 = arith.constant 0 : i32
      %dma_start3A_223 = arith.constant 0 : i32
      %dma_start3A_224 = arith.constant 0 : i32
      %dma_start3A_225 = tpu.memref_slice %arg2[%dma_start3A_223, %dma_start3A_224] : memref<10000x128xf32, #tpu.memory_space<hbm>> -> memref<10000x128xf32, #tpu.memory_space<hbm>>
      %dma_start3A_226 = tpu.memref_slice %arg22[%dma_start3A_222] : memref<3x!tpu.dma_semaphore, #tpu.memory_space<semaphore_mem>> -> memref<1x!tpu.dma_semaphore, #tpu.memory_space<semaphore_mem>>
      %dma_start3A_227 = tpu.memref_squeeze %dma_start3A_226 : memref<1x!tpu.dma_semaphore, #tpu.memory_space<semaphore_mem>> -> memref<!tpu.dma_semaphore, #tpu.memory_space<semaphore_mem>>
      tpu.enqueue_indirect_dma source(%dma_start3A_225 : memref<10000x128xf32, #tpu.memory_space<hbm>>) target(%arg18 : memref<112x128xf32, #tpu.memory_space<vmem>>) offsets(%arg9 : memref<112xi32, #tpu.memory_space<vmem>>) semaphore(%dma_start3A_227 : memref<!tpu.dma_semaphore, #tpu.memory_space<semaphore_mem>>)
      %add3A_228 = arith.constant 448 : i32
      %add3A_229 = arith.addi %add3A_191, %add3A_228 : i32
      %dma_start3A_230 = arith.constant 5 : i32
      %dma_start3A_231 = tpu.memref_slice %arg3[%add3A_229] : memref<322560xi32, #tpu.memory_space<hbm>> -> memref<112xi32, #tpu.memory_space<hbm>>
      %dma_start3A_232 = tpu.memref_slice %arg24[%dma_start3A_230] : memref<6x!tpu.dma_semaphore, #tpu.memory_space<semaphore_mem>> -> memref<1x!tpu.dma_semaphore, #tpu.memory_space<semaphore_mem>>
      %dma_start3A_233 = tpu.memref_squeeze %dma_start3A_232 : memref<1x!tpu.dma_semaphore, #tpu.memory_space<semaphore_mem>> -> memref<!tpu.dma_semaphore, #tpu.memory_space<semaphore_mem>>
      %dma_start3A_234 = tpu.memref_slice %arg3[%add3A_229] : memref<322560xi32, #tpu.memory_space<hbm>> -> memref<112xi32, #tpu.memory_space<hbm>>
      tpu.enqueue_dma source(%dma_start3A_234 : memref<112xi32, #tpu.memory_space<hbm>>) target(%arg11 : memref<112xi32, #tpu.memory_space<vmem>>) target_semaphore(%dma_start3A_233 : memref<!tpu.dma_semaphore, #tpu.memory_space<semaphore_mem>>)
      %dma_start3A_235 = arith.constant 5 : i32
      %dma_start3A_236 = tpu.memref_slice %arg4[%add3A_229] : memref<322560xi32, #tpu.memory_space<hbm>> -> memref<112xi32, #tpu.memory_space<hbm>>
      %dma_start3A_237 = tpu.memref_slice %arg25[%dma_start3A_235] : memref<6x!tpu.dma_semaphore, #tpu.memory_space<semaphore_mem>> -> memref<1x!tpu.dma_semaphore, #tpu.memory_space<semaphore_mem>>
      %dma_start3A_238 = tpu.memref_squeeze %dma_start3A_237 : memref<1x!tpu.dma_semaphore, #tpu.memory_space<semaphore_mem>> -> memref<!tpu.dma_semaphore, #tpu.memory_space<semaphore_mem>>
      %dma_start3A_239 = tpu.memref_slice %arg4[%add3A_229] : memref<322560xi32, #tpu.memory_space<hbm>> -> memref<112xi32, #tpu.memory_space<hbm>>
      tpu.enqueue_dma source(%dma_start3A_239 : memref<112xi32, #tpu.memory_space<hbm>>) target(%arg17 : memref<112xi32, #tpu.memory_space<vmem>>) target_semaphore(%dma_start3A_238 : memref<!tpu.dma_semaphore, #tpu.memory_space<semaphore_mem>>)
      %mul3A_240 = arith.constant 6 : i32
      %mul3A_241 = arith.muli %mul3A_240, %scan3A_130 : i32
      %add3A_242 = arith.constant 2 : i32
      %add3A_243 = arith.addi %mul3A_241, %add3A_242 : i32
      %mul3A_244 = arith.constant 112 : i32
      %mul3A_245 = arith.muli %add3A_243, %mul3A_244 : i32
      %add3A_246 = arith.addi %mul3A_4, %mul3A_245 : i32
      %dma_wait3A_247 = arith.constant 2 : i32
      %dma_wait3A_248 = arith.constant 0 : i32
      %dma_wait3A_249 = arith.constant 0 : i32
      %dma_wait3A_250 = tpu.memref_slice %arg2[%dma_wait3A_248, %dma_wait3A_249] : memref<10000x128xf32, #tpu.memory_space<hbm>> -> memref<10000x128xf32, #tpu.memory_space<hbm>>
      %dma_wait3A_251 = tpu.memref_slice %arg22[%dma_wait3A_247] : memref<3x!tpu.dma_semaphore, #tpu.memory_space<semaphore_mem>> -> memref<1x!tpu.dma_semaphore, #tpu.memory_space<semaphore_mem>>
      %dma_wait3A_252 = tpu.memref_squeeze %dma_wait3A_251 : memref<1x!tpu.dma_semaphore, #tpu.memory_space<semaphore_mem>> -> memref<!tpu.dma_semaphore, #tpu.memory_space<semaphore_mem>>
      tpu.wait_indirect_dma semaphore(%dma_wait3A_252 : memref<!tpu.dma_semaphore, #tpu.memory_space<semaphore_mem>>) src(%dma_wait3A_250 : memref<10000x128xf32, #tpu.memory_space<hbm>>) dst(%arg20 : memref<112x128xf32, #tpu.memory_space<vmem>>)
      %dma_start3A_253 = arith.constant 2 : i32
      %dma_start3A_254 = arith.constant 0 : i32
      %dma_start3A_255 = arith.constant 0 : i32
      %dma_start3A_256 = tpu.memref_slice %arg21[%dma_start3A_254, %dma_start3A_255] : memref<10512x128xf32, #tpu.memory_space<vmem_shared>> -> memref<10512x128xf32, #tpu.memory_space<vmem_shared>>
      %dma_start3A_257 = tpu.memref_slice %arg23[%dma_start3A_253] : memref<3x!tpu.dma_semaphore, #tpu.memory_space<semaphore_mem>> -> memref<1x!tpu.dma_semaphore, #tpu.memory_space<semaphore_mem>>
      %dma_start3A_258 = tpu.memref_squeeze %dma_start3A_257 : memref<1x!tpu.dma_semaphore, #tpu.memory_space<semaphore_mem>> -> memref<!tpu.dma_semaphore, #tpu.memory_space<semaphore_mem>>
      tpu.enqueue_indirect_dma source(%arg20 : memref<112x128xf32, #tpu.memory_space<vmem>>) target(%dma_start3A_256 : memref<10512x128xf32, #tpu.memory_space<vmem_shared>>) offsets(%arg14 : memref<112xi32, #tpu.memory_space<vmem>>) semaphore(%dma_start3A_258 : memref<!tpu.dma_semaphore, #tpu.memory_space<semaphore_mem>>) {add = true}
      %dma_wait3A_259 = arith.constant 1 : i32
      %dma_wait3A_260 = arith.constant 0 : i32
      %dma_wait3A_261 = arith.constant 0 : i32
      %dma_wait3A_262 = tpu.memref_slice %arg21[%dma_wait3A_260, %dma_wait3A_261] : memref<10512x128xf32, #tpu.memory_space<vmem_shared>> -> memref<10512x128xf32, #tpu.memory_space<vmem_shared>>
      %dma_wait3A_263 = tpu.memref_slice %arg23[%dma_wait3A_259] : memref<3x!tpu.dma_semaphore, #tpu.memory_space<semaphore_mem>> -> memref<1x!tpu.dma_semaphore, #tpu.memory_space<semaphore_mem>>
      %dma_wait3A_264 = tpu.memref_squeeze %dma_wait3A_263 : memref<1x!tpu.dma_semaphore, #tpu.memory_space<semaphore_mem>> -> memref<!tpu.dma_semaphore, #tpu.memory_space<semaphore_mem>>
      tpu.wait_indirect_dma semaphore(%dma_wait3A_264 : memref<!tpu.dma_semaphore, #tpu.memory_space<semaphore_mem>>) src(%arg19 : memref<112x128xf32, #tpu.memory_space<vmem>>) dst(%dma_wait3A_262 : memref<10512x128xf32, #tpu.memory_space<vmem_shared>>)
      %add3A_265 = arith.constant 224 : i32
      %add3A_266 = arith.addi %add3A_246, %add3A_265 : i32
      %dma_wait3A_267 = arith.constant 4 : i32
      %dma_wait3A_268 = tpu.memref_slice %arg3[%add3A_266] : memref<322560xi32, #tpu.memory_space<hbm>> -> memref<112xi32, #tpu.memory_space<hbm>>
      %dma_wait3A_269 = tpu.memref_slice %arg24[%dma_wait3A_267] : memref<6x!tpu.dma_semaphore, #tpu.memory_space<semaphore_mem>> -> memref<1x!tpu.dma_semaphore, #tpu.memory_space<semaphore_mem>>
      %dma_wait3A_270 = tpu.memref_squeeze %dma_wait3A_269 : memref<1x!tpu.dma_semaphore, #tpu.memory_space<semaphore_mem>> -> memref<!tpu.dma_semaphore, #tpu.memory_space<semaphore_mem>>
      %dma_wait3A_271 = tpu.memref_slice %arg3[%add3A_266] : memref<322560xi32, #tpu.memory_space<hbm>> -> memref<112xi32, #tpu.memory_space<hbm>>
      tpu.wait_dma2 semaphore(%dma_wait3A_270 : memref<!tpu.dma_semaphore, #tpu.memory_space<semaphore_mem>>) src(%dma_wait3A_271 : memref<112xi32, #tpu.memory_space<hbm>>) dst(%arg10 : memref<112xi32, #tpu.memory_space<vmem>>)
      %dma_wait3A_272 = arith.constant 4 : i32
      %dma_wait3A_273 = tpu.memref_slice %arg4[%add3A_266] : memref<322560xi32, #tpu.memory_space<hbm>> -> memref<112xi32, #tpu.memory_space<hbm>>
      %dma_wait3A_274 = tpu.memref_slice %arg25[%dma_wait3A_272] : memref<6x!tpu.dma_semaphore, #tpu.memory_space<semaphore_mem>> -> memref<1x!tpu.dma_semaphore, #tpu.memory_space<semaphore_mem>>
      %dma_wait3A_275 = tpu.memref_squeeze %dma_wait3A_274 : memref<1x!tpu.dma_semaphore, #tpu.memory_space<semaphore_mem>> -> memref<!tpu.dma_semaphore, #tpu.memory_space<semaphore_mem>>
      %dma_wait3A_276 = tpu.memref_slice %arg4[%add3A_266] : memref<322560xi32, #tpu.memory_space<hbm>> -> memref<112xi32, #tpu.memory_space<hbm>>
      tpu.wait_dma2 semaphore(%dma_wait3A_275 : memref<!tpu.dma_semaphore, #tpu.memory_space<semaphore_mem>>) src(%dma_wait3A_276 : memref<112xi32, #tpu.memory_space<hbm>>) dst(%arg16 : memref<112xi32, #tpu.memory_space<vmem>>)
      %dma_start3A_277 = arith.constant 1 : i32
      %dma_start3A_278 = arith.constant 0 : i32
      %dma_start3A_279 = arith.constant 0 : i32
      %dma_start3A_280 = tpu.memref_slice %arg2[%dma_start3A_278, %dma_start3A_279] : memref<10000x128xf32, #tpu.memory_space<hbm>> -> memref<10000x128xf32, #tpu.memory_space<hbm>>
      %dma_start3A_281 = tpu.memref_slice %arg22[%dma_start3A_277] : memref<3x!tpu.dma_semaphore, #tpu.memory_space<semaphore_mem>> -> memref<1x!tpu.dma_semaphore, #tpu.memory_space<semaphore_mem>>
      %dma_start3A_282 = tpu.memref_squeeze %dma_start3A_281 : memref<1x!tpu.dma_semaphore, #tpu.memory_space<semaphore_mem>> -> memref<!tpu.dma_semaphore, #tpu.memory_space<semaphore_mem>>
      tpu.enqueue_indirect_dma source(%dma_start3A_280 : memref<10000x128xf32, #tpu.memory_space<hbm>>) target(%arg19 : memref<112x128xf32, #tpu.memory_space<vmem>>) offsets(%arg10 : memref<112xi32, #tpu.memory_space<vmem>>) semaphore(%dma_start3A_282 : memref<!tpu.dma_semaphore, #tpu.memory_space<semaphore_mem>>)
      %lt3A = arith.constant 14 : i32
      %lt3A_283 = arith.cmpi slt, %scan3A_130, %lt3A : i32
      %convert_element_type3A_284 = arith.extui %lt3A_283 : i1 to i32
      %cond3A_285 = arith.constant 0 : i32
      %cond3A_286 = arith.cmpi ne, %convert_element_type3A_284, %cond3A_285 : i32
      scf.if %cond3A_286 {
        %add3A_406 = arith.constant 448 : i32
        %add3A_407 = arith.addi %add3A_246, %add3A_406 : i32
        %dma_start3A_408 = arith.constant 0 : i32
        %dma_start3A_409 = tpu.memref_slice %arg3[%add3A_407] : memref<322560xi32, #tpu.memory_space<hbm>> -> memref<112xi32, #tpu.memory_space<hbm>>
        %dma_start3A_410 = tpu.memref_slice %arg24[%dma_start3A_408] : memref<6x!tpu.dma_semaphore, #tpu.memory_space<semaphore_mem>> -> memref<1x!tpu.dma_semaphore, #tpu.memory_space<semaphore_mem>>
        %dma_start3A_411 = tpu.memref_squeeze %dma_start3A_410 : memref<1x!tpu.dma_semaphore, #tpu.memory_space<semaphore_mem>> -> memref<!tpu.dma_semaphore, #tpu.memory_space<semaphore_mem>>
        %dma_start3A_412 = tpu.memref_slice %arg3[%add3A_407] : memref<322560xi32, #tpu.memory_space<hbm>> -> memref<112xi32, #tpu.memory_space<hbm>>
        tpu.enqueue_dma source(%dma_start3A_412 : memref<112xi32, #tpu.memory_space<hbm>>) target(%arg6 : memref<112xi32, #tpu.memory_space<vmem>>) target_semaphore(%dma_start3A_411 : memref<!tpu.dma_semaphore, #tpu.memory_space<semaphore_mem>>)
        %dma_start3A_413 = arith.constant 0 : i32
        %dma_start3A_414 = tpu.memref_slice %arg4[%add3A_407] : memref<322560xi32, #tpu.memory_space<hbm>> -> memref<112xi32, #tpu.memory_space<hbm>>
        %dma_start3A_415 = tpu.memref_slice %arg25[%dma_start3A_413] : memref<6x!tpu.dma_semaphore, #tpu.memory_space<semaphore_mem>> -> memref<1x!tpu.dma_semaphore, #tpu.memory_space<semaphore_mem>>
        %dma_start3A_416 = tpu.memref_squeeze %dma_start3A_415 : memref<1x!tpu.dma_semaphore, #tpu.memory_space<semaphore_mem>> -> memref<!tpu.dma_semaphore, #tpu.memory_space<semaphore_mem>>
        %dma_start3A_417 = tpu.memref_slice %arg4[%add3A_407] : memref<322560xi32, #tpu.memory_space<hbm>> -> memref<112xi32, #tpu.memory_space<hbm>>
        tpu.enqueue_dma source(%dma_start3A_417 : memref<112xi32, #tpu.memory_space<hbm>>) target(%arg12 : memref<112xi32, #tpu.memory_space<vmem>>) target_semaphore(%dma_start3A_416 : memref<!tpu.dma_semaphore, #tpu.memory_space<semaphore_mem>>)
      } else {
      }
      %mul3A_287 = arith.constant 6 : i32
      %mul3A_288 = arith.muli %mul3A_287, %scan3A_130 : i32
      %add3A_289 = arith.constant 3 : i32
      %add3A_290 = arith.addi %mul3A_288, %add3A_289 : i32
      %mul3A_291 = arith.constant 112 : i32
      %mul3A_292 = arith.muli %add3A_290, %mul3A_291 : i32
      %add3A_293 = arith.addi %mul3A_4, %mul3A_292 : i32
      %dma_wait3A_294 = arith.constant 0 : i32
      %dma_wait3A_295 = arith.constant 0 : i32
      %dma_wait3A_296 = arith.constant 0 : i32
      %dma_wait3A_297 = tpu.memref_slice %arg2[%dma_wait3A_295, %dma_wait3A_296] : memref<10000x128xf32, #tpu.memory_space<hbm>> -> memref<10000x128xf32, #tpu.memory_space<hbm>>
      %dma_wait3A_298 = tpu.memref_slice %arg22[%dma_wait3A_294] : memref<3x!tpu.dma_semaphore, #tpu.memory_space<semaphore_mem>> -> memref<1x!tpu.dma_semaphore, #tpu.memory_space<semaphore_mem>>
      %dma_wait3A_299 = tpu.memref_squeeze %dma_wait3A_298 : memref<1x!tpu.dma_semaphore, #tpu.memory_space<semaphore_mem>> -> memref<!tpu.dma_semaphore, #tpu.memory_space<semaphore_mem>>
      tpu.wait_indirect_dma semaphore(%dma_wait3A_299 : memref<!tpu.dma_semaphore, #tpu.memory_space<semaphore_mem>>) src(%dma_wait3A_297 : memref<10000x128xf32, #tpu.memory_space<hbm>>) dst(%arg18 : memref<112x128xf32, #tpu.memory_space<vmem>>)
      %dma_start3A_300 = arith.constant 0 : i32
      %dma_start3A_301 = arith.constant 0 : i32
      %dma_start3A_302 = arith.constant 0 : i32
      %dma_start3A_303 = tpu.memref_slice %arg21[%dma_start3A_301, %dma_start3A_302] : memref<10512x128xf32, #tpu.memory_space<vmem_shared>> -> memref<10512x128xf32, #tpu.memory_space<vmem_shared>>
      %dma_start3A_304 = tpu.memref_slice %arg23[%dma_start3A_300] : memref<3x!tpu.dma_semaphore, #tpu.memory_space<semaphore_mem>> -> memref<1x!tpu.dma_semaphore, #tpu.memory_space<semaphore_mem>>
      %dma_start3A_305 = tpu.memref_squeeze %dma_start3A_304 : memref<1x!tpu.dma_semaphore, #tpu.memory_space<semaphore_mem>> -> memref<!tpu.dma_semaphore, #tpu.memory_space<semaphore_mem>>
      tpu.enqueue_indirect_dma source(%arg18 : memref<112x128xf32, #tpu.memory_space<vmem>>) target(%dma_start3A_303 : memref<10512x128xf32, #tpu.memory_space<vmem_shared>>) offsets(%arg15 : memref<112xi32, #tpu.memory_space<vmem>>) semaphore(%dma_start3A_305 : memref<!tpu.dma_semaphore, #tpu.memory_space<semaphore_mem>>) {add = true}
      %dma_wait3A_306 = arith.constant 2 : i32
      %dma_wait3A_307 = arith.constant 0 : i32
      %dma_wait3A_308 = arith.constant 0 : i32
      %dma_wait3A_309 = tpu.memref_slice %arg21[%dma_wait3A_307, %dma_wait3A_308] : memref<10512x128xf32, #tpu.memory_space<vmem_shared>> -> memref<10512x128xf32, #tpu.memory_space<vmem_shared>>
      %dma_wait3A_310 = tpu.memref_slice %arg23[%dma_wait3A_306] : memref<3x!tpu.dma_semaphore, #tpu.memory_space<semaphore_mem>> -> memref<1x!tpu.dma_semaphore, #tpu.memory_space<semaphore_mem>>
      %dma_wait3A_311 = tpu.memref_squeeze %dma_wait3A_310 : memref<1x!tpu.dma_semaphore, #tpu.memory_space<semaphore_mem>> -> memref<!tpu.dma_semaphore, #tpu.memory_space<semaphore_mem>>
      tpu.wait_indirect_dma semaphore(%dma_wait3A_311 : memref<!tpu.dma_semaphore, #tpu.memory_space<semaphore_mem>>) src(%arg20 : memref<112x128xf32, #tpu.memory_space<vmem>>) dst(%dma_wait3A_309 : memref<10512x128xf32, #tpu.memory_space<vmem_shared>>)
      %add3A_312 = arith.constant 224 : i32
      %add3A_313 = arith.addi %add3A_293, %add3A_312 : i32
      %dma_wait3A_314 = arith.constant 5 : i32
      %dma_wait3A_315 = tpu.memref_slice %arg3[%add3A_313] : memref<322560xi32, #tpu.memory_space<hbm>> -> memref<112xi32, #tpu.memory_space<hbm>>
      %dma_wait3A_316 = tpu.memref_slice %arg24[%dma_wait3A_314] : memref<6x!tpu.dma_semaphore, #tpu.memory_space<semaphore_mem>> -> memref<1x!tpu.dma_semaphore, #tpu.memory_space<semaphore_mem>>
      %dma_wait3A_317 = tpu.memref_squeeze %dma_wait3A_316 : memref<1x!tpu.dma_semaphore, #tpu.memory_space<semaphore_mem>> -> memref<!tpu.dma_semaphore, #tpu.memory_space<semaphore_mem>>
      %dma_wait3A_318 = tpu.memref_slice %arg3[%add3A_313] : memref<322560xi32, #tpu.memory_space<hbm>> -> memref<112xi32, #tpu.memory_space<hbm>>
      tpu.wait_dma2 semaphore(%dma_wait3A_317 : memref<!tpu.dma_semaphore, #tpu.memory_space<semaphore_mem>>) src(%dma_wait3A_318 : memref<112xi32, #tpu.memory_space<hbm>>) dst(%arg11 : memref<112xi32, #tpu.memory_space<vmem>>)
      %dma_wait3A_319 = arith.constant 5 : i32
      %dma_wait3A_320 = tpu.memref_slice %arg4[%add3A_313] : memref<322560xi32, #tpu.memory_space<hbm>> -> memref<112xi32, #tpu.memory_space<hbm>>
      %dma_wait3A_321 = tpu.memref_slice %arg25[%dma_wait3A_319] : memref<6x!tpu.dma_semaphore, #tpu.memory_space<semaphore_mem>> -> memref<1x!tpu.dma_semaphore, #tpu.memory_space<semaphore_mem>>
      %dma_wait3A_322 = tpu.memref_squeeze %dma_wait3A_321 : memref<1x!tpu.dma_semaphore, #tpu.memory_space<semaphore_mem>> -> memref<!tpu.dma_semaphore, #tpu.memory_space<semaphore_mem>>
      %dma_wait3A_323 = tpu.memref_slice %arg4[%add3A_313] : memref<322560xi32, #tpu.memory_space<hbm>> -> memref<112xi32, #tpu.memory_space<hbm>>
      tpu.wait_dma2 semaphore(%dma_wait3A_322 : memref<!tpu.dma_semaphore, #tpu.memory_space<semaphore_mem>>) src(%dma_wait3A_323 : memref<112xi32, #tpu.memory_space<hbm>>) dst(%arg17 : memref<112xi32, #tpu.memory_space<vmem>>)
      %dma_start3A_324 = arith.constant 2 : i32
      %dma_start3A_325 = arith.constant 0 : i32
      %dma_start3A_326 = arith.constant 0 : i32
      %dma_start3A_327 = tpu.memref_slice %arg2[%dma_start3A_325, %dma_start3A_326] : memref<10000x128xf32, #tpu.memory_space<hbm>> -> memref<10000x128xf32, #tpu.memory_space<hbm>>
      %dma_start3A_328 = tpu.memref_slice %arg22[%dma_start3A_324] : memref<3x!tpu.dma_semaphore, #tpu.memory_space<semaphore_mem>> -> memref<1x!tpu.dma_semaphore, #tpu.memory_space<semaphore_mem>>
      %dma_start3A_329 = tpu.memref_squeeze %dma_start3A_328 : memref<1x!tpu.dma_semaphore, #tpu.memory_space<semaphore_mem>> -> memref<!tpu.dma_semaphore, #tpu.memory_space<semaphore_mem>>
      tpu.enqueue_indirect_dma source(%dma_start3A_327 : memref<10000x128xf32, #tpu.memory_space<hbm>>) target(%arg20 : memref<112x128xf32, #tpu.memory_space<vmem>>) offsets(%arg11 : memref<112xi32, #tpu.memory_space<vmem>>) semaphore(%dma_start3A_329 : memref<!tpu.dma_semaphore, #tpu.memory_space<semaphore_mem>>)
      %lt3A_330 = arith.constant 14 : i32
      %lt3A_331 = arith.cmpi slt, %scan3A_130, %lt3A_330 : i32
      %convert_element_type3A_332 = arith.extui %lt3A_331 : i1 to i32
      %cond3A_333 = arith.constant 0 : i32
      %cond3A_334 = arith.cmpi ne, %convert_element_type3A_332, %cond3A_333 : i32
      scf.if %cond3A_334 {
        %add3A_406 = arith.constant 448 : i32
        %add3A_407 = arith.addi %add3A_293, %add3A_406 : i32
        %dma_start3A_408 = arith.constant 1 : i32
        %dma_start3A_409 = tpu.memref_slice %arg3[%add3A_407] : memref<322560xi32, #tpu.memory_space<hbm>> -> memref<112xi32, #tpu.memory_space<hbm>>
        %dma_start3A_410 = tpu.memref_slice %arg24[%dma_start3A_408] : memref<6x!tpu.dma_semaphore, #tpu.memory_space<semaphore_mem>> -> memref<1x!tpu.dma_semaphore, #tpu.memory_space<semaphore_mem>>
        %dma_start3A_411 = tpu.memref_squeeze %dma_start3A_410 : memref<1x!tpu.dma_semaphore, #tpu.memory_space<semaphore_mem>> -> memref<!tpu.dma_semaphore, #tpu.memory_space<semaphore_mem>>
        %dma_start3A_412 = tpu.memref_slice %arg3[%add3A_407] : memref<322560xi32, #tpu.memory_space<hbm>> -> memref<112xi32, #tpu.memory_space<hbm>>
        tpu.enqueue_dma source(%dma_start3A_412 : memref<112xi32, #tpu.memory_space<hbm>>) target(%arg7 : memref<112xi32, #tpu.memory_space<vmem>>) target_semaphore(%dma_start3A_411 : memref<!tpu.dma_semaphore, #tpu.memory_space<semaphore_mem>>)
        %dma_start3A_413 = arith.constant 1 : i32
        %dma_start3A_414 = tpu.memref_slice %arg4[%add3A_407] : memref<322560xi32, #tpu.memory_space<hbm>> -> memref<112xi32, #tpu.memory_space<hbm>>
        %dma_start3A_415 = tpu.memref_slice %arg25[%dma_start3A_413] : memref<6x!tpu.dma_semaphore, #tpu.memory_space<semaphore_mem>> -> memref<1x!tpu.dma_semaphore, #tpu.memory_space<semaphore_mem>>
        %dma_start3A_416 = tpu.memref_squeeze %dma_start3A_415 : memref<1x!tpu.dma_semaphore, #tpu.memory_space<semaphore_mem>> -> memref<!tpu.dma_semaphore, #tpu.memory_space<semaphore_mem>>
        %dma_start3A_417 = tpu.memref_slice %arg4[%add3A_407] : memref<322560xi32, #tpu.memory_space<hbm>> -> memref<112xi32, #tpu.memory_space<hbm>>
        tpu.enqueue_dma source(%dma_start3A_417 : memref<112xi32, #tpu.memory_space<hbm>>) target(%arg13 : memref<112xi32, #tpu.memory_space<vmem>>) target_semaphore(%dma_start3A_416 : memref<!tpu.dma_semaphore, #tpu.memory_space<semaphore_mem>>)
      } else {
      }
      %mul3A_335 = arith.constant 6 : i32
      %mul3A_336 = arith.muli %mul3A_335, %scan3A_130 : i32
      %add3A_337 = arith.constant 4 : i32
      %add3A_338 = arith.addi %mul3A_336, %add3A_337 : i32
      %mul3A_339 = arith.constant 112 : i32
      %mul3A_340 = arith.muli %add3A_338, %mul3A_339 : i32
      %add3A_341 = arith.addi %mul3A_4, %mul3A_340 : i32
      %dma_wait3A_342 = arith.constant 1 : i32
      %dma_wait3A_343 = arith.constant 0 : i32
      %dma_wait3A_344 = arith.constant 0 : i32
      %dma_wait3A_345 = tpu.memref_slice %arg2[%dma_wait3A_343, %dma_wait3A_344] : memref<10000x128xf32, #tpu.memory_space<hbm>> -> memref<10000x128xf32, #tpu.memory_space<hbm>>
      %dma_wait3A_346 = tpu.memref_slice %arg22[%dma_wait3A_342] : memref<3x!tpu.dma_semaphore, #tpu.memory_space<semaphore_mem>> -> memref<1x!tpu.dma_semaphore, #tpu.memory_space<semaphore_mem>>
      %dma_wait3A_347 = tpu.memref_squeeze %dma_wait3A_346 : memref<1x!tpu.dma_semaphore, #tpu.memory_space<semaphore_mem>> -> memref<!tpu.dma_semaphore, #tpu.memory_space<semaphore_mem>>
      tpu.wait_indirect_dma semaphore(%dma_wait3A_347 : memref<!tpu.dma_semaphore, #tpu.memory_space<semaphore_mem>>) src(%dma_wait3A_345 : memref<10000x128xf32, #tpu.memory_space<hbm>>) dst(%arg19 : memref<112x128xf32, #tpu.memory_space<vmem>>)
      %dma_start3A_348 = arith.constant 1 : i32
      %dma_start3A_349 = arith.constant 0 : i32
      %dma_start3A_350 = arith.constant 0 : i32
      %dma_start3A_351 = tpu.memref_slice %arg21[%dma_start3A_349, %dma_start3A_350] : memref<10512x128xf32, #tpu.memory_space<vmem_shared>> -> memref<10512x128xf32, #tpu.memory_space<vmem_shared>>
      %dma_start3A_352 = tpu.memref_slice %arg23[%dma_start3A_348] : memref<3x!tpu.dma_semaphore, #tpu.memory_space<semaphore_mem>> -> memref<1x!tpu.dma_semaphore, #tpu.memory_space<semaphore_mem>>
      %dma_start3A_353 = tpu.memref_squeeze %dma_start3A_352 : memref<1x!tpu.dma_semaphore, #tpu.memory_space<semaphore_mem>> -> memref<!tpu.dma_semaphore, #tpu.memory_space<semaphore_mem>>
      tpu.enqueue_indirect_dma source(%arg19 : memref<112x128xf32, #tpu.memory_space<vmem>>) target(%dma_start3A_351 : memref<10512x128xf32, #tpu.memory_space<vmem_shared>>) offsets(%arg16 : memref<112xi32, #tpu.memory_space<vmem>>) semaphore(%dma_start3A_353 : memref<!tpu.dma_semaphore, #tpu.memory_space<semaphore_mem>>) {add = true}
      %dma_wait3A_354 = arith.constant 0 : i32
      %dma_wait3A_355 = arith.constant 0 : i32
      %dma_wait3A_356 = arith.constant 0 : i32
      %dma_wait3A_357 = tpu.memref_slice %arg21[%dma_wait3A_355, %dma_wait3A_356] : memref<10512x128xf32, #tpu.memory_space<vmem_shared>> -> memref<10512x128xf32, #tpu.memory_space<vmem_shared>>
      %dma_wait3A_358 = tpu.memref_slice %arg23[%dma_wait3A_354] : memref<3x!tpu.dma_semaphore, #tpu.memory_space<semaphore_mem>> -> memref<1x!tpu.dma_semaphore, #tpu.memory_space<semaphore_mem>>
      %dma_wait3A_359 = tpu.memref_squeeze %dma_wait3A_358 : memref<1x!tpu.dma_semaphore, #tpu.memory_space<semaphore_mem>> -> memref<!tpu.dma_semaphore, #tpu.memory_space<semaphore_mem>>
      tpu.wait_indirect_dma semaphore(%dma_wait3A_359 : memref<!tpu.dma_semaphore, #tpu.memory_space<semaphore_mem>>) src(%arg18 : memref<112x128xf32, #tpu.memory_space<vmem>>) dst(%dma_wait3A_357 : memref<10512x128xf32, #tpu.memory_space<vmem_shared>>)
      %lt3A_360 = arith.constant 14 : i32
      %lt3A_361 = arith.cmpi slt, %scan3A_130, %lt3A_360 : i32
      %convert_element_type3A_362 = arith.extui %lt3A_361 : i1 to i32
      %cond3A_363 = arith.constant 0 : i32
      %cond3A_364 = arith.cmpi ne, %convert_element_type3A_362, %cond3A_363 : i32
      scf.if %cond3A_364 {
        %add3A_406 = arith.constant 224 : i32
        %add3A_407 = arith.addi %add3A_341, %add3A_406 : i32
        %dma_wait3A_408 = arith.constant 0 : i32
        %dma_wait3A_409 = tpu.memref_slice %arg3[%add3A_407] : memref<322560xi32, #tpu.memory_space<hbm>> -> memref<112xi32, #tpu.memory_space<hbm>>
        %dma_wait3A_410 = tpu.memref_slice %arg24[%dma_wait3A_408] : memref<6x!tpu.dma_semaphore, #tpu.memory_space<semaphore_mem>> -> memref<1x!tpu.dma_semaphore, #tpu.memory_space<semaphore_mem>>
        %dma_wait3A_411 = tpu.memref_squeeze %dma_wait3A_410 : memref<1x!tpu.dma_semaphore, #tpu.memory_space<semaphore_mem>> -> memref<!tpu.dma_semaphore, #tpu.memory_space<semaphore_mem>>
        %dma_wait3A_412 = tpu.memref_slice %arg3[%add3A_407] : memref<322560xi32, #tpu.memory_space<hbm>> -> memref<112xi32, #tpu.memory_space<hbm>>
        tpu.wait_dma2 semaphore(%dma_wait3A_411 : memref<!tpu.dma_semaphore, #tpu.memory_space<semaphore_mem>>) src(%dma_wait3A_412 : memref<112xi32, #tpu.memory_space<hbm>>) dst(%arg6 : memref<112xi32, #tpu.memory_space<vmem>>)
        %dma_wait3A_413 = arith.constant 0 : i32
        %dma_wait3A_414 = tpu.memref_slice %arg4[%add3A_407] : memref<322560xi32, #tpu.memory_space<hbm>> -> memref<112xi32, #tpu.memory_space<hbm>>
        %dma_wait3A_415 = tpu.memref_slice %arg25[%dma_wait3A_413] : memref<6x!tpu.dma_semaphore, #tpu.memory_space<semaphore_mem>> -> memref<1x!tpu.dma_semaphore, #tpu.memory_space<semaphore_mem>>
        %dma_wait3A_416 = tpu.memref_squeeze %dma_wait3A_415 : memref<1x!tpu.dma_semaphore, #tpu.memory_space<semaphore_mem>> -> memref<!tpu.dma_semaphore, #tpu.memory_space<semaphore_mem>>
        %dma_wait3A_417 = tpu.memref_slice %arg4[%add3A_407] : memref<322560xi32, #tpu.memory_space<hbm>> -> memref<112xi32, #tpu.memory_space<hbm>>
        tpu.wait_dma2 semaphore(%dma_wait3A_416 : memref<!tpu.dma_semaphore, #tpu.memory_space<semaphore_mem>>) src(%dma_wait3A_417 : memref<112xi32, #tpu.memory_space<hbm>>) dst(%arg12 : memref<112xi32, #tpu.memory_space<vmem>>)
        %dma_start3A_418 = arith.constant 0 : i32
        %dma_start3A_419 = arith.constant 0 : i32
        %dma_start3A_420 = arith.constant 0 : i32
        %dma_start3A_421 = tpu.memref_slice %arg2[%dma_start3A_419, %dma_start3A_420] : memref<10000x128xf32, #tpu.memory_space<hbm>> -> memref<10000x128xf32, #tpu.memory_space<hbm>>
        %dma_start3A_422 = tpu.memref_slice %arg22[%dma_start3A_418] : memref<3x!tpu.dma_semaphore, #tpu.memory_space<semaphore_mem>> -> memref<1x!tpu.dma_semaphore, #tpu.memory_space<semaphore_mem>>
        %dma_start3A_423 = tpu.memref_squeeze %dma_start3A_422 : memref<1x!tpu.dma_semaphore, #tpu.memory_space<semaphore_mem>> -> memref<!tpu.dma_semaphore, #tpu.memory_space<semaphore_mem>>
        tpu.enqueue_indirect_dma source(%dma_start3A_421 : memref<10000x128xf32, #tpu.memory_space<hbm>>) target(%arg18 : memref<112x128xf32, #tpu.memory_space<vmem>>) offsets(%arg6 : memref<112xi32, #tpu.memory_space<vmem>>) semaphore(%dma_start3A_423 : memref<!tpu.dma_semaphore, #tpu.memory_space<semaphore_mem>>)
      } else {
      }
      %lt3A_365 = arith.constant 14 : i32
      %lt3A_366 = arith.cmpi slt, %scan3A_130, %lt3A_365 : i32
      %convert_element_type3A_367 = arith.extui %lt3A_366 : i1 to i32
      %cond3A_368 = arith.constant 0 : i32
      %cond3A_369 = arith.cmpi ne, %convert_element_type3A_367, %cond3A_368 : i32
      scf.if %cond3A_369 {
        %add3A_406 = arith.constant 448 : i32
        %add3A_407 = arith.addi %add3A_341, %add3A_406 : i32
        %dma_start3A_408 = arith.constant 2 : i32
        %dma_start3A_409 = tpu.memref_slice %arg3[%add3A_407] : memref<322560xi32, #tpu.memory_space<hbm>> -> memref<112xi32, #tpu.memory_space<hbm>>
        %dma_start3A_410 = tpu.memref_slice %arg24[%dma_start3A_408] : memref<6x!tpu.dma_semaphore, #tpu.memory_space<semaphore_mem>> -> memref<1x!tpu.dma_semaphore, #tpu.memory_space<semaphore_mem>>
        %dma_start3A_411 = tpu.memref_squeeze %dma_start3A_410 : memref<1x!tpu.dma_semaphore, #tpu.memory_space<semaphore_mem>> -> memref<!tpu.dma_semaphore, #tpu.memory_space<semaphore_mem>>
        %dma_start3A_412 = tpu.memref_slice %arg3[%add3A_407] : memref<322560xi32, #tpu.memory_space<hbm>> -> memref<112xi32, #tpu.memory_space<hbm>>
        tpu.enqueue_dma source(%dma_start3A_412 : memref<112xi32, #tpu.memory_space<hbm>>) target(%arg8 : memref<112xi32, #tpu.memory_space<vmem>>) target_semaphore(%dma_start3A_411 : memref<!tpu.dma_semaphore, #tpu.memory_space<semaphore_mem>>)
        %dma_start3A_413 = arith.constant 2 : i32
        %dma_start3A_414 = tpu.memref_slice %arg4[%add3A_407] : memref<322560xi32, #tpu.memory_space<hbm>> -> memref<112xi32, #tpu.memory_space<hbm>>
        %dma_start3A_415 = tpu.memref_slice %arg25[%dma_start3A_413] : memref<6x!tpu.dma_semaphore, #tpu.memory_space<semaphore_mem>> -> memref<1x!tpu.dma_semaphore, #tpu.memory_space<semaphore_mem>>
        %dma_start3A_416 = tpu.memref_squeeze %dma_start3A_415 : memref<1x!tpu.dma_semaphore, #tpu.memory_space<semaphore_mem>> -> memref<!tpu.dma_semaphore, #tpu.memory_space<semaphore_mem>>
        %dma_start3A_417 = tpu.memref_slice %arg4[%add3A_407] : memref<322560xi32, #tpu.memory_space<hbm>> -> memref<112xi32, #tpu.memory_space<hbm>>
        tpu.enqueue_dma source(%dma_start3A_417 : memref<112xi32, #tpu.memory_space<hbm>>) target(%arg14 : memref<112xi32, #tpu.memory_space<vmem>>) target_semaphore(%dma_start3A_416 : memref<!tpu.dma_semaphore, #tpu.memory_space<semaphore_mem>>)
      } else {
      }
      %mul3A_370 = arith.constant 6 : i32
      %mul3A_371 = arith.muli %mul3A_370, %scan3A_130 : i32
      %add3A_372 = arith.constant 5 : i32
      %add3A_373 = arith.addi %mul3A_371, %add3A_372 : i32
      %mul3A_374 = arith.constant 112 : i32
      %mul3A_375 = arith.muli %add3A_373, %mul3A_374 : i32
      %add3A_376 = arith.addi %mul3A_4, %mul3A_375 : i32
      %dma_wait3A_377 = arith.constant 2 : i32
      %dma_wait3A_378 = arith.constant 0 : i32
      %dma_wait3A_379 = arith.constant 0 : i32
      %dma_wait3A_380 = tpu.memref_slice %arg2[%dma_wait3A_378, %dma_wait3A_379] : memref<10000x128xf32, #tpu.memory_space<hbm>> -> memref<10000x128xf32, #tpu.memory_space<hbm>>
      %dma_wait3A_381 = tpu.memref_slice %arg22[%dma_wait3A_377] : memref<3x!tpu.dma_semaphore, #tpu.memory_space<semaphore_mem>> -> memref<1x!tpu.dma_semaphore, #tpu.memory_space<semaphore_mem>>
      %dma_wait3A_382 = tpu.memref_squeeze %dma_wait3A_381 : memref<1x!tpu.dma_semaphore, #tpu.memory_space<semaphore_mem>> -> memref<!tpu.dma_semaphore, #tpu.memory_space<semaphore_mem>>
      tpu.wait_indirect_dma semaphore(%dma_wait3A_382 : memref<!tpu.dma_semaphore, #tpu.memory_space<semaphore_mem>>) src(%dma_wait3A_380 : memref<10000x128xf32, #tpu.memory_space<hbm>>) dst(%arg20 : memref<112x128xf32, #tpu.memory_space<vmem>>)
      %dma_start3A_383 = arith.constant 2 : i32
      %dma_start3A_384 = arith.constant 0 : i32
      %dma_start3A_385 = arith.constant 0 : i32
      %dma_start3A_386 = tpu.memref_slice %arg21[%dma_start3A_384, %dma_start3A_385] : memref<10512x128xf32, #tpu.memory_space<vmem_shared>> -> memref<10512x128xf32, #tpu.memory_space<vmem_shared>>
      %dma_start3A_387 = tpu.memref_slice %arg23[%dma_start3A_383] : memref<3x!tpu.dma_semaphore, #tpu.memory_space<semaphore_mem>> -> memref<1x!tpu.dma_semaphore, #tpu.memory_space<semaphore_mem>>
      %dma_start3A_388 = tpu.memref_squeeze %dma_start3A_387 : memref<1x!tpu.dma_semaphore, #tpu.memory_space<semaphore_mem>> -> memref<!tpu.dma_semaphore, #tpu.memory_space<semaphore_mem>>
      tpu.enqueue_indirect_dma source(%arg20 : memref<112x128xf32, #tpu.memory_space<vmem>>) target(%dma_start3A_386 : memref<10512x128xf32, #tpu.memory_space<vmem_shared>>) offsets(%arg17 : memref<112xi32, #tpu.memory_space<vmem>>) semaphore(%dma_start3A_388 : memref<!tpu.dma_semaphore, #tpu.memory_space<semaphore_mem>>) {add = true}
      %dma_wait3A_389 = arith.constant 1 : i32
      %dma_wait3A_390 = arith.constant 0 : i32
      %dma_wait3A_391 = arith.constant 0 : i32
      %dma_wait3A_392 = tpu.memref_slice %arg21[%dma_wait3A_390, %dma_wait3A_391] : memref<10512x128xf32, #tpu.memory_space<vmem_shared>> -> memref<10512x128xf32, #tpu.memory_space<vmem_shared>>
      %dma_wait3A_393 = tpu.memref_slice %arg23[%dma_wait3A_389] : memref<3x!tpu.dma_semaphore, #tpu.memory_space<semaphore_mem>> -> memref<1x!tpu.dma_semaphore, #tpu.memory_space<semaphore_mem>>
      %dma_wait3A_394 = tpu.memref_squeeze %dma_wait3A_393 : memref<1x!tpu.dma_semaphore, #tpu.memory_space<semaphore_mem>> -> memref<!tpu.dma_semaphore, #tpu.memory_space<semaphore_mem>>
      tpu.wait_indirect_dma semaphore(%dma_wait3A_394 : memref<!tpu.dma_semaphore, #tpu.memory_space<semaphore_mem>>) src(%arg19 : memref<112x128xf32, #tpu.memory_space<vmem>>) dst(%dma_wait3A_392 : memref<10512x128xf32, #tpu.memory_space<vmem_shared>>)
      %lt3A_395 = arith.constant 14 : i32
      %lt3A_396 = arith.cmpi slt, %scan3A_130, %lt3A_395 : i32
      %convert_element_type3A_397 = arith.extui %lt3A_396 : i1 to i32
      %cond3A_398 = arith.constant 0 : i32
      %cond3A_399 = arith.cmpi ne, %convert_element_type3A_397, %cond3A_398 : i32
      scf.if %cond3A_399 {
        %add3A_406 = arith.constant 224 : i32
        %add3A_407 = arith.addi %add3A_376, %add3A_406 : i32
        %dma_wait3A_408 = arith.constant 1 : i32
        %dma_wait3A_409 = tpu.memref_slice %arg3[%add3A_407] : memref<322560xi32, #tpu.memory_space<hbm>> -> memref<112xi32, #tpu.memory_space<hbm>>
        %dma_wait3A_410 = tpu.memref_slice %arg24[%dma_wait3A_408] : memref<6x!tpu.dma_semaphore, #tpu.memory_space<semaphore_mem>> -> memref<1x!tpu.dma_semaphore, #tpu.memory_space<semaphore_mem>>
        %dma_wait3A_411 = tpu.memref_squeeze %dma_wait3A_410 : memref<1x!tpu.dma_semaphore, #tpu.memory_space<semaphore_mem>> -> memref<!tpu.dma_semaphore, #tpu.memory_space<semaphore_mem>>
        %dma_wait3A_412 = tpu.memref_slice %arg3[%add3A_407] : memref<322560xi32, #tpu.memory_space<hbm>> -> memref<112xi32, #tpu.memory_space<hbm>>
        tpu.wait_dma2 semaphore(%dma_wait3A_411 : memref<!tpu.dma_semaphore, #tpu.memory_space<semaphore_mem>>) src(%dma_wait3A_412 : memref<112xi32, #tpu.memory_space<hbm>>) dst(%arg7 : memref<112xi32, #tpu.memory_space<vmem>>)
        %dma_wait3A_413 = arith.constant 1 : i32
        %dma_wait3A_414 = tpu.memref_slice %arg4[%add3A_407] : memref<322560xi32, #tpu.memory_space<hbm>> -> memref<112xi32, #tpu.memory_space<hbm>>
        %dma_wait3A_415 = tpu.memref_slice %arg25[%dma_wait3A_413] : memref<6x!tpu.dma_semaphore, #tpu.memory_space<semaphore_mem>> -> memref<1x!tpu.dma_semaphore, #tpu.memory_space<semaphore_mem>>
        %dma_wait3A_416 = tpu.memref_squeeze %dma_wait3A_415 : memref<1x!tpu.dma_semaphore, #tpu.memory_space<semaphore_mem>> -> memref<!tpu.dma_semaphore, #tpu.memory_space<semaphore_mem>>
        %dma_wait3A_417 = tpu.memref_slice %arg4[%add3A_407] : memref<322560xi32, #tpu.memory_space<hbm>> -> memref<112xi32, #tpu.memory_space<hbm>>
        tpu.wait_dma2 semaphore(%dma_wait3A_416 : memref<!tpu.dma_semaphore, #tpu.memory_space<semaphore_mem>>) src(%dma_wait3A_417 : memref<112xi32, #tpu.memory_space<hbm>>) dst(%arg13 : memref<112xi32, #tpu.memory_space<vmem>>)
        %dma_start3A_418 = arith.constant 1 : i32
        %dma_start3A_419 = arith.constant 0 : i32
        %dma_start3A_420 = arith.constant 0 : i32
        %dma_start3A_421 = tpu.memref_slice %arg2[%dma_start3A_419, %dma_start3A_420] : memref<10000x128xf32, #tpu.memory_space<hbm>> -> memref<10000x128xf32, #tpu.memory_space<hbm>>
        %dma_start3A_422 = tpu.memref_slice %arg22[%dma_start3A_418] : memref<3x!tpu.dma_semaphore, #tpu.memory_space<semaphore_mem>> -> memref<1x!tpu.dma_semaphore, #tpu.memory_space<semaphore_mem>>
        %dma_start3A_423 = tpu.memref_squeeze %dma_start3A_422 : memref<1x!tpu.dma_semaphore, #tpu.memory_space<semaphore_mem>> -> memref<!tpu.dma_semaphore, #tpu.memory_space<semaphore_mem>>
        tpu.enqueue_indirect_dma source(%dma_start3A_421 : memref<10000x128xf32, #tpu.memory_space<hbm>>) target(%arg19 : memref<112x128xf32, #tpu.memory_space<vmem>>) offsets(%arg7 : memref<112xi32, #tpu.memory_space<vmem>>) semaphore(%dma_start3A_423 : memref<!tpu.dma_semaphore, #tpu.memory_space<semaphore_mem>>)
      } else {
      }
      %lt3A_400 = arith.constant 14 : i32
      %lt3A_401 = arith.cmpi slt, %scan3A_130, %lt3A_400 : i32
      %convert_element_type3A_402 = arith.extui %lt3A_401 : i1 to i32
      %cond3A_403 = arith.constant 0 : i32
      %cond3A_404 = arith.cmpi ne, %convert_element_type3A_402, %cond3A_403 : i32
      scf.if %cond3A_404 {
        %add3A_406 = arith.constant 448 : i32
        %add3A_407 = arith.addi %add3A_376, %add3A_406 : i32
        %dma_start3A_408 = arith.constant 3 : i32
        %dma_start3A_409 = tpu.memref_slice %arg3[%add3A_407] : memref<322560xi32, #tpu.memory_space<hbm>> -> memref<112xi32, #tpu.memory_space<hbm>>
        %dma_start3A_410 = tpu.memref_slice %arg24[%dma_start3A_408] : memref<6x!tpu.dma_semaphore, #tpu.memory_space<semaphore_mem>> -> memref<1x!tpu.dma_semaphore, #tpu.memory_space<semaphore_mem>>
        %dma_start3A_411 = tpu.memref_squeeze %dma_start3A_410 : memref<1x!tpu.dma_semaphore, #tpu.memory_space<semaphore_mem>> -> memref<!tpu.dma_semaphore, #tpu.memory_space<semaphore_mem>>
        %dma_start3A_412 = tpu.memref_slice %arg3[%add3A_407] : memref<322560xi32, #tpu.memory_space<hbm>> -> memref<112xi32, #tpu.memory_space<hbm>>
        tpu.enqueue_dma source(%dma_start3A_412 : memref<112xi32, #tpu.memory_space<hbm>>) target(%arg9 : memref<112xi32, #tpu.memory_space<vmem>>) target_semaphore(%dma_start3A_411 : memref<!tpu.dma_semaphore, #tpu.memory_space<semaphore_mem>>)
        %dma_start3A_413 = arith.constant 3 : i32
        %dma_start3A_414 = tpu.memref_slice %arg4[%add3A_407] : memref<322560xi32, #tpu.memory_space<hbm>> -> memref<112xi32, #tpu.memory_space<hbm>>
        %dma_start3A_415 = tpu.memref_slice %arg25[%dma_start3A_413] : memref<6x!tpu.dma_semaphore, #tpu.memory_space<semaphore_mem>> -> memref<1x!tpu.dma_semaphore, #tpu.memory_space<semaphore_mem>>
        %dma_start3A_416 = tpu.memref_squeeze %dma_start3A_415 : memref<1x!tpu.dma_semaphore, #tpu.memory_space<semaphore_mem>> -> memref<!tpu.dma_semaphore, #tpu.memory_space<semaphore_mem>>
        %dma_start3A_417 = tpu.memref_slice %arg4[%add3A_407] : memref<322560xi32, #tpu.memory_space<hbm>> -> memref<112xi32, #tpu.memory_space<hbm>>
        tpu.enqueue_dma source(%dma_start3A_417 : memref<112xi32, #tpu.memory_space<hbm>>) target(%arg15 : memref<112xi32, #tpu.memory_space<vmem>>) target_semaphore(%dma_start3A_416 : memref<!tpu.dma_semaphore, #tpu.memory_space<semaphore_mem>>)
      } else {
      }
      %scan3A_405 = arith.constant 0 : i32
      scf.yield %scan3A_405 : i32
    }
    %scan3A_113 = arith.constant 15 : i32
    %dma_wait3A_114 = arith.constant 2 : i32
    %dma_wait3A_115 = arith.constant 0 : i32
    %dma_wait3A_116 = arith.constant 0 : i32
    %dma_wait3A_117 = tpu.memref_slice %arg21[%dma_wait3A_115, %dma_wait3A_116] : memref<10512x128xf32, #tpu.memory_space<vmem_shared>> -> memref<10512x128xf32, #tpu.memory_space<vmem_shared>>
    %dma_wait3A_118 = tpu.memref_slice %arg23[%dma_wait3A_114] : memref<3x!tpu.dma_semaphore, #tpu.memory_space<semaphore_mem>> -> memref<1x!tpu.dma_semaphore, #tpu.memory_space<semaphore_mem>>
    %dma_wait3A_119 = tpu.memref_squeeze %dma_wait3A_118 : memref<1x!tpu.dma_semaphore, #tpu.memory_space<semaphore_mem>> -> memref<!tpu.dma_semaphore, #tpu.memory_space<semaphore_mem>>
    tpu.wait_indirect_dma semaphore(%dma_wait3A_119 : memref<!tpu.dma_semaphore, #tpu.memory_space<semaphore_mem>>) src(%arg20 : memref<112x128xf32, #tpu.memory_space<vmem>>) dst(%dma_wait3A_117 : memref<10512x128xf32, #tpu.memory_space<vmem_shared>>)
    %barrier3A_120 = arith.constant 0 : index
    tpu.barrier barrier_id(%barrier3A_120)
    %mul3A_121 = arith.constant 624 : i32
    %mul3A_122 = arith.muli %arg1, %mul3A_121 : i32
    %mul3A_123 = arith.constant 624 : i32
    %mul3A_124 = arith.muli %arg1, %mul3A_123 : i32
    "tpu.region"() ({
      %run_scoped3A = tpu.sem_alloc : memref<!tpu.dma_semaphore, #tpu.memory_space<semaphore_mem>>
      %dma_start3A_130 = arith.constant 0 : i32
      %dma_start3A_131 = tpu.memref_slice %arg5[%arg0, %mul3A_124, %dma_start3A_130] : memref<2x10000x128xf32, #tpu.memory_space<hbm>> -> memref<1x624x128xf32, #tpu.memory_space<hbm>>
      %dma_start3A_132 = tpu.memref_squeeze %dma_start3A_131 : memref<1x624x128xf32, #tpu.memory_space<hbm>> -> memref<624x128xf32, #tpu.memory_space<hbm>>
      %dma_start3A_133 = arith.constant 0 : i32
      %dma_start3A_134 = tpu.memref_slice %arg21[%mul3A_122, %dma_start3A_133] : memref<10512x128xf32, #tpu.memory_space<vmem_shared>> -> memref<624x128xf32, #tpu.memory_space<vmem_shared>>
      tpu.enqueue_dma source(%dma_start3A_134 : memref<624x128xf32, #tpu.memory_space<vmem_shared>>) target(%dma_start3A_132 : memref<624x128xf32, #tpu.memory_space<hbm>>) target_semaphore(%run_scoped3A : memref<!tpu.dma_semaphore, #tpu.memory_space<semaphore_mem>>)
      %dma_wait3A_135 = arith.constant 0 : i32
      %dma_wait3A_136 = tpu.memref_slice %arg5[%arg0, %mul3A_124, %dma_wait3A_135] : memref<2x10000x128xf32, #tpu.memory_space<hbm>> -> memref<1x624x128xf32, #tpu.memory_space<hbm>>
      %dma_wait3A_137 = tpu.memref_squeeze %dma_wait3A_136 : memref<1x624x128xf32, #tpu.memory_space<hbm>> -> memref<624x128xf32, #tpu.memory_space<hbm>>
      %dma_wait3A_138 = arith.constant 0 : i32
      %dma_wait3A_139 = tpu.memref_slice %arg21[%mul3A_122, %dma_wait3A_138] : memref<10512x128xf32, #tpu.memory_space<vmem_shared>> -> memref<624x128xf32, #tpu.memory_space<vmem_shared>>
      tpu.wait_dma2 semaphore(%run_scoped3A : memref<!tpu.dma_semaphore, #tpu.memory_space<semaphore_mem>>) src(%dma_wait3A_139 : memref<624x128xf32, #tpu.memory_space<vmem_shared>>) dst(%dma_wait3A_137 : memref<624x128xf32, #tpu.memory_space<hbm>>)
      tpu.yield
    }) : () -> ()
    %eq3A_125 = arith.constant 15 : i32
    %eq3A_126 = arith.cmpi eq, %arg1, %eq3A_125 : i32
    %convert_element_type3A_127 = arith.extui %eq3A_126 : i1 to i32
    %cond3A_128 = arith.constant 0 : i32
    %cond3A_129 = arith.cmpi ne, %convert_element_type3A_127, %cond3A_128 : i32
    scf.if %cond3A_129 {
      "tpu.region"() ({
        %run_scoped3A = tpu.sem_alloc : memref<!tpu.dma_semaphore, #tpu.memory_space<semaphore_mem>>
        %dma_start3A_130 = arith.constant 9984 : i32
        %dma_start3A_131 = arith.constant 0 : i32
        %dma_start3A_132 = tpu.memref_slice %arg5[%arg0, %dma_start3A_130, %dma_start3A_131] : memref<2x10000x128xf32, #tpu.memory_space<hbm>> -> memref<1x16x128xf32, #tpu.memory_space<hbm>>
        %dma_start3A_133 = tpu.memref_squeeze %dma_start3A_132 : memref<1x16x128xf32, #tpu.memory_space<hbm>> -> memref<16x128xf32, #tpu.memory_space<hbm>>
        %dma_start3A_134 = arith.constant 9984 : i32
        %dma_start3A_135 = arith.constant 0 : i32
        %dma_start3A_136 = tpu.memref_slice %arg21[%dma_start3A_134, %dma_start3A_135] : memref<10512x128xf32, #tpu.memory_space<vmem_shared>> -> memref<16x128xf32, #tpu.memory_space<vmem_shared>>
        tpu.enqueue_dma source(%dma_start3A_136 : memref<16x128xf32, #tpu.memory_space<vmem_shared>>) target(%dma_start3A_133 : memref<16x128xf32, #tpu.memory_space<hbm>>) target_semaphore(%run_scoped3A : memref<!tpu.dma_semaphore, #tpu.memory_space<semaphore_mem>>)
        %dma_wait3A_137 = arith.constant 9984 : i32
        %dma_wait3A_138 = arith.constant 0 : i32
        %dma_wait3A_139 = tpu.memref_slice %arg5[%arg0, %dma_wait3A_137, %dma_wait3A_138] : memref<2x10000x128xf32, #tpu.memory_space<hbm>> -> memref<1x16x128xf32, #tpu.memory_space<hbm>>
        %dma_wait3A_140 = tpu.memref_squeeze %dma_wait3A_139 : memref<1x16x128xf32, #tpu.memory_space<hbm>> -> memref<16x128xf32, #tpu.memory_space<hbm>>
        %dma_wait3A_141 = arith.constant 9984 : i32
        %dma_wait3A_142 = arith.constant 0 : i32
        %dma_wait3A_143 = tpu.memref_slice %arg21[%dma_wait3A_141, %dma_wait3A_142] : memref<10512x128xf32, #tpu.memory_space<vmem_shared>> -> memref<16x128xf32, #tpu.memory_space<vmem_shared>>
        tpu.wait_dma2 semaphore(%run_scoped3A : memref<!tpu.dma_semaphore, #tpu.memory_space<semaphore_mem>>) src(%dma_wait3A_143 : memref<16x128xf32, #tpu.memory_space<vmem_shared>>) dst(%dma_wait3A_140 : memref<16x128xf32, #tpu.memory_space<hbm>>)
        tpu.yield
      }) : () -> ()
    } else {
    }
    return
  }
}

#map = affine_map<(d0, d1) -> (0, 0)>
#map1 = affine_map<(d0, d1) -> (0)>
#map2 = affine_map<(d0, d1) -> (0, 0, 0)>
module attributes {stable_mosaic.version = 14 : i64} {
  func.func @_sc_agg(%arg0: i32, %arg1: i32, %arg2: memref<10000x128xf32, #tpu.memory_space<hbm>>, %arg3: memref<322560xi32, #tpu.memory_space<hbm>>, %arg4: memref<322560xi32, #tpu.memory_space<hbm>>, %arg5: memref<2x10000x128xf32, #tpu.memory_space<hbm>>, %arg6: memref<112xi32, #tpu.memory_space<vmem>>, %arg7: memref<112xi32, #tpu.memory_space<vmem>>, %arg8: memref<112xi32, #tpu.memory_space<vmem>>, %arg9: memref<112xi32, #tpu.memory_space<vmem>>, %arg10: memref<112xi32, #tpu.memory_space<vmem>>, %arg11: memref<112xi32, #tpu.memory_space<vmem>>, %arg12: memref<112xi32, #tpu.memory_space<vmem>>, %arg13: memref<112xi32, #tpu.memory_space<vmem>>, %arg14: memref<112xi32, #tpu.memory_space<vmem>>, %arg15: memref<112xi32, #tpu.memory_space<vmem>>, %arg16: memref<112xi32, #tpu.memory_space<vmem>>, %arg17: memref<112xi32, #tpu.memory_space<vmem>>, %arg18: memref<112x128xf32, #tpu.memory_space<vmem>>, %arg19: memref<112x128xf32, #tpu.memory_space<vmem>>, %arg20: memref<112x128xf32, #tpu.memory_space<vmem>>, %arg21: memref<10512x128xf32, #tpu.memory_space<vmem_shared>>, %arg22: memref<3x!tpu.dma_semaphore, #tpu.memory_space<semaphore_mem>>, %arg23: memref<3x!tpu.dma_semaphore, #tpu.memory_space<semaphore_mem>>, %arg24: memref<6x!tpu.dma_semaphore, #tpu.memory_space<semaphore_mem>>, %arg25: memref<6x!tpu.dma_semaphore, #tpu.memory_space<semaphore_mem>>) attributes {dimension_semantics = [#tpu.dimension_semantics<core_parallel>, #tpu.dimension_semantics<subcore_parallel>], iteration_bounds = array<i64: 2, 16>, scalar_prefetch = 0 : i64, scratch_operands = 20 : i64, tpu.core_type = #tpu.core_type<sc_vector_subcore>, window_params = [{transform_indices = #map}, {transform_indices = #map1}, {transform_indices = #map1}, {transform_indices = #map2}]} {
    %mul3A = arith.constant 16 : i32
    %mul3A_0 = arith.muli %arg0, %mul3A : i32
    %add3A = arith.addi %mul3A_0, %arg1 : i32
    %mul3A_1 = arith.constant 90 : i32
    %mul3A_2 = arith.muli %add3A, %mul3A_1 : i32
    %mul3A_3 = arith.constant 112 : i32
    %mul3A_4 = arith.muli %mul3A_2, %mul3A_3 : i32
    %add3A_5 = arith.constant 0 : i32
    %add3A_6 = arith.addi %mul3A_4, %add3A_5 : i32
    %dma_start3A = arith.constant 0 : i32
    %dma_start3A_7 = tpu.memref_slice %arg3[%add3A_6] : memref<322560xi32, #tpu.memory_space<hbm>> -> memref<112xi32, #tpu.memory_space<hbm>>
    %dma_start3A_8 = tpu.memref_slice %arg24[%dma_start3A] : memref<6x!tpu.dma_semaphore, #tpu.memory_space<semaphore_mem>> -> memref<1x!tpu.dma_semaphore, #tpu.memory_space<semaphore_mem>>
    %dma_start3A_9 = tpu.memref_squeeze %dma_start3A_8 : memref<1x!tpu.dma_semaphore, #tpu.memory_space<semaphore_mem>> -> memref<!tpu.dma_semaphore, #tpu.memory_space<semaphore_mem>>
    %dma_start3A_10 = tpu.memref_slice %arg3[%add3A_6] : memref<322560xi32, #tpu.memory_space<hbm>> -> memref<112xi32, #tpu.memory_space<hbm>>
    tpu.enqueue_dma source(%dma_start3A_10 : memref<112xi32, #tpu.memory_space<hbm>>) target(%arg6 : memref<112xi32, #tpu.memory_space<vmem>>) target_semaphore(%dma_start3A_9 : memref<!tpu.dma_semaphore, #tpu.memory_space<semaphore_mem>>)
    %dma_start3A_11 = arith.constant 0 : i32
    %dma_start3A_12 = tpu.memref_slice %arg4[%add3A_6] : memref<322560xi32, #tpu.memory_space<hbm>> -> memref<112xi32, #tpu.memory_space<hbm>>
    %dma_start3A_13 = tpu.memref_slice %arg25[%dma_start3A_11] : memref<6x!tpu.dma_semaphore, #tpu.memory_space<semaphore_mem>> -> memref<1x!tpu.dma_semaphore, #tpu.memory_space<semaphore_mem>>
    %dma_start3A_14 = tpu.memref_squeeze %dma_start3A_13 : memref<1x!tpu.dma_semaphore, #tpu.memory_space<semaphore_mem>> -> memref<!tpu.dma_semaphore, #tpu.memory_space<semaphore_mem>>
    %dma_start3A_15 = tpu.memref_slice %arg4[%add3A_6] : memref<322560xi32, #tpu.memory_space<hbm>> -> memref<112xi32, #tpu.memory_space<hbm>>
    tpu.enqueue_dma source(%dma_start3A_15 : memref<112xi32, #tpu.memory_space<hbm>>) target(%arg12 : memref<112xi32, #tpu.memory_space<vmem>>) target_semaphore(%dma_start3A_14 : memref<!tpu.dma_semaphore, #tpu.memory_space<semaphore_mem>>)
    %add3A_16 = arith.constant 112 : i32
    %add3A_17 = arith.addi %mul3A_4, %add3A_16 : i32
    %dma_start3A_18 = arith.constant 1 : i32
    %dma_start3A_19 = tpu.memref_slice %arg3[%add3A_17] : memref<322560xi32, #tpu.memory_space<hbm>> -> memref<112xi32, #tpu.memory_space<hbm>>
    %dma_start3A_20 = tpu.memref_slice %arg24[%dma_start3A_18] : memref<6x!tpu.dma_semaphore, #tpu.memory_space<semaphore_mem>> -> memref<1x!tpu.dma_semaphore, #tpu.memory_space<semaphore_mem>>
    %dma_start3A_21 = tpu.memref_squeeze %dma_start3A_20 : memref<1x!tpu.dma_semaphore, #tpu.memory_space<semaphore_mem>> -> memref<!tpu.dma_semaphore, #tpu.memory_space<semaphore_mem>>
    %dma_start3A_22 = tpu.memref_slice %arg3[%add3A_17] : memref<322560xi32, #tpu.memory_space<hbm>> -> memref<112xi32, #tpu.memory_space<hbm>>
    tpu.enqueue_dma source(%dma_start3A_22 : memref<112xi32, #tpu.memory_space<hbm>>) target(%arg7 : memref<112xi32, #tpu.memory_space<vmem>>) target_semaphore(%dma_start3A_21 : memref<!tpu.dma_semaphore, #tpu.memory_space<semaphore_mem>>)
    %dma_start3A_23 = arith.constant 1 : i32
    %dma_start3A_24 = tpu.memref_slice %arg4[%add3A_17] : memref<322560xi32, #tpu.memory_space<hbm>> -> memref<112xi32, #tpu.memory_space<hbm>>
    %dma_start3A_25 = tpu.memref_slice %arg25[%dma_start3A_23] : memref<6x!tpu.dma_semaphore, #tpu.memory_space<semaphore_mem>> -> memref<1x!tpu.dma_semaphore, #tpu.memory_space<semaphore_mem>>
    %dma_start3A_26 = tpu.memref_squeeze %dma_start3A_25 : memref<1x!tpu.dma_semaphore, #tpu.memory_space<semaphore_mem>> -> memref<!tpu.dma_semaphore, #tpu.memory_space<semaphore_mem>>
    %dma_start3A_27 = tpu.memref_slice %arg4[%add3A_17] : memref<322560xi32, #tpu.memory_space<hbm>> -> memref<112xi32, #tpu.memory_space<hbm>>
    tpu.enqueue_dma source(%dma_start3A_27 : memref<112xi32, #tpu.memory_space<hbm>>) target(%arg13 : memref<112xi32, #tpu.memory_space<vmem>>) target_semaphore(%dma_start3A_26 : memref<!tpu.dma_semaphore, #tpu.memory_space<semaphore_mem>>)
    %add3A_28 = arith.constant 224 : i32
    %add3A_29 = arith.addi %mul3A_4, %add3A_28 : i32
    %dma_start3A_30 = arith.constant 2 : i32
    %dma_start3A_31 = tpu.memref_slice %arg3[%add3A_29] : memref<322560xi32, #tpu.memory_space<hbm>> -> memref<112xi32, #tpu.memory_space<hbm>>
    %dma_start3A_32 = tpu.memref_slice %arg24[%dma_start3A_30] : memref<6x!tpu.dma_semaphore, #tpu.memory_space<semaphore_mem>> -> memref<1x!tpu.dma_semaphore, #tpu.memory_space<semaphore_mem>>
    %dma_start3A_33 = tpu.memref_squeeze %dma_start3A_32 : memref<1x!tpu.dma_semaphore, #tpu.memory_space<semaphore_mem>> -> memref<!tpu.dma_semaphore, #tpu.memory_space<semaphore_mem>>
    %dma_start3A_34 = tpu.memref_slice %arg3[%add3A_29] : memref<322560xi32, #tpu.memory_space<hbm>> -> memref<112xi32, #tpu.memory_space<hbm>>
    tpu.enqueue_dma source(%dma_start3A_34 : memref<112xi32, #tpu.memory_space<hbm>>) target(%arg8 : memref<112xi32, #tpu.memory_space<vmem>>) target_semaphore(%dma_start3A_33 : memref<!tpu.dma_semaphore, #tpu.memory_space<semaphore_mem>>)
    %dma_start3A_35 = arith.constant 2 : i32
    %dma_start3A_36 = tpu.memref_slice %arg4[%add3A_29] : memref<322560xi32, #tpu.memory_space<hbm>> -> memref<112xi32, #tpu.memory_space<hbm>>
    %dma_start3A_37 = tpu.memref_slice %arg25[%dma_start3A_35] : memref<6x!tpu.dma_semaphore, #tpu.memory_space<semaphore_mem>> -> memref<1x!tpu.dma_semaphore, #tpu.memory_space<semaphore_mem>>
    %dma_start3A_38 = tpu.memref_squeeze %dma_start3A_37 : memref<1x!tpu.dma_semaphore, #tpu.memory_space<semaphore_mem>> -> memref<!tpu.dma_semaphore, #tpu.memory_space<semaphore_mem>>
    %dma_start3A_39 = tpu.memref_slice %arg4[%add3A_29] : memref<322560xi32, #tpu.memory_space<hbm>> -> memref<112xi32, #tpu.memory_space<hbm>>
    tpu.enqueue_dma source(%dma_start3A_39 : memref<112xi32, #tpu.memory_space<hbm>>) target(%arg14 : memref<112xi32, #tpu.memory_space<vmem>>) target_semaphore(%dma_start3A_38 : memref<!tpu.dma_semaphore, #tpu.memory_space<semaphore_mem>>)
    %add3A_40 = arith.constant 336 : i32
    %add3A_41 = arith.addi %mul3A_4, %add3A_40 : i32
    %dma_start3A_42 = arith.constant 3 : i32
    %dma_start3A_43 = tpu.memref_slice %arg3[%add3A_41] : memref<322560xi32, #tpu.memory_space<hbm>> -> memref<112xi32, #tpu.memory_space<hbm>>
    %dma_start3A_44 = tpu.memref_slice %arg24[%dma_start3A_42] : memref<6x!tpu.dma_semaphore, #tpu.memory_space<semaphore_mem>> -> memref<1x!tpu.dma_semaphore, #tpu.memory_space<semaphore_mem>>
    %dma_start3A_45 = tpu.memref_squeeze %dma_start3A_44 : memref<1x!tpu.dma_semaphore, #tpu.memory_space<semaphore_mem>> -> memref<!tpu.dma_semaphore, #tpu.memory_space<semaphore_mem>>
    %dma_start3A_46 = tpu.memref_slice %arg3[%add3A_41] : memref<322560xi32, #tpu.memory_space<hbm>> -> memref<112xi32, #tpu.memory_space<hbm>>
    tpu.enqueue_dma source(%dma_start3A_46 : memref<112xi32, #tpu.memory_space<hbm>>) target(%arg9 : memref<112xi32, #tpu.memory_space<vmem>>) target_semaphore(%dma_start3A_45 : memref<!tpu.dma_semaphore, #tpu.memory_space<semaphore_mem>>)
    %dma_start3A_47 = arith.constant 3 : i32
    %dma_start3A_48 = tpu.memref_slice %arg4[%add3A_41] : memref<322560xi32, #tpu.memory_space<hbm>> -> memref<112xi32, #tpu.memory_space<hbm>>
    %dma_start3A_49 = tpu.memref_slice %arg25[%dma_start3A_47] : memref<6x!tpu.dma_semaphore, #tpu.memory_space<semaphore_mem>> -> memref<1x!tpu.dma_semaphore, #tpu.memory_space<semaphore_mem>>
    %dma_start3A_50 = tpu.memref_squeeze %dma_start3A_49 : memref<1x!tpu.dma_semaphore, #tpu.memory_space<semaphore_mem>> -> memref<!tpu.dma_semaphore, #tpu.memory_space<semaphore_mem>>
    %dma_start3A_51 = tpu.memref_slice %arg4[%add3A_41] : memref<322560xi32, #tpu.memory_space<hbm>> -> memref<112xi32, #tpu.memory_space<hbm>>
    tpu.enqueue_dma source(%dma_start3A_51 : memref<112xi32, #tpu.memory_space<hbm>>) target(%arg15 : memref<112xi32, #tpu.memory_space<vmem>>) target_semaphore(%dma_start3A_50 : memref<!tpu.dma_semaphore, #tpu.memory_space<semaphore_mem>>)
    %add3A_52 = arith.constant 0 : i32
    %add3A_53 = arith.addi %mul3A_4, %add3A_52 : i32
    %dma_wait3A = arith.constant 0 : i32
    %dma_wait3A_54 = tpu.memref_slice %arg3[%add3A_53] : memref<322560xi32, #tpu.memory_space<hbm>> -> memref<112xi32, #tpu.memory_space<hbm>>
    %dma_wait3A_55 = tpu.memref_slice %arg24[%dma_wait3A] : memref<6x!tpu.dma_semaphore, #tpu.memory_space<semaphore_mem>> -> memref<1x!tpu.dma_semaphore, #tpu.memory_space<semaphore_mem>>
    %dma_wait3A_56 = tpu.memref_squeeze %dma_wait3A_55 : memref<1x!tpu.dma_semaphore, #tpu.memory_space<semaphore_mem>> -> memref<!tpu.dma_semaphore, #tpu.memory_space<semaphore_mem>>
    %dma_wait3A_57 = tpu.memref_slice %arg3[%add3A_53] : memref<322560xi32, #tpu.memory_space<hbm>> -> memref<112xi32, #tpu.memory_space<hbm>>
    tpu.wait_dma2 semaphore(%dma_wait3A_56 : memref<!tpu.dma_semaphore, #tpu.memory_space<semaphore_mem>>) src(%dma_wait3A_57 : memref<112xi32, #tpu.memory_space<hbm>>) dst(%arg6 : memref<112xi32, #tpu.memory_space<vmem>>)
    %dma_wait3A_58 = arith.constant 0 : i32
    %dma_wait3A_59 = tpu.memref_slice %arg4[%add3A_53] : memref<322560xi32, #tpu.memory_space<hbm>> -> memref<112xi32, #tpu.memory_space<hbm>>
    %dma_wait3A_60 = tpu.memref_slice %arg25[%dma_wait3A_58] : memref<6x!tpu.dma_semaphore, #tpu.memory_space<semaphore_mem>> -> memref<1x!tpu.dma_semaphore, #tpu.memory_space<semaphore_mem>>
    %dma_wait3A_61 = tpu.memref_squeeze %dma_wait3A_60 : memref<1x!tpu.dma_semaphore, #tpu.memory_space<semaphore_mem>> -> memref<!tpu.dma_semaphore, #tpu.memory_space<semaphore_mem>>
    %dma_wait3A_62 = tpu.memref_slice %arg4[%add3A_53] : memref<322560xi32, #tpu.memory_space<hbm>> -> memref<112xi32, #tpu.memory_space<hbm>>
    tpu.wait_dma2 semaphore(%dma_wait3A_61 : memref<!tpu.dma_semaphore, #tpu.memory_space<semaphore_mem>>) src(%dma_wait3A_62 : memref<112xi32, #tpu.memory_space<hbm>>) dst(%arg12 : memref<112xi32, #tpu.memory_space<vmem>>)
    %dma_start3A_63 = arith.constant 0 : i32
    %dma_start3A_64 = arith.constant 0 : i32
    %dma_start3A_65 = arith.constant 0 : i32
    %dma_start3A_66 = tpu.memref_slice %arg2[%dma_start3A_64, %dma_start3A_65] : memref<10000x128xf32, #tpu.memory_space<hbm>> -> memref<10000x128xf32, #tpu.memory_space<hbm>>
    %dma_start3A_67 = tpu.memref_slice %arg22[%dma_start3A_63] : memref<3x!tpu.dma_semaphore, #tpu.memory_space<semaphore_mem>> -> memref<1x!tpu.dma_semaphore, #tpu.memory_space<semaphore_mem>>
    %dma_start3A_68 = tpu.memref_squeeze %dma_start3A_67 : memref<1x!tpu.dma_semaphore, #tpu.memory_space<semaphore_mem>> -> memref<!tpu.dma_semaphore, #tpu.memory_space<semaphore_mem>>
    tpu.enqueue_indirect_dma source(%dma_start3A_66 : memref<10000x128xf32, #tpu.memory_space<hbm>>) target(%arg18 : memref<112x128xf32, #tpu.memory_space<vmem>>) offsets(%arg6 : memref<112xi32, #tpu.memory_space<vmem>>) semaphore(%dma_start3A_68 : memref<!tpu.dma_semaphore, #tpu.memory_space<semaphore_mem>>)
    %add3A_69 = arith.constant 112 : i32
    %add3A_70 = arith.addi %mul3A_4, %add3A_69 : i32
    %dma_wait3A_71 = arith.constant 1 : i32
    %dma_wait3A_72 = tpu.memref_slice %arg3[%add3A_70] : memref<322560xi32, #tpu.memory_space<hbm>> -> memref<112xi32, #tpu.memory_space<hbm>>
    %dma_wait3A_73 = tpu.memref_slice %arg24[%dma_wait3A_71] : memref<6x!tpu.dma_semaphore, #tpu.memory_space<semaphore_mem>> -> memref<1x!tpu.dma_semaphore, #tpu.memory_space<semaphore_mem>>
    %dma_wait3A_74 = tpu.memref_squeeze %dma_wait3A_73 : memref<1x!tpu.dma_semaphore, #tpu.memory_space<semaphore_mem>> -> memref<!tpu.dma_semaphore, #tpu.memory_space<semaphore_mem>>
    %dma_wait3A_75 = tpu.memref_slice %arg3[%add3A_70] : memref<322560xi32, #tpu.memory_space<hbm>> -> memref<112xi32, #tpu.memory_space<hbm>>
    tpu.wait_dma2 semaphore(%dma_wait3A_74 : memref<!tpu.dma_semaphore, #tpu.memory_space<semaphore_mem>>) src(%dma_wait3A_75 : memref<112xi32, #tpu.memory_space<hbm>>) dst(%arg7 : memref<112xi32, #tpu.memory_space<vmem>>)
    %dma_wait3A_76 = arith.constant 1 : i32
    %dma_wait3A_77 = tpu.memref_slice %arg4[%add3A_70] : memref<322560xi32, #tpu.memory_space<hbm>> -> memref<112xi32, #tpu.memory_space<hbm>>
    %dma_wait3A_78 = tpu.memref_slice %arg25[%dma_wait3A_76] : memref<6x!tpu.dma_semaphore, #tpu.memory_space<semaphore_mem>> -> memref<1x!tpu.dma_semaphore, #tpu.memory_space<semaphore_mem>>
    %dma_wait3A_79 = tpu.memref_squeeze %dma_wait3A_78 : memref<1x!tpu.dma_semaphore, #tpu.memory_space<semaphore_mem>> -> memref<!tpu.dma_semaphore, #tpu.memory_space<semaphore_mem>>
    %dma_wait3A_80 = tpu.memref_slice %arg4[%add3A_70] : memref<322560xi32, #tpu.memory_space<hbm>> -> memref<112xi32, #tpu.memory_space<hbm>>
    tpu.wait_dma2 semaphore(%dma_wait3A_79 : memref<!tpu.dma_semaphore, #tpu.memory_space<semaphore_mem>>) src(%dma_wait3A_80 : memref<112xi32, #tpu.memory_space<hbm>>) dst(%arg13 : memref<112xi32, #tpu.memory_space<vmem>>)
    %dma_start3A_81 = arith.constant 1 : i32
    %dma_start3A_82 = arith.constant 0 : i32
    %dma_start3A_83 = arith.constant 0 : i32
    %dma_start3A_84 = tpu.memref_slice %arg2[%dma_start3A_82, %dma_start3A_83] : memref<10000x128xf32, #tpu.memory_space<hbm>> -> memref<10000x128xf32, #tpu.memory_space<hbm>>
    %dma_start3A_85 = tpu.memref_slice %arg22[%dma_start3A_81] : memref<3x!tpu.dma_semaphore, #tpu.memory_space<semaphore_mem>> -> memref<1x!tpu.dma_semaphore, #tpu.memory_space<semaphore_mem>>
    %dma_start3A_86 = tpu.memref_squeeze %dma_start3A_85 : memref<1x!tpu.dma_semaphore, #tpu.memory_space<semaphore_mem>> -> memref<!tpu.dma_semaphore, #tpu.memory_space<semaphore_mem>>
    tpu.enqueue_indirect_dma source(%dma_start3A_84 : memref<10000x128xf32, #tpu.memory_space<hbm>>) target(%arg19 : memref<112x128xf32, #tpu.memory_space<vmem>>) offsets(%arg7 : memref<112xi32, #tpu.memory_space<vmem>>) semaphore(%dma_start3A_86 : memref<!tpu.dma_semaphore, #tpu.memory_space<semaphore_mem>>)
    %broadcast_in_dim3A = arith.constant 0.000000e+00 : f32
    %broadcast_in_dim3A_87 = vector.broadcast %broadcast_in_dim3A : f32 to vector<16xf32>
    %scan3A = arith.constant 0 : i32
    %scan3A_88 = arith.constant 0 : i32
    %scan3A_89 = arith.constant 112 : i32
    %scan3A_90 = arith.addi %scan3A_88, %scan3A_89 : i32
    %scan3A_91 = arith.constant 1 : i32
    %scan3A_92 = scf.for %scan3A_130 = %scan3A_88 to %scan3A_90 step %scan3A_91 iter_args(%scan3A_131 = %scan3A) -> (i32)  : i32 {
      %scan3A_132 = arith.constant 0 : i32
      %scan3A_133 = arith.constant 0 : i32
      %scan3A_134 = arith.constant 8 : i32
      %scan3A_135 = arith.addi %scan3A_133, %scan3A_134 : i32
      %scan3A_136 = arith.constant 1 : i32
      %scan3A_137 = scf.for %scan3A_139 = %scan3A_133 to %scan3A_135 step %scan3A_136 iter_args(%scan3A_140 = %scan3A_132) -> (i32)  : i32 {
        %mul3A_141 = arith.constant 16 : i32
        %mul3A_142 = arith.muli %scan3A_139, %mul3A_141 : i32
        %swap3A = arith.index_cast %scan3A_130 : i32 to index
        %swap3A_143 = arith.index_cast %mul3A_142 : i32 to index
        %swap3A_144 = tpu.vector_load %arg20[%swap3A, %swap3A_143] {strides = array<i32>} : memref<112x128xf32, #tpu.memory_space<vmem>>, vector<1x16xf32>,
        %swap3A_145 = vector.shape_cast %swap3A_144 : vector<1x16xf32> to vector<16xf32>
        %swap3A_146 = vector.shape_cast %broadcast_in_dim3A_87 : vector<16xf32> to vector<1x16xf32>
        tpu.vector_store %arg20[%swap3A, %swap3A_143], %swap3A_146 {strides = array<i32>} : memref<112x128xf32, #tpu.memory_space<vmem>>, vector<1x16xf32>,
        %scan3A_147 = arith.constant 0 : i32
        scf.yield %scan3A_147 : i32
      }
      %scan3A_138 = arith.constant 8 : i32
      scf.yield %scan3A_137 : i32
    }
    %scan3A_93 = arith.constant 112 : i32
    %scan3A_94 = arith.constant 0 : i32
    %scan3A_95 = arith.constant 0 : i32
    %scan3A_96 = arith.constant 5 : i32
    %scan3A_97 = arith.addi %scan3A_95, %scan3A_96 : i32
    %scan3A_98 = arith.constant 1 : i32
    %scan3A_99 = scf.for %scan3A_130 = %scan3A_95 to %scan3A_97 step %scan3A_98 iter_args(%scan3A_131 = %scan3A_94) -> (i32)  : i32 {
      %mul3A_132 = arith.constant 624 : i32
      %mul3A_133 = arith.muli %arg1, %mul3A_132 : i32
      %mul3A_134 = arith.constant 112 : i32
      %mul3A_135 = arith.muli %scan3A_130, %mul3A_134 : i32
      %add3A_136 = arith.addi %mul3A_133, %mul3A_135 : i32
      "tpu.region"() ({
        %run_scoped3A = tpu.sem_alloc : memref<!tpu.dma_semaphore, #tpu.memory_space<semaphore_mem>>
        %dma_start3A_138 = arith.constant 0 : i32
        %dma_start3A_139 = tpu.memref_slice %arg21[%add3A_136, %dma_start3A_138] : memref<10512x128xf32, #tpu.memory_space<vmem_shared>> -> memref<112x128xf32, #tpu.memory_space<vmem_shared>>
        %dma_start3A_140 = arith.constant 0 : i32
        %dma_start3A_141 = tpu.memref_slice %arg21[%add3A_136, %dma_start3A_140] : memref<10512x128xf32, #tpu.memory_space<vmem_shared>> -> memref<112x128xf32, #tpu.memory_space<vmem_shared>>
        tpu.enqueue_dma source(%arg20 : memref<112x128xf32, #tpu.memory_space<vmem>>) target(%dma_start3A_141 : memref<112x128xf32, #tpu.memory_space<vmem_shared>>) target_semaphore(%run_scoped3A : memref<!tpu.dma_semaphore, #tpu.memory_space<semaphore_mem>>)
        %dma_wait3A_142 = arith.constant 0 : i32
        %dma_wait3A_143 = tpu.memref_slice %arg21[%add3A_136, %dma_wait3A_142] : memref<10512x128xf32, #tpu.memory_space<vmem_shared>> -> memref<112x128xf32, #tpu.memory_space<vmem_shared>>
        %dma_wait3A_144 = arith.constant 0 : i32
        %dma_wait3A_145 = tpu.memref_slice %arg21[%add3A_136, %dma_wait3A_144] : memref<10512x128xf32, #tpu.memory_space<vmem_shared>> -> memref<112x128xf32, #tpu.memory_space<vmem_shared>>
        tpu.wait_dma2 semaphore(%run_scoped3A : memref<!tpu.dma_semaphore, #tpu.memory_space<semaphore_mem>>) src(%arg20 : memref<112x128xf32, #tpu.memory_space<vmem>>) dst(%dma_wait3A_145 : memref<112x128xf32, #tpu.memory_space<vmem_shared>>)
        tpu.yield
      }) : () -> ()
      %scan3A_137 = arith.constant 0 : i32
      scf.yield %scan3A_137 : i32
    }
    %scan3A_100 = arith.constant 5 : i32
    %mul3A_101 = arith.constant 624 : i32
    %mul3A_102 = arith.muli %arg1, %mul3A_101 : i32
    %add3A_103 = arith.constant 560 : i32
    %add3A_104 = arith.addi %mul3A_102, %add3A_103 : i32
    "tpu.region"() ({
      %run_scoped3A = tpu.sem_alloc : memref<!tpu.dma_semaphore, #tpu.memory_space<semaphore_mem>>
      %dma_start3A_130 = arith.constant 0 : i32
      %dma_start3A_131 = arith.constant 0 : i32
      %dma_start3A_132 = tpu.memref_slice %arg20[%dma_start3A_130, %dma_start3A_131] : memref<112x128xf32, #tpu.memory_space<vmem>> -> memref<64x128xf32, #tpu.memory_space<vmem>>
      %dma_start3A_133 = arith.constant 0 : i32
      %dma_start3A_134 = tpu.memref_slice %arg21[%add3A_104, %dma_start3A_133] : memref<10512x128xf32, #tpu.memory_space<vmem_shared>> -> memref<64x128xf32, #tpu.memory_space<vmem_shared>>
      %dma_start3A_135 = arith.constant 0 : i32
      %dma_start3A_136 = tpu.memref_slice %arg21[%add3A_104, %dma_start3A_135] : memref<10512x128xf32, #tpu.memory_space<vmem_shared>> -> memref<64x128xf32, #tpu.memory_space<vmem_shared>>
      %dma_start3A_137 = arith.constant 0 : i32
      %dma_start3A_138 = arith.constant 0 : i32
      %dma_start3A_139 = tpu.memref_slice %arg20[%dma_start3A_137, %dma_start3A_138] : memref<112x128xf32, #tpu.memory_space<vmem>> -> memref<64x128xf32, #tpu.memory_space<vmem>>
      tpu.enqueue_dma source(%dma_start3A_139 : memref<64x128xf32, #tpu.memory_space<vmem>>) target(%dma_start3A_136 : memref<64x128xf32, #tpu.memory_space<vmem_shared>>) target_semaphore(%run_scoped3A : memref<!tpu.dma_semaphore, #tpu.memory_space<semaphore_mem>>)
      %dma_wait3A_140 = arith.constant 0 : i32
      %dma_wait3A_141 = arith.constant 0 : i32
      %dma_wait3A_142 = tpu.memref_slice %arg20[%dma_wait3A_140, %dma_wait3A_141] : memref<112x128xf32, #tpu.memory_space<vmem>> -> memref<64x128xf32, #tpu.memory_space<vmem>>
      %dma_wait3A_143 = arith.constant 0 : i32
      %dma_wait3A_144 = tpu.memref_slice %arg21[%add3A_104, %dma_wait3A_143] : memref<10512x128xf32, #tpu.memory_space<vmem_shared>> -> memref<64x128xf32, #tpu.memory_space<vmem_shared>>
      %dma_wait3A_145 = arith.constant 0 : i32
      %dma_wait3A_146 = tpu.memref_slice %arg21[%add3A_104, %dma_wait3A_145] : memref<10512x128xf32, #tpu.memory_space<vmem_shared>> -> memref<64x128xf32, #tpu.memory_space<vmem_shared>>
      %dma_wait3A_147 = arith.constant 0 : i32
      %dma_wait3A_148 = arith.constant 0 : i32
      %dma_wait3A_149 = tpu.memref_slice %arg20[%dma_wait3A_147, %dma_wait3A_148] : memref<112x128xf32, #tpu.memory_space<vmem>> -> memref<64x128xf32, #tpu.memory_space<vmem>>
      tpu.wait_dma2 semaphore(%run_scoped3A : memref<!tpu.dma_semaphore, #tpu.memory_space<semaphore_mem>>) src(%dma_wait3A_149 : memref<64x128xf32, #tpu.memory_space<vmem>>) dst(%dma_wait3A_146 : memref<64x128xf32, #tpu.memory_space<vmem_shared>>)
      tpu.yield
    }) : () -> ()
    %eq3A = arith.constant 15 : i32
    %eq3A_105 = arith.cmpi eq, %arg1, %eq3A : i32
    %convert_element_type3A = arith.extui %eq3A_105 : i1 to i32
    %cond3A = arith.constant 0 : i32
    %cond3A_106 = arith.cmpi ne, %convert_element_type3A, %cond3A : i32
    scf.if %cond3A_106 {
      "tpu.region"() ({
        %run_scoped3A = tpu.sem_alloc : memref<!tpu.dma_semaphore, #tpu.memory_space<semaphore_mem>>
        %dma_start3A_130 = arith.constant 0 : i32
        %dma_start3A_131 = arith.constant 0 : i32
        %dma_start3A_132 = tpu.memref_slice %arg20[%dma_start3A_130, %dma_start3A_131] : memref<112x128xf32, #tpu.memory_space<vmem>> -> memref<16x128xf32, #tpu.memory_space<vmem>>
        %dma_start3A_133 = arith.constant 9984 : i32
        %dma_start3A_134 = arith.constant 0 : i32
        %dma_start3A_135 = tpu.memref_slice %arg21[%dma_start3A_133, %dma_start3A_134] : memref<10512x128xf32, #tpu.memory_space<vmem_shared>> -> memref<16x128xf32, #tpu.memory_space<vmem_shared>>
        %dma_start3A_136 = arith.constant 9984 : i32
        %dma_start3A_137 = arith.constant 0 : i32
        %dma_start3A_138 = tpu.memref_slice %arg21[%dma_start3A_136, %dma_start3A_137] : memref<10512x128xf32, #tpu.memory_space<vmem_shared>> -> memref<16x128xf32, #tpu.memory_space<vmem_shared>>
        %dma_start3A_139 = arith.constant 0 : i32
        %dma_start3A_140 = arith.constant 0 : i32
        %dma_start3A_141 = tpu.memref_slice %arg20[%dma_start3A_139, %dma_start3A_140] : memref<112x128xf32, #tpu.memory_space<vmem>> -> memref<16x128xf32, #tpu.memory_space<vmem>>
        tpu.enqueue_dma source(%dma_start3A_141 : memref<16x128xf32, #tpu.memory_space<vmem>>) target(%dma_start3A_138 : memref<16x128xf32, #tpu.memory_space<vmem_shared>>) target_semaphore(%run_scoped3A : memref<!tpu.dma_semaphore, #tpu.memory_space<semaphore_mem>>)
        %dma_wait3A_142 = arith.constant 0 : i32
        %dma_wait3A_143 = arith.constant 0 : i32
        %dma_wait3A_144 = tpu.memref_slice %arg20[%dma_wait3A_142, %dma_wait3A_143] : memref<112x128xf32, #tpu.memory_space<vmem>> -> memref<16x128xf32, #tpu.memory_space<vmem>>
        %dma_wait3A_145 = arith.constant 9984 : i32
        %dma_wait3A_146 = arith.constant 0 : i32
        %dma_wait3A_147 = tpu.memref_slice %arg21[%dma_wait3A_145, %dma_wait3A_146] : memref<10512x128xf32, #tpu.memory_space<vmem_shared>> -> memref<16x128xf32, #tpu.memory_space<vmem_shared>>
        %dma_wait3A_148 = arith.constant 9984 : i32
        %dma_wait3A_149 = arith.constant 0 : i32
        %dma_wait3A_150 = tpu.memref_slice %arg21[%dma_wait3A_148, %dma_wait3A_149] : memref<10512x128xf32, #tpu.memory_space<vmem_shared>> -> memref<16x128xf32, #tpu.memory_space<vmem_shared>>
        %dma_wait3A_151 = arith.constant 0 : i32
        %dma_wait3A_152 = arith.constant 0 : i32
        %dma_wait3A_153 = tpu.memref_slice %arg20[%dma_wait3A_151, %dma_wait3A_152] : memref<112x128xf32, #tpu.memory_space<vmem>> -> memref<16x128xf32, #tpu.memory_space<vmem>>
        tpu.wait_dma2 semaphore(%run_scoped3A : memref<!tpu.dma_semaphore, #tpu.memory_space<semaphore_mem>>) src(%dma_wait3A_153 : memref<16x128xf32, #tpu.memory_space<vmem>>) dst(%dma_wait3A_150 : memref<16x128xf32, #tpu.memory_space<vmem_shared>>)
        tpu.yield
      }) : () -> ()
    } else {
    }
    %barrier3A = arith.constant 0 : index
    tpu.barrier barrier_id(%barrier3A)
    %scan3A_107 = arith.constant 0 : i32
    %scan3A_108 = arith.constant 0 : i32
    %scan3A_109 = arith.constant 15 : i32
    %scan3A_110 = arith.addi %scan3A_108, %scan3A_109 : i32
    %scan3A_111 = arith.constant 1 : i32
    %scan3A_112 = scf.for %scan3A_130 = %scan3A_108 to %scan3A_110 step %scan3A_111 iter_args(%scan3A_131 = %scan3A_107) -> (i32)  : i32 {
      %mul3A_132 = arith.constant 6 : i32
      %mul3A_133 = arith.muli %mul3A_132, %scan3A_130 : i32
      %add3A_134 = arith.constant 0 : i32
      %add3A_135 = arith.addi %mul3A_133, %add3A_134 : i32
      %mul3A_136 = arith.constant 112 : i32
      %mul3A_137 = arith.muli %add3A_135, %mul3A_136 : i32
      %add3A_138 = arith.addi %mul3A_4, %mul3A_137 : i32
      %dma_wait3A_139 = arith.constant 0 : i32
      %dma_wait3A_140 = arith.constant 0 : i32
      %dma_wait3A_141 = arith.constant 0 : i32
      %dma_wait3A_142 = tpu.memref_slice %arg2[%dma_wait3A_140, %dma_wait3A_141] : memref<10000x128xf32, #tpu.memory_space<hbm>> -> memref<10000x128xf32, #tpu.memory_space<hbm>>
      %dma_wait3A_143 = tpu.memref_slice %arg22[%dma_wait3A_139] : memref<3x!tpu.dma_semaphore, #tpu.memory_space<semaphore_mem>> -> memref<1x!tpu.dma_semaphore, #tpu.memory_space<semaphore_mem>>
      %dma_wait3A_144 = tpu.memref_squeeze %dma_wait3A_143 : memref<1x!tpu.dma_semaphore, #tpu.memory_space<semaphore_mem>> -> memref<!tpu.dma_semaphore, #tpu.memory_space<semaphore_mem>>
      tpu.wait_indirect_dma semaphore(%dma_wait3A_144 : memref<!tpu.dma_semaphore, #tpu.memory_space<semaphore_mem>>) src(%dma_wait3A_142 : memref<10000x128xf32, #tpu.memory_space<hbm>>) dst(%arg18 : memref<112x128xf32, #tpu.memory_space<vmem>>)
      %dma_start3A_145 = arith.constant 0 : i32
      %dma_start3A_146 = arith.constant 0 : i32
      %dma_start3A_147 = arith.constant 0 : i32
      %dma_start3A_148 = tpu.memref_slice %arg21[%dma_start3A_146, %dma_start3A_147] : memref<10512x128xf32, #tpu.memory_space<vmem_shared>> -> memref<10512x128xf32, #tpu.memory_space<vmem_shared>>
      %dma_start3A_149 = tpu.memref_slice %arg23[%dma_start3A_145] : memref<3x!tpu.dma_semaphore, #tpu.memory_space<semaphore_mem>> -> memref<1x!tpu.dma_semaphore, #tpu.memory_space<semaphore_mem>>
      %dma_start3A_150 = tpu.memref_squeeze %dma_start3A_149 : memref<1x!tpu.dma_semaphore, #tpu.memory_space<semaphore_mem>> -> memref<!tpu.dma_semaphore, #tpu.memory_space<semaphore_mem>>
      tpu.enqueue_indirect_dma source(%arg18 : memref<112x128xf32, #tpu.memory_space<vmem>>) target(%dma_start3A_148 : memref<10512x128xf32, #tpu.memory_space<vmem_shared>>) offsets(%arg12 : memref<112xi32, #tpu.memory_space<vmem>>) semaphore(%dma_start3A_150 : memref<!tpu.dma_semaphore, #tpu.memory_space<semaphore_mem>>) {add = true}
      %gt3A = arith.constant 0 : i32
      %gt3A_151 = arith.cmpi sgt, %scan3A_130, %gt3A : i32
      %convert_element_type3A_152 = arith.extui %gt3A_151 : i1 to i32
      %cond3A_153 = arith.constant 0 : i32
      %cond3A_154 = arith.cmpi ne, %convert_element_type3A_152, %cond3A_153 : i32
      scf.if %cond3A_154 {
        %dma_wait3A_406 = arith.constant 2 : i32
        %dma_wait3A_407 = arith.constant 0 : i32
        %dma_wait3A_408 = arith.constant 0 : i32
        %dma_wait3A_409 = tpu.memref_slice %arg21[%dma_wait3A_407, %dma_wait3A_408] : memref<10512x128xf32, #tpu.memory_space<vmem_shared>> -> memref<10512x128xf32, #tpu.memory_space<vmem_shared>>
        %dma_wait3A_410 = tpu.memref_slice %arg23[%dma_wait3A_406] : memref<3x!tpu.dma_semaphore, #tpu.memory_space<semaphore_mem>> -> memref<1x!tpu.dma_semaphore, #tpu.memory_space<semaphore_mem>>
        %dma_wait3A_411 = tpu.memref_squeeze %dma_wait3A_410 : memref<1x!tpu.dma_semaphore, #tpu.memory_space<semaphore_mem>> -> memref<!tpu.dma_semaphore, #tpu.memory_space<semaphore_mem>>
        tpu.wait_indirect_dma semaphore(%dma_wait3A_411 : memref<!tpu.dma_semaphore, #tpu.memory_space<semaphore_mem>>) src(%arg20 : memref<112x128xf32, #tpu.memory_space<vmem>>) dst(%dma_wait3A_409 : memref<10512x128xf32, #tpu.memory_space<vmem_shared>>)
      } else {
      }
      %add3A_155 = arith.constant 224 : i32
      %add3A_156 = arith.addi %add3A_138, %add3A_155 : i32
      %dma_wait3A_157 = arith.constant 2 : i32
      %dma_wait3A_158 = tpu.memref_slice %arg3[%add3A_156] : memref<322560xi32, #tpu.memory_space<hbm>> -> memref<112xi32, #tpu.memory_space<hbm>>
      %dma_wait3A_159 = tpu.memref_slice %arg24[%dma_wait3A_157] : memref<6x!tpu.dma_semaphore, #tpu.memory_space<semaphore_mem>> -> memref<1x!tpu.dma_semaphore, #tpu.memory_space<semaphore_mem>>
      %dma_wait3A_160 = tpu.memref_squeeze %dma_wait3A_159 : memref<1x!tpu.dma_semaphore, #tpu.memory_space<semaphore_mem>> -> memref<!tpu.dma_semaphore, #tpu.memory_space<semaphore_mem>>
      %dma_wait3A_161 = tpu.memref_slice %arg3[%add3A_156] : memref<322560xi32, #tpu.memory_space<hbm>> -> memref<112xi32, #tpu.memory_space<hbm>>
      tpu.wait_dma2 semaphore(%dma_wait3A_160 : memref<!tpu.dma_semaphore, #tpu.memory_space<semaphore_mem>>) src(%dma_wait3A_161 : memref<112xi32, #tpu.memory_space<hbm>>) dst(%arg8 : memref<112xi32, #tpu.memory_space<vmem>>)
      %dma_wait3A_162 = arith.constant 2 : i32
      %dma_wait3A_163 = tpu.memref_slice %arg4[%add3A_156] : memref<322560xi32, #tpu.memory_space<hbm>> -> memref<112xi32, #tpu.memory_space<hbm>>
      %dma_wait3A_164 = tpu.memref_slice %arg25[%dma_wait3A_162] : memref<6x!tpu.dma_semaphore, #tpu.memory_space<semaphore_mem>> -> memref<1x!tpu.dma_semaphore, #tpu.memory_space<semaphore_mem>>
      %dma_wait3A_165 = tpu.memref_squeeze %dma_wait3A_164 : memref<1x!tpu.dma_semaphore, #tpu.memory_space<semaphore_mem>> -> memref<!tpu.dma_semaphore, #tpu.memory_space<semaphore_mem>>
      %dma_wait3A_166 = tpu.memref_slice %arg4[%add3A_156] : memref<322560xi32, #tpu.memory_space<hbm>> -> memref<112xi32, #tpu.memory_space<hbm>>
      tpu.wait_dma2 semaphore(%dma_wait3A_165 : memref<!tpu.dma_semaphore, #tpu.memory_space<semaphore_mem>>) src(%dma_wait3A_166 : memref<112xi32, #tpu.memory_space<hbm>>) dst(%arg14 : memref<112xi32, #tpu.memory_space<vmem>>)
      %dma_start3A_167 = arith.constant 2 : i32
      %dma_start3A_168 = arith.constant 0 : i32
      %dma_start3A_169 = arith.constant 0 : i32
      %dma_start3A_170 = tpu.memref_slice %arg2[%dma_start3A_168, %dma_start3A_169] : memref<10000x128xf32, #tpu.memory_space<hbm>> -> memref<10000x128xf32, #tpu.memory_space<hbm>>
      %dma_start3A_171 = tpu.memref_slice %arg22[%dma_start3A_167] : memref<3x!tpu.dma_semaphore, #tpu.memory_space<semaphore_mem>> -> memref<1x!tpu.dma_semaphore, #tpu.memory_space<semaphore_mem>>
      %dma_start3A_172 = tpu.memref_squeeze %dma_start3A_171 : memref<1x!tpu.dma_semaphore, #tpu.memory_space<semaphore_mem>> -> memref<!tpu.dma_semaphore, #tpu.memory_space<semaphore_mem>>
      tpu.enqueue_indirect_dma source(%dma_start3A_170 : memref<10000x128xf32, #tpu.memory_space<hbm>>) target(%arg20 : memref<112x128xf32, #tpu.memory_space<vmem>>) offsets(%arg8 : memref<112xi32, #tpu.memory_space<vmem>>) semaphore(%dma_start3A_172 : memref<!tpu.dma_semaphore, #tpu.memory_space<semaphore_mem>>)
      %add3A_173 = arith.constant 448 : i32
      %add3A_174 = arith.addi %add3A_138, %add3A_173 : i32
      %dma_start3A_175 = arith.constant 4 : i32
      %dma_start3A_176 = tpu.memref_slice %arg3[%add3A_174] : memref<322560xi32, #tpu.memory_space<hbm>> -> memref<112xi32, #tpu.memory_space<hbm>>
      %dma_start3A_177 = tpu.memref_slice %arg24[%dma_start3A_175] : memref<6x!tpu.dma_semaphore, #tpu.memory_space<semaphore_mem>> -> memref<1x!tpu.dma_semaphore, #tpu.memory_space<semaphore_mem>>
      %dma_start3A_178 = tpu.memref_squeeze %dma_start3A_177 : memref<1x!tpu.dma_semaphore, #tpu.memory_space<semaphore_mem>> -> memref<!tpu.dma_semaphore, #tpu.memory_space<semaphore_mem>>
      %dma_start3A_179 = tpu.memref_slice %arg3[%add3A_174] : memref<322560xi32, #tpu.memory_space<hbm>> -> memref<112xi32, #tpu.memory_space<hbm>>
      tpu.enqueue_dma source(%dma_start3A_179 : memref<112xi32, #tpu.memory_space<hbm>>) target(%arg10 : memref<112xi32, #tpu.memory_space<vmem>>) target_semaphore(%dma_start3A_178 : memref<!tpu.dma_semaphore, #tpu.memory_space<semaphore_mem>>)
      %dma_start3A_180 = arith.constant 4 : i32
      %dma_start3A_181 = tpu.memref_slice %arg4[%add3A_174] : memref<322560xi32, #tpu.memory_space<hbm>> -> memref<112xi32, #tpu.memory_space<hbm>>
      %dma_start3A_182 = tpu.memref_slice %arg25[%dma_start3A_180] : memref<6x!tpu.dma_semaphore, #tpu.memory_space<semaphore_mem>> -> memref<1x!tpu.dma_semaphore, #tpu.memory_space<semaphore_mem>>
      %dma_start3A_183 = tpu.memref_squeeze %dma_start3A_182 : memref<1x!tpu.dma_semaphore, #tpu.memory_space<semaphore_mem>> -> memref<!tpu.dma_semaphore, #tpu.memory_space<semaphore_mem>>
      %dma_start3A_184 = tpu.memref_slice %arg4[%add3A_174] : memref<322560xi32, #tpu.memory_space<hbm>> -> memref<112xi32, #tpu.memory_space<hbm>>
      tpu.enqueue_dma source(%dma_start3A_184 : memref<112xi32, #tpu.memory_space<hbm>>) target(%arg16 : memref<112xi32, #tpu.memory_space<vmem>>) target_semaphore(%dma_start3A_183 : memref<!tpu.dma_semaphore, #tpu.memory_space<semaphore_mem>>)
      %mul3A_185 = arith.constant 6 : i32
      %mul3A_186 = arith.muli %mul3A_185, %scan3A_130 : i32
      %add3A_187 = arith.constant 1 : i32
      %add3A_188 = arith.addi %mul3A_186, %add3A_187 : i32
      %mul3A_189 = arith.constant 112 : i32
      %mul3A_190 = arith.muli %add3A_188, %mul3A_189 : i32
      %add3A_191 = arith.addi %mul3A_4, %mul3A_190 : i32
      %dma_wait3A_192 = arith.constant 1 : i32
      %dma_wait3A_193 = arith.constant 0 : i32
      %dma_wait3A_194 = arith.constant 0 : i32
      %dma_wait3A_195 = tpu.memref_slice %arg2[%dma_wait3A_193, %dma_wait3A_194] : memref<10000x128xf32, #tpu.memory_space<hbm>> -> memref<10000x128xf32, #tpu.memory_space<hbm>>
      %dma_wait3A_196 = tpu.memref_slice %arg22[%dma_wait3A_192] : memref<3x!tpu.dma_semaphore, #tpu.memory_space<semaphore_mem>> -> memref<1x!tpu.dma_semaphore, #tpu.memory_space<semaphore_mem>>
      %dma_wait3A_197 = tpu.memref_squeeze %dma_wait3A_196 : memref<1x!tpu.dma_semaphore, #tpu.memory_space<semaphore_mem>> -> memref<!tpu.dma_semaphore, #tpu.memory_space<semaphore_mem>>
      tpu.wait_indirect_dma semaphore(%dma_wait3A_197 : memref<!tpu.dma_semaphore, #tpu.memory_space<semaphore_mem>>) src(%dma_wait3A_195 : memref<10000x128xf32, #tpu.memory_space<hbm>>) dst(%arg19 : memref<112x128xf32, #tpu.memory_space<vmem>>)
      %dma_start3A_198 = arith.constant 1 : i32
      %dma_start3A_199 = arith.constant 0 : i32
      %dma_start3A_200 = arith.constant 0 : i32
      %dma_start3A_201 = tpu.memref_slice %arg21[%dma_start3A_199, %dma_start3A_200] : memref<10512x128xf32, #tpu.memory_space<vmem_shared>> -> memref<10512x128xf32, #tpu.memory_space<vmem_shared>>
      %dma_start3A_202 = tpu.memref_slice %arg23[%dma_start3A_198] : memref<3x!tpu.dma_semaphore, #tpu.memory_space<semaphore_mem>> -> memref<1x!tpu.dma_semaphore, #tpu.memory_space<semaphore_mem>>
      %dma_start3A_203 = tpu.memref_squeeze %dma_start3A_202 : memref<1x!tpu.dma_semaphore, #tpu.memory_space<semaphore_mem>> -> memref<!tpu.dma_semaphore, #tpu.memory_space<semaphore_mem>>
      tpu.enqueue_indirect_dma source(%arg19 : memref<112x128xf32, #tpu.memory_space<vmem>>) target(%dma_start3A_201 : memref<10512x128xf32, #tpu.memory_space<vmem_shared>>) offsets(%arg13 : memref<112xi32, #tpu.memory_space<vmem>>) semaphore(%dma_start3A_203 : memref<!tpu.dma_semaphore, #tpu.memory_space<semaphore_mem>>) {add = true}
      %dma_wait3A_204 = arith.constant 0 : i32
      %dma_wait3A_205 = arith.constant 0 : i32
      %dma_wait3A_206 = arith.constant 0 : i32
      %dma_wait3A_207 = tpu.memref_slice %arg21[%dma_wait3A_205, %dma_wait3A_206] : memref<10512x128xf32, #tpu.memory_space<vmem_shared>> -> memref<10512x128xf32, #tpu.memory_space<vmem_shared>>
      %dma_wait3A_208 = tpu.memref_slice %arg23[%dma_wait3A_204] : memref<3x!tpu.dma_semaphore, #tpu.memory_space<semaphore_mem>> -> memref<1x!tpu.dma_semaphore, #tpu.memory_space<semaphore_mem>>
      %dma_wait3A_209 = tpu.memref_squeeze %dma_wait3A_208 : memref<1x!tpu.dma_semaphore, #tpu.memory_space<semaphore_mem>> -> memref<!tpu.dma_semaphore, #tpu.memory_space<semaphore_mem>>
      tpu.wait_indirect_dma semaphore(%dma_wait3A_209 : memref<!tpu.dma_semaphore, #tpu.memory_space<semaphore_mem>>) src(%arg18 : memref<112x128xf32, #tpu.memory_space<vmem>>) dst(%dma_wait3A_207 : memref<10512x128xf32, #tpu.memory_space<vmem_shared>>)
      %add3A_210 = arith.constant 224 : i32
      %add3A_211 = arith.addi %add3A_191, %add3A_210 : i32
      %dma_wait3A_212 = arith.constant 3 : i32
      %dma_wait3A_213 = tpu.memref_slice %arg3[%add3A_211] : memref<322560xi32, #tpu.memory_space<hbm>> -> memref<112xi32, #tpu.memory_space<hbm>>
      %dma_wait3A_214 = tpu.memref_slice %arg24[%dma_wait3A_212] : memref<6x!tpu.dma_semaphore, #tpu.memory_space<semaphore_mem>> -> memref<1x!tpu.dma_semaphore, #tpu.memory_space<semaphore_mem>>
      %dma_wait3A_215 = tpu.memref_squeeze %dma_wait3A_214 : memref<1x!tpu.dma_semaphore, #tpu.memory_space<semaphore_mem>> -> memref<!tpu.dma_semaphore, #tpu.memory_space<semaphore_mem>>
      %dma_wait3A_216 = tpu.memref_slice %arg3[%add3A_211] : memref<322560xi32, #tpu.memory_space<hbm>> -> memref<112xi32, #tpu.memory_space<hbm>>
      tpu.wait_dma2 semaphore(%dma_wait3A_215 : memref<!tpu.dma_semaphore, #tpu.memory_space<semaphore_mem>>) src(%dma_wait3A_216 : memref<112xi32, #tpu.memory_space<hbm>>) dst(%arg9 : memref<112xi32, #tpu.memory_space<vmem>>)
      %dma_wait3A_217 = arith.constant 3 : i32
      %dma_wait3A_218 = tpu.memref_slice %arg4[%add3A_211] : memref<322560xi32, #tpu.memory_space<hbm>> -> memref<112xi32, #tpu.memory_space<hbm>>
      %dma_wait3A_219 = tpu.memref_slice %arg25[%dma_wait3A_217] : memref<6x!tpu.dma_semaphore, #tpu.memory_space<semaphore_mem>> -> memref<1x!tpu.dma_semaphore, #tpu.memory_space<semaphore_mem>>
      %dma_wait3A_220 = tpu.memref_squeeze %dma_wait3A_219 : memref<1x!tpu.dma_semaphore, #tpu.memory_space<semaphore_mem>> -> memref<!tpu.dma_semaphore, #tpu.memory_space<semaphore_mem>>
      %dma_wait3A_221 = tpu.memref_slice %arg4[%add3A_211] : memref<322560xi32, #tpu.memory_space<hbm>> -> memref<112xi32, #tpu.memory_space<hbm>>
      tpu.wait_dma2 semaphore(%dma_wait3A_220 : memref<!tpu.dma_semaphore, #tpu.memory_space<semaphore_mem>>) src(%dma_wait3A_221 : memref<112xi32, #tpu.memory_space<hbm>>) dst(%arg15 : memref<112xi32, #tpu.memory_space<vmem>>)
      %dma_start3A_222 = arith.constant 0 : i32
      %dma_start3A_223 = arith.constant 0 : i32
      %dma_start3A_224 = arith.constant 0 : i32
      %dma_start3A_225 = tpu.memref_slice %arg2[%dma_start3A_223, %dma_start3A_224] : memref<10000x128xf32, #tpu.memory_space<hbm>> -> memref<10000x128xf32, #tpu.memory_space<hbm>>
      %dma_start3A_226 = tpu.memref_slice %arg22[%dma_start3A_222] : memref<3x!tpu.dma_semaphore, #tpu.memory_space<semaphore_mem>> -> memref<1x!tpu.dma_semaphore, #tpu.memory_space<semaphore_mem>>
      %dma_start3A_227 = tpu.memref_squeeze %dma_start3A_226 : memref<1x!tpu.dma_semaphore, #tpu.memory_space<semaphore_mem>> -> memref<!tpu.dma_semaphore, #tpu.memory_space<semaphore_mem>>
      tpu.enqueue_indirect_dma source(%dma_start3A_225 : memref<10000x128xf32, #tpu.memory_space<hbm>>) target(%arg18 : memref<112x128xf32, #tpu.memory_space<vmem>>) offsets(%arg9 : memref<112xi32, #tpu.memory_space<vmem>>) semaphore(%dma_start3A_227 : memref<!tpu.dma_semaphore, #tpu.memory_space<semaphore_mem>>)
      %add3A_228 = arith.constant 448 : i32
      %add3A_229 = arith.addi %add3A_191, %add3A_228 : i32
      %dma_start3A_230 = arith.constant 5 : i32
      %dma_start3A_231 = tpu.memref_slice %arg3[%add3A_229] : memref<322560xi32, #tpu.memory_space<hbm>> -> memref<112xi32, #tpu.memory_space<hbm>>
      %dma_start3A_232 = tpu.memref_slice %arg24[%dma_start3A_230] : memref<6x!tpu.dma_semaphore, #tpu.memory_space<semaphore_mem>> -> memref<1x!tpu.dma_semaphore, #tpu.memory_space<semaphore_mem>>
      %dma_start3A_233 = tpu.memref_squeeze %dma_start3A_232 : memref<1x!tpu.dma_semaphore, #tpu.memory_space<semaphore_mem>> -> memref<!tpu.dma_semaphore, #tpu.memory_space<semaphore_mem>>
      %dma_start3A_234 = tpu.memref_slice %arg3[%add3A_229] : memref<322560xi32, #tpu.memory_space<hbm>> -> memref<112xi32, #tpu.memory_space<hbm>>
      tpu.enqueue_dma source(%dma_start3A_234 : memref<112xi32, #tpu.memory_space<hbm>>) target(%arg11 : memref<112xi32, #tpu.memory_space<vmem>>) target_semaphore(%dma_start3A_233 : memref<!tpu.dma_semaphore, #tpu.memory_space<semaphore_mem>>)
      %dma_start3A_235 = arith.constant 5 : i32
      %dma_start3A_236 = tpu.memref_slice %arg4[%add3A_229] : memref<322560xi32, #tpu.memory_space<hbm>> -> memref<112xi32, #tpu.memory_space<hbm>>
      %dma_start3A_237 = tpu.memref_slice %arg25[%dma_start3A_235] : memref<6x!tpu.dma_semaphore, #tpu.memory_space<semaphore_mem>> -> memref<1x!tpu.dma_semaphore, #tpu.memory_space<semaphore_mem>>
      %dma_start3A_238 = tpu.memref_squeeze %dma_start3A_237 : memref<1x!tpu.dma_semaphore, #tpu.memory_space<semaphore_mem>> -> memref<!tpu.dma_semaphore, #tpu.memory_space<semaphore_mem>>
      %dma_start3A_239 = tpu.memref_slice %arg4[%add3A_229] : memref<322560xi32, #tpu.memory_space<hbm>> -> memref<112xi32, #tpu.memory_space<hbm>>
      tpu.enqueue_dma source(%dma_start3A_239 : memref<112xi32, #tpu.memory_space<hbm>>) target(%arg17 : memref<112xi32, #tpu.memory_space<vmem>>) target_semaphore(%dma_start3A_238 : memref<!tpu.dma_semaphore, #tpu.memory_space<semaphore_mem>>)
      %mul3A_240 = arith.constant 6 : i32
      %mul3A_241 = arith.muli %mul3A_240, %scan3A_130 : i32
      %add3A_242 = arith.constant 2 : i32
      %add3A_243 = arith.addi %mul3A_241, %add3A_242 : i32
      %mul3A_244 = arith.constant 112 : i32
      %mul3A_245 = arith.muli %add3A_243, %mul3A_244 : i32
      %add3A_246 = arith.addi %mul3A_4, %mul3A_245 : i32
      %dma_wait3A_247 = arith.constant 2 : i32
      %dma_wait3A_248 = arith.constant 0 : i32
      %dma_wait3A_249 = arith.constant 0 : i32
      %dma_wait3A_250 = tpu.memref_slice %arg2[%dma_wait3A_248, %dma_wait3A_249] : memref<10000x128xf32, #tpu.memory_space<hbm>> -> memref<10000x128xf32, #tpu.memory_space<hbm>>
      %dma_wait3A_251 = tpu.memref_slice %arg22[%dma_wait3A_247] : memref<3x!tpu.dma_semaphore, #tpu.memory_space<semaphore_mem>> -> memref<1x!tpu.dma_semaphore, #tpu.memory_space<semaphore_mem>>
      %dma_wait3A_252 = tpu.memref_squeeze %dma_wait3A_251 : memref<1x!tpu.dma_semaphore, #tpu.memory_space<semaphore_mem>> -> memref<!tpu.dma_semaphore, #tpu.memory_space<semaphore_mem>>
      tpu.wait_indirect_dma semaphore(%dma_wait3A_252 : memref<!tpu.dma_semaphore, #tpu.memory_space<semaphore_mem>>) src(%dma_wait3A_250 : memref<10000x128xf32, #tpu.memory_space<hbm>>) dst(%arg20 : memref<112x128xf32, #tpu.memory_space<vmem>>)
      %dma_start3A_253 = arith.constant 2 : i32
      %dma_start3A_254 = arith.constant 0 : i32
      %dma_start3A_255 = arith.constant 0 : i32
      %dma_start3A_256 = tpu.memref_slice %arg21[%dma_start3A_254, %dma_start3A_255] : memref<10512x128xf32, #tpu.memory_space<vmem_shared>> -> memref<10512x128xf32, #tpu.memory_space<vmem_shared>>
      %dma_start3A_257 = tpu.memref_slice %arg23[%dma_start3A_253] : memref<3x!tpu.dma_semaphore, #tpu.memory_space<semaphore_mem>> -> memref<1x!tpu.dma_semaphore, #tpu.memory_space<semaphore_mem>>
      %dma_start3A_258 = tpu.memref_squeeze %dma_start3A_257 : memref<1x!tpu.dma_semaphore, #tpu.memory_space<semaphore_mem>> -> memref<!tpu.dma_semaphore, #tpu.memory_space<semaphore_mem>>
      tpu.enqueue_indirect_dma source(%arg20 : memref<112x128xf32, #tpu.memory_space<vmem>>) target(%dma_start3A_256 : memref<10512x128xf32, #tpu.memory_space<vmem_shared>>) offsets(%arg14 : memref<112xi32, #tpu.memory_space<vmem>>) semaphore(%dma_start3A_258 : memref<!tpu.dma_semaphore, #tpu.memory_space<semaphore_mem>>) {add = true}
      %dma_wait3A_259 = arith.constant 1 : i32
      %dma_wait3A_260 = arith.constant 0 : i32
      %dma_wait3A_261 = arith.constant 0 : i32
      %dma_wait3A_262 = tpu.memref_slice %arg21[%dma_wait3A_260, %dma_wait3A_261] : memref<10512x128xf32, #tpu.memory_space<vmem_shared>> -> memref<10512x128xf32, #tpu.memory_space<vmem_shared>>
      %dma_wait3A_263 = tpu.memref_slice %arg23[%dma_wait3A_259] : memref<3x!tpu.dma_semaphore, #tpu.memory_space<semaphore_mem>> -> memref<1x!tpu.dma_semaphore, #tpu.memory_space<semaphore_mem>>
      %dma_wait3A_264 = tpu.memref_squeeze %dma_wait3A_263 : memref<1x!tpu.dma_semaphore, #tpu.memory_space<semaphore_mem>> -> memref<!tpu.dma_semaphore, #tpu.memory_space<semaphore_mem>>
      tpu.wait_indirect_dma semaphore(%dma_wait3A_264 : memref<!tpu.dma_semaphore, #tpu.memory_space<semaphore_mem>>) src(%arg19 : memref<112x128xf32, #tpu.memory_space<vmem>>) dst(%dma_wait3A_262 : memref<10512x128xf32, #tpu.memory_space<vmem_shared>>)
      %add3A_265 = arith.constant 224 : i32
      %add3A_266 = arith.addi %add3A_246, %add3A_265 : i32
      %dma_wait3A_267 = arith.constant 4 : i32
      %dma_wait3A_268 = tpu.memref_slice %arg3[%add3A_266] : memref<322560xi32, #tpu.memory_space<hbm>> -> memref<112xi32, #tpu.memory_space<hbm>>
      %dma_wait3A_269 = tpu.memref_slice %arg24[%dma_wait3A_267] : memref<6x!tpu.dma_semaphore, #tpu.memory_space<semaphore_mem>> -> memref<1x!tpu.dma_semaphore, #tpu.memory_space<semaphore_mem>>
      %dma_wait3A_270 = tpu.memref_squeeze %dma_wait3A_269 : memref<1x!tpu.dma_semaphore, #tpu.memory_space<semaphore_mem>> -> memref<!tpu.dma_semaphore, #tpu.memory_space<semaphore_mem>>
      %dma_wait3A_271 = tpu.memref_slice %arg3[%add3A_266] : memref<322560xi32, #tpu.memory_space<hbm>> -> memref<112xi32, #tpu.memory_space<hbm>>
      tpu.wait_dma2 semaphore(%dma_wait3A_270 : memref<!tpu.dma_semaphore, #tpu.memory_space<semaphore_mem>>) src(%dma_wait3A_271 : memref<112xi32, #tpu.memory_space<hbm>>) dst(%arg10 : memref<112xi32, #tpu.memory_space<vmem>>)
      %dma_wait3A_272 = arith.constant 4 : i32
      %dma_wait3A_273 = tpu.memref_slice %arg4[%add3A_266] : memref<322560xi32, #tpu.memory_space<hbm>> -> memref<112xi32, #tpu.memory_space<hbm>>
      %dma_wait3A_274 = tpu.memref_slice %arg25[%dma_wait3A_272] : memref<6x!tpu.dma_semaphore, #tpu.memory_space<semaphore_mem>> -> memref<1x!tpu.dma_semaphore, #tpu.memory_space<semaphore_mem>>
      %dma_wait3A_275 = tpu.memref_squeeze %dma_wait3A_274 : memref<1x!tpu.dma_semaphore, #tpu.memory_space<semaphore_mem>> -> memref<!tpu.dma_semaphore, #tpu.memory_space<semaphore_mem>>
      %dma_wait3A_276 = tpu.memref_slice %arg4[%add3A_266] : memref<322560xi32, #tpu.memory_space<hbm>> -> memref<112xi32, #tpu.memory_space<hbm>>
      tpu.wait_dma2 semaphore(%dma_wait3A_275 : memref<!tpu.dma_semaphore, #tpu.memory_space<semaphore_mem>>) src(%dma_wait3A_276 : memref<112xi32, #tpu.memory_space<hbm>>) dst(%arg16 : memref<112xi32, #tpu.memory_space<vmem>>)
      %dma_start3A_277 = arith.constant 1 : i32
      %dma_start3A_278 = arith.constant 0 : i32
      %dma_start3A_279 = arith.constant 0 : i32
      %dma_start3A_280 = tpu.memref_slice %arg2[%dma_start3A_278, %dma_start3A_279] : memref<10000x128xf32, #tpu.memory_space<hbm>> -> memref<10000x128xf32, #tpu.memory_space<hbm>>
      %dma_start3A_281 = tpu.memref_slice %arg22[%dma_start3A_277] : memref<3x!tpu.dma_semaphore, #tpu.memory_space<semaphore_mem>> -> memref<1x!tpu.dma_semaphore, #tpu.memory_space<semaphore_mem>>
      %dma_start3A_282 = tpu.memref_squeeze %dma_start3A_281 : memref<1x!tpu.dma_semaphore, #tpu.memory_space<semaphore_mem>> -> memref<!tpu.dma_semaphore, #tpu.memory_space<semaphore_mem>>
      tpu.enqueue_indirect_dma source(%dma_start3A_280 : memref<10000x128xf32, #tpu.memory_space<hbm>>) target(%arg19 : memref<112x128xf32, #tpu.memory_space<vmem>>) offsets(%arg10 : memref<112xi32, #tpu.memory_space<vmem>>) semaphore(%dma_start3A_282 : memref<!tpu.dma_semaphore, #tpu.memory_space<semaphore_mem>>)
      %lt3A = arith.constant 14 : i32
      %lt3A_283 = arith.cmpi slt, %scan3A_130, %lt3A : i32
      %convert_element_type3A_284 = arith.extui %lt3A_283 : i1 to i32
      %cond3A_285 = arith.constant 0 : i32
      %cond3A_286 = arith.cmpi ne, %convert_element_type3A_284, %cond3A_285 : i32
      scf.if %cond3A_286 {
        %add3A_406 = arith.constant 448 : i32
        %add3A_407 = arith.addi %add3A_246, %add3A_406 : i32
        %dma_start3A_408 = arith.constant 0 : i32
        %dma_start3A_409 = tpu.memref_slice %arg3[%add3A_407] : memref<322560xi32, #tpu.memory_space<hbm>> -> memref<112xi32, #tpu.memory_space<hbm>>
        %dma_start3A_410 = tpu.memref_slice %arg24[%dma_start3A_408] : memref<6x!tpu.dma_semaphore, #tpu.memory_space<semaphore_mem>> -> memref<1x!tpu.dma_semaphore, #tpu.memory_space<semaphore_mem>>
        %dma_start3A_411 = tpu.memref_squeeze %dma_start3A_410 : memref<1x!tpu.dma_semaphore, #tpu.memory_space<semaphore_mem>> -> memref<!tpu.dma_semaphore, #tpu.memory_space<semaphore_mem>>
        %dma_start3A_412 = tpu.memref_slice %arg3[%add3A_407] : memref<322560xi32, #tpu.memory_space<hbm>> -> memref<112xi32, #tpu.memory_space<hbm>>
        tpu.enqueue_dma source(%dma_start3A_412 : memref<112xi32, #tpu.memory_space<hbm>>) target(%arg6 : memref<112xi32, #tpu.memory_space<vmem>>) target_semaphore(%dma_start3A_411 : memref<!tpu.dma_semaphore, #tpu.memory_space<semaphore_mem>>)
        %dma_start3A_413 = arith.constant 0 : i32
        %dma_start3A_414 = tpu.memref_slice %arg4[%add3A_407] : memref<322560xi32, #tpu.memory_space<hbm>> -> memref<112xi32, #tpu.memory_space<hbm>>
        %dma_start3A_415 = tpu.memref_slice %arg25[%dma_start3A_413] : memref<6x!tpu.dma_semaphore, #tpu.memory_space<semaphore_mem>> -> memref<1x!tpu.dma_semaphore, #tpu.memory_space<semaphore_mem>>
        %dma_start3A_416 = tpu.memref_squeeze %dma_start3A_415 : memref<1x!tpu.dma_semaphore, #tpu.memory_space<semaphore_mem>> -> memref<!tpu.dma_semaphore, #tpu.memory_space<semaphore_mem>>
        %dma_start3A_417 = tpu.memref_slice %arg4[%add3A_407] : memref<322560xi32, #tpu.memory_space<hbm>> -> memref<112xi32, #tpu.memory_space<hbm>>
        tpu.enqueue_dma source(%dma_start3A_417 : memref<112xi32, #tpu.memory_space<hbm>>) target(%arg12 : memref<112xi32, #tpu.memory_space<vmem>>) target_semaphore(%dma_start3A_416 : memref<!tpu.dma_semaphore, #tpu.memory_space<semaphore_mem>>)
      } else {
      }
      %mul3A_287 = arith.constant 6 : i32
      %mul3A_288 = arith.muli %mul3A_287, %scan3A_130 : i32
      %add3A_289 = arith.constant 3 : i32
      %add3A_290 = arith.addi %mul3A_288, %add3A_289 : i32
      %mul3A_291 = arith.constant 112 : i32
      %mul3A_292 = arith.muli %add3A_290, %mul3A_291 : i32
      %add3A_293 = arith.addi %mul3A_4, %mul3A_292 : i32
      %dma_wait3A_294 = arith.constant 0 : i32
      %dma_wait3A_295 = arith.constant 0 : i32
      %dma_wait3A_296 = arith.constant 0 : i32
      %dma_wait3A_297 = tpu.memref_slice %arg2[%dma_wait3A_295, %dma_wait3A_296] : memref<10000x128xf32, #tpu.memory_space<hbm>> -> memref<10000x128xf32, #tpu.memory_space<hbm>>
      %dma_wait3A_298 = tpu.memref_slice %arg22[%dma_wait3A_294] : memref<3x!tpu.dma_semaphore, #tpu.memory_space<semaphore_mem>> -> memref<1x!tpu.dma_semaphore, #tpu.memory_space<semaphore_mem>>
      %dma_wait3A_299 = tpu.memref_squeeze %dma_wait3A_298 : memref<1x!tpu.dma_semaphore, #tpu.memory_space<semaphore_mem>> -> memref<!tpu.dma_semaphore, #tpu.memory_space<semaphore_mem>>
      tpu.wait_indirect_dma semaphore(%dma_wait3A_299 : memref<!tpu.dma_semaphore, #tpu.memory_space<semaphore_mem>>) src(%dma_wait3A_297 : memref<10000x128xf32, #tpu.memory_space<hbm>>) dst(%arg18 : memref<112x128xf32, #tpu.memory_space<vmem>>)
      %dma_start3A_300 = arith.constant 0 : i32
      %dma_start3A_301 = arith.constant 0 : i32
      %dma_start3A_302 = arith.constant 0 : i32
      %dma_start3A_303 = tpu.memref_slice %arg21[%dma_start3A_301, %dma_start3A_302] : memref<10512x128xf32, #tpu.memory_space<vmem_shared>> -> memref<10512x128xf32, #tpu.memory_space<vmem_shared>>
      %dma_start3A_304 = tpu.memref_slice %arg23[%dma_start3A_300] : memref<3x!tpu.dma_semaphore, #tpu.memory_space<semaphore_mem>> -> memref<1x!tpu.dma_semaphore, #tpu.memory_space<semaphore_mem>>
      %dma_start3A_305 = tpu.memref_squeeze %dma_start3A_304 : memref<1x!tpu.dma_semaphore, #tpu.memory_space<semaphore_mem>> -> memref<!tpu.dma_semaphore, #tpu.memory_space<semaphore_mem>>
      tpu.enqueue_indirect_dma source(%arg18 : memref<112x128xf32, #tpu.memory_space<vmem>>) target(%dma_start3A_303 : memref<10512x128xf32, #tpu.memory_space<vmem_shared>>) offsets(%arg15 : memref<112xi32, #tpu.memory_space<vmem>>) semaphore(%dma_start3A_305 : memref<!tpu.dma_semaphore, #tpu.memory_space<semaphore_mem>>) {add = true}
      %dma_wait3A_306 = arith.constant 2 : i32
      %dma_wait3A_307 = arith.constant 0 : i32
      %dma_wait3A_308 = arith.constant 0 : i32
      %dma_wait3A_309 = tpu.memref_slice %arg21[%dma_wait3A_307, %dma_wait3A_308] : memref<10512x128xf32, #tpu.memory_space<vmem_shared>> -> memref<10512x128xf32, #tpu.memory_space<vmem_shared>>
      %dma_wait3A_310 = tpu.memref_slice %arg23[%dma_wait3A_306] : memref<3x!tpu.dma_semaphore, #tpu.memory_space<semaphore_mem>> -> memref<1x!tpu.dma_semaphore, #tpu.memory_space<semaphore_mem>>
      %dma_wait3A_311 = tpu.memref_squeeze %dma_wait3A_310 : memref<1x!tpu.dma_semaphore, #tpu.memory_space<semaphore_mem>> -> memref<!tpu.dma_semaphore, #tpu.memory_space<semaphore_mem>>
      tpu.wait_indirect_dma semaphore(%dma_wait3A_311 : memref<!tpu.dma_semaphore, #tpu.memory_space<semaphore_mem>>) src(%arg20 : memref<112x128xf32, #tpu.memory_space<vmem>>) dst(%dma_wait3A_309 : memref<10512x128xf32, #tpu.memory_space<vmem_shared>>)
      %add3A_312 = arith.constant 224 : i32
      %add3A_313 = arith.addi %add3A_293, %add3A_312 : i32
      %dma_wait3A_314 = arith.constant 5 : i32
      %dma_wait3A_315 = tpu.memref_slice %arg3[%add3A_313] : memref<322560xi32, #tpu.memory_space<hbm>> -> memref<112xi32, #tpu.memory_space<hbm>>
      %dma_wait3A_316 = tpu.memref_slice %arg24[%dma_wait3A_314] : memref<6x!tpu.dma_semaphore, #tpu.memory_space<semaphore_mem>> -> memref<1x!tpu.dma_semaphore, #tpu.memory_space<semaphore_mem>>
      %dma_wait3A_317 = tpu.memref_squeeze %dma_wait3A_316 : memref<1x!tpu.dma_semaphore, #tpu.memory_space<semaphore_mem>> -> memref<!tpu.dma_semaphore, #tpu.memory_space<semaphore_mem>>
      %dma_wait3A_318 = tpu.memref_slice %arg3[%add3A_313] : memref<322560xi32, #tpu.memory_space<hbm>> -> memref<112xi32, #tpu.memory_space<hbm>>
      tpu.wait_dma2 semaphore(%dma_wait3A_317 : memref<!tpu.dma_semaphore, #tpu.memory_space<semaphore_mem>>) src(%dma_wait3A_318 : memref<112xi32, #tpu.memory_space<hbm>>) dst(%arg11 : memref<112xi32, #tpu.memory_space<vmem>>)
      %dma_wait3A_319 = arith.constant 5 : i32
      %dma_wait3A_320 = tpu.memref_slice %arg4[%add3A_313] : memref<322560xi32, #tpu.memory_space<hbm>> -> memref<112xi32, #tpu.memory_space<hbm>>
      %dma_wait3A_321 = tpu.memref_slice %arg25[%dma_wait3A_319] : memref<6x!tpu.dma_semaphore, #tpu.memory_space<semaphore_mem>> -> memref<1x!tpu.dma_semaphore, #tpu.memory_space<semaphore_mem>>
      %dma_wait3A_322 = tpu.memref_squeeze %dma_wait3A_321 : memref<1x!tpu.dma_semaphore, #tpu.memory_space<semaphore_mem>> -> memref<!tpu.dma_semaphore, #tpu.memory_space<semaphore_mem>>
      %dma_wait3A_323 = tpu.memref_slice %arg4[%add3A_313] : memref<322560xi32, #tpu.memory_space<hbm>> -> memref<112xi32, #tpu.memory_space<hbm>>
      tpu.wait_dma2 semaphore(%dma_wait3A_322 : memref<!tpu.dma_semaphore, #tpu.memory_space<semaphore_mem>>) src(%dma_wait3A_323 : memref<112xi32, #tpu.memory_space<hbm>>) dst(%arg17 : memref<112xi32, #tpu.memory_space<vmem>>)
      %dma_start3A_324 = arith.constant 2 : i32
      %dma_start3A_325 = arith.constant 0 : i32
      %dma_start3A_326 = arith.constant 0 : i32
      %dma_start3A_327 = tpu.memref_slice %arg2[%dma_start3A_325, %dma_start3A_326] : memref<10000x128xf32, #tpu.memory_space<hbm>> -> memref<10000x128xf32, #tpu.memory_space<hbm>>
      %dma_start3A_328 = tpu.memref_slice %arg22[%dma_start3A_324] : memref<3x!tpu.dma_semaphore, #tpu.memory_space<semaphore_mem>> -> memref<1x!tpu.dma_semaphore, #tpu.memory_space<semaphore_mem>>
      %dma_start3A_329 = tpu.memref_squeeze %dma_start3A_328 : memref<1x!tpu.dma_semaphore, #tpu.memory_space<semaphore_mem>> -> memref<!tpu.dma_semaphore, #tpu.memory_space<semaphore_mem>>
      tpu.enqueue_indirect_dma source(%dma_start3A_327 : memref<10000x128xf32, #tpu.memory_space<hbm>>) target(%arg20 : memref<112x128xf32, #tpu.memory_space<vmem>>) offsets(%arg11 : memref<112xi32, #tpu.memory_space<vmem>>) semaphore(%dma_start3A_329 : memref<!tpu.dma_semaphore, #tpu.memory_space<semaphore_mem>>)
      %lt3A_330 = arith.constant 14 : i32
      %lt3A_331 = arith.cmpi slt, %scan3A_130, %lt3A_330 : i32
      %convert_element_type3A_332 = arith.extui %lt3A_331 : i1 to i32
      %cond3A_333 = arith.constant 0 : i32
      %cond3A_334 = arith.cmpi ne, %convert_element_type3A_332, %cond3A_333 : i32
      scf.if %cond3A_334 {
        %add3A_406 = arith.constant 448 : i32
        %add3A_407 = arith.addi %add3A_293, %add3A_406 : i32
        %dma_start3A_408 = arith.constant 1 : i32
        %dma_start3A_409 = tpu.memref_slice %arg3[%add3A_407] : memref<322560xi32, #tpu.memory_space<hbm>> -> memref<112xi32, #tpu.memory_space<hbm>>
        %dma_start3A_410 = tpu.memref_slice %arg24[%dma_start3A_408] : memref<6x!tpu.dma_semaphore, #tpu.memory_space<semaphore_mem>> -> memref<1x!tpu.dma_semaphore, #tpu.memory_space<semaphore_mem>>
        %dma_start3A_411 = tpu.memref_squeeze %dma_start3A_410 : memref<1x!tpu.dma_semaphore, #tpu.memory_space<semaphore_mem>> -> memref<!tpu.dma_semaphore, #tpu.memory_space<semaphore_mem>>
        %dma_start3A_412 = tpu.memref_slice %arg3[%add3A_407] : memref<322560xi32, #tpu.memory_space<hbm>> -> memref<112xi32, #tpu.memory_space<hbm>>
        tpu.enqueue_dma source(%dma_start3A_412 : memref<112xi32, #tpu.memory_space<hbm>>) target(%arg7 : memref<112xi32, #tpu.memory_space<vmem>>) target_semaphore(%dma_start3A_411 : memref<!tpu.dma_semaphore, #tpu.memory_space<semaphore_mem>>)
        %dma_start3A_413 = arith.constant 1 : i32
        %dma_start3A_414 = tpu.memref_slice %arg4[%add3A_407] : memref<322560xi32, #tpu.memory_space<hbm>> -> memref<112xi32, #tpu.memory_space<hbm>>
        %dma_start3A_415 = tpu.memref_slice %arg25[%dma_start3A_413] : memref<6x!tpu.dma_semaphore, #tpu.memory_space<semaphore_mem>> -> memref<1x!tpu.dma_semaphore, #tpu.memory_space<semaphore_mem>>
        %dma_start3A_416 = tpu.memref_squeeze %dma_start3A_415 : memref<1x!tpu.dma_semaphore, #tpu.memory_space<semaphore_mem>> -> memref<!tpu.dma_semaphore, #tpu.memory_space<semaphore_mem>>
        %dma_start3A_417 = tpu.memref_slice %arg4[%add3A_407] : memref<322560xi32, #tpu.memory_space<hbm>> -> memref<112xi32, #tpu.memory_space<hbm>>
        tpu.enqueue_dma source(%dma_start3A_417 : memref<112xi32, #tpu.memory_space<hbm>>) target(%arg13 : memref<112xi32, #tpu.memory_space<vmem>>) target_semaphore(%dma_start3A_416 : memref<!tpu.dma_semaphore, #tpu.memory_space<semaphore_mem>>)
      } else {
      }
      %mul3A_335 = arith.constant 6 : i32
      %mul3A_336 = arith.muli %mul3A_335, %scan3A_130 : i32
      %add3A_337 = arith.constant 4 : i32
      %add3A_338 = arith.addi %mul3A_336, %add3A_337 : i32
      %mul3A_339 = arith.constant 112 : i32
      %mul3A_340 = arith.muli %add3A_338, %mul3A_339 : i32
      %add3A_341 = arith.addi %mul3A_4, %mul3A_340 : i32
      %dma_wait3A_342 = arith.constant 1 : i32
      %dma_wait3A_343 = arith.constant 0 : i32
      %dma_wait3A_344 = arith.constant 0 : i32
      %dma_wait3A_345 = tpu.memref_slice %arg2[%dma_wait3A_343, %dma_wait3A_344] : memref<10000x128xf32, #tpu.memory_space<hbm>> -> memref<10000x128xf32, #tpu.memory_space<hbm>>
      %dma_wait3A_346 = tpu.memref_slice %arg22[%dma_wait3A_342] : memref<3x!tpu.dma_semaphore, #tpu.memory_space<semaphore_mem>> -> memref<1x!tpu.dma_semaphore, #tpu.memory_space<semaphore_mem>>
      %dma_wait3A_347 = tpu.memref_squeeze %dma_wait3A_346 : memref<1x!tpu.dma_semaphore, #tpu.memory_space<semaphore_mem>> -> memref<!tpu.dma_semaphore, #tpu.memory_space<semaphore_mem>>
      tpu.wait_indirect_dma semaphore(%dma_wait3A_347 : memref<!tpu.dma_semaphore, #tpu.memory_space<semaphore_mem>>) src(%dma_wait3A_345 : memref<10000x128xf32, #tpu.memory_space<hbm>>) dst(%arg19 : memref<112x128xf32, #tpu.memory_space<vmem>>)
      %dma_start3A_348 = arith.constant 1 : i32
      %dma_start3A_349 = arith.constant 0 : i32
      %dma_start3A_350 = arith.constant 0 : i32
      %dma_start3A_351 = tpu.memref_slice %arg21[%dma_start3A_349, %dma_start3A_350] : memref<10512x128xf32, #tpu.memory_space<vmem_shared>> -> memref<10512x128xf32, #tpu.memory_space<vmem_shared>>
      %dma_start3A_352 = tpu.memref_slice %arg23[%dma_start3A_348] : memref<3x!tpu.dma_semaphore, #tpu.memory_space<semaphore_mem>> -> memref<1x!tpu.dma_semaphore, #tpu.memory_space<semaphore_mem>>
      %dma_start3A_353 = tpu.memref_squeeze %dma_start3A_352 : memref<1x!tpu.dma_semaphore, #tpu.memory_space<semaphore_mem>> -> memref<!tpu.dma_semaphore, #tpu.memory_space<semaphore_mem>>
      tpu.enqueue_indirect_dma source(%arg19 : memref<112x128xf32, #tpu.memory_space<vmem>>) target(%dma_start3A_351 : memref<10512x128xf32, #tpu.memory_space<vmem_shared>>) offsets(%arg16 : memref<112xi32, #tpu.memory_space<vmem>>) semaphore(%dma_start3A_353 : memref<!tpu.dma_semaphore, #tpu.memory_space<semaphore_mem>>) {add = true}
      %dma_wait3A_354 = arith.constant 0 : i32
      %dma_wait3A_355 = arith.constant 0 : i32
      %dma_wait3A_356 = arith.constant 0 : i32
      %dma_wait3A_357 = tpu.memref_slice %arg21[%dma_wait3A_355, %dma_wait3A_356] : memref<10512x128xf32, #tpu.memory_space<vmem_shared>> -> memref<10512x128xf32, #tpu.memory_space<vmem_shared>>
      %dma_wait3A_358 = tpu.memref_slice %arg23[%dma_wait3A_354] : memref<3x!tpu.dma_semaphore, #tpu.memory_space<semaphore_mem>> -> memref<1x!tpu.dma_semaphore, #tpu.memory_space<semaphore_mem>>
      %dma_wait3A_359 = tpu.memref_squeeze %dma_wait3A_358 : memref<1x!tpu.dma_semaphore, #tpu.memory_space<semaphore_mem>> -> memref<!tpu.dma_semaphore, #tpu.memory_space<semaphore_mem>>
      tpu.wait_indirect_dma semaphore(%dma_wait3A_359 : memref<!tpu.dma_semaphore, #tpu.memory_space<semaphore_mem>>) src(%arg18 : memref<112x128xf32, #tpu.memory_space<vmem>>) dst(%dma_wait3A_357 : memref<10512x128xf32, #tpu.memory_space<vmem_shared>>)
      %lt3A_360 = arith.constant 14 : i32
      %lt3A_361 = arith.cmpi slt, %scan3A_130, %lt3A_360 : i32
      %convert_element_type3A_362 = arith.extui %lt3A_361 : i1 to i32
      %cond3A_363 = arith.constant 0 : i32
      %cond3A_364 = arith.cmpi ne, %convert_element_type3A_362, %cond3A_363 : i32
      scf.if %cond3A_364 {
        %add3A_406 = arith.constant 224 : i32
        %add3A_407 = arith.addi %add3A_341, %add3A_406 : i32
        %dma_wait3A_408 = arith.constant 0 : i32
        %dma_wait3A_409 = tpu.memref_slice %arg3[%add3A_407] : memref<322560xi32, #tpu.memory_space<hbm>> -> memref<112xi32, #tpu.memory_space<hbm>>
        %dma_wait3A_410 = tpu.memref_slice %arg24[%dma_wait3A_408] : memref<6x!tpu.dma_semaphore, #tpu.memory_space<semaphore_mem>> -> memref<1x!tpu.dma_semaphore, #tpu.memory_space<semaphore_mem>>
        %dma_wait3A_411 = tpu.memref_squeeze %dma_wait3A_410 : memref<1x!tpu.dma_semaphore, #tpu.memory_space<semaphore_mem>> -> memref<!tpu.dma_semaphore, #tpu.memory_space<semaphore_mem>>
        %dma_wait3A_412 = tpu.memref_slice %arg3[%add3A_407] : memref<322560xi32, #tpu.memory_space<hbm>> -> memref<112xi32, #tpu.memory_space<hbm>>
        tpu.wait_dma2 semaphore(%dma_wait3A_411 : memref<!tpu.dma_semaphore, #tpu.memory_space<semaphore_mem>>) src(%dma_wait3A_412 : memref<112xi32, #tpu.memory_space<hbm>>) dst(%arg6 : memref<112xi32, #tpu.memory_space<vmem>>)
        %dma_wait3A_413 = arith.constant 0 : i32
        %dma_wait3A_414 = tpu.memref_slice %arg4[%add3A_407] : memref<322560xi32, #tpu.memory_space<hbm>> -> memref<112xi32, #tpu.memory_space<hbm>>
        %dma_wait3A_415 = tpu.memref_slice %arg25[%dma_wait3A_413] : memref<6x!tpu.dma_semaphore, #tpu.memory_space<semaphore_mem>> -> memref<1x!tpu.dma_semaphore, #tpu.memory_space<semaphore_mem>>
        %dma_wait3A_416 = tpu.memref_squeeze %dma_wait3A_415 : memref<1x!tpu.dma_semaphore, #tpu.memory_space<semaphore_mem>> -> memref<!tpu.dma_semaphore, #tpu.memory_space<semaphore_mem>>
        %dma_wait3A_417 = tpu.memref_slice %arg4[%add3A_407] : memref<322560xi32, #tpu.memory_space<hbm>> -> memref<112xi32, #tpu.memory_space<hbm>>
        tpu.wait_dma2 semaphore(%dma_wait3A_416 : memref<!tpu.dma_semaphore, #tpu.memory_space<semaphore_mem>>) src(%dma_wait3A_417 : memref<112xi32, #tpu.memory_space<hbm>>) dst(%arg12 : memref<112xi32, #tpu.memory_space<vmem>>)
        %dma_start3A_418 = arith.constant 0 : i32
        %dma_start3A_419 = arith.constant 0 : i32
        %dma_start3A_420 = arith.constant 0 : i32
        %dma_start3A_421 = tpu.memref_slice %arg2[%dma_start3A_419, %dma_start3A_420] : memref<10000x128xf32, #tpu.memory_space<hbm>> -> memref<10000x128xf32, #tpu.memory_space<hbm>>
        %dma_start3A_422 = tpu.memref_slice %arg22[%dma_start3A_418] : memref<3x!tpu.dma_semaphore, #tpu.memory_space<semaphore_mem>> -> memref<1x!tpu.dma_semaphore, #tpu.memory_space<semaphore_mem>>
        %dma_start3A_423 = tpu.memref_squeeze %dma_start3A_422 : memref<1x!tpu.dma_semaphore, #tpu.memory_space<semaphore_mem>> -> memref<!tpu.dma_semaphore, #tpu.memory_space<semaphore_mem>>
        tpu.enqueue_indirect_dma source(%dma_start3A_421 : memref<10000x128xf32, #tpu.memory_space<hbm>>) target(%arg18 : memref<112x128xf32, #tpu.memory_space<vmem>>) offsets(%arg6 : memref<112xi32, #tpu.memory_space<vmem>>) semaphore(%dma_start3A_423 : memref<!tpu.dma_semaphore, #tpu.memory_space<semaphore_mem>>)
      } else {
      }
      %lt3A_365 = arith.constant 14 : i32
      %lt3A_366 = arith.cmpi slt, %scan3A_130, %lt3A_365 : i32
      %convert_element_type3A_367 = arith.extui %lt3A_366 : i1 to i32
      %cond3A_368 = arith.constant 0 : i32
      %cond3A_369 = arith.cmpi ne, %convert_element_type3A_367, %cond3A_368 : i32
      scf.if %cond3A_369 {
        %add3A_406 = arith.constant 448 : i32
        %add3A_407 = arith.addi %add3A_341, %add3A_406 : i32
        %dma_start3A_408 = arith.constant 2 : i32
        %dma_start3A_409 = tpu.memref_slice %arg3[%add3A_407] : memref<322560xi32, #tpu.memory_space<hbm>> -> memref<112xi32, #tpu.memory_space<hbm>>
        %dma_start3A_410 = tpu.memref_slice %arg24[%dma_start3A_408] : memref<6x!tpu.dma_semaphore, #tpu.memory_space<semaphore_mem>> -> memref<1x!tpu.dma_semaphore, #tpu.memory_space<semaphore_mem>>
        %dma_start3A_411 = tpu.memref_squeeze %dma_start3A_410 : memref<1x!tpu.dma_semaphore, #tpu.memory_space<semaphore_mem>> -> memref<!tpu.dma_semaphore, #tpu.memory_space<semaphore_mem>>
        %dma_start3A_412 = tpu.memref_slice %arg3[%add3A_407] : memref<322560xi32, #tpu.memory_space<hbm>> -> memref<112xi32, #tpu.memory_space<hbm>>
        tpu.enqueue_dma source(%dma_start3A_412 : memref<112xi32, #tpu.memory_space<hbm>>) target(%arg8 : memref<112xi32, #tpu.memory_space<vmem>>) target_semaphore(%dma_start3A_411 : memref<!tpu.dma_semaphore, #tpu.memory_space<semaphore_mem>>)
        %dma_start3A_413 = arith.constant 2 : i32
        %dma_start3A_414 = tpu.memref_slice %arg4[%add3A_407] : memref<322560xi32, #tpu.memory_space<hbm>> -> memref<112xi32, #tpu.memory_space<hbm>>
        %dma_start3A_415 = tpu.memref_slice %arg25[%dma_start3A_413] : memref<6x!tpu.dma_semaphore, #tpu.memory_space<semaphore_mem>> -> memref<1x!tpu.dma_semaphore, #tpu.memory_space<semaphore_mem>>
        %dma_start3A_416 = tpu.memref_squeeze %dma_start3A_415 : memref<1x!tpu.dma_semaphore, #tpu.memory_space<semaphore_mem>> -> memref<!tpu.dma_semaphore, #tpu.memory_space<semaphore_mem>>
        %dma_start3A_417 = tpu.memref_slice %arg4[%add3A_407] : memref<322560xi32, #tpu.memory_space<hbm>> -> memref<112xi32, #tpu.memory_space<hbm>>
        tpu.enqueue_dma source(%dma_start3A_417 : memref<112xi32, #tpu.memory_space<hbm>>) target(%arg14 : memref<112xi32, #tpu.memory_space<vmem>>) target_semaphore(%dma_start3A_416 : memref<!tpu.dma_semaphore, #tpu.memory_space<semaphore_mem>>)
      } else {
      }
      %mul3A_370 = arith.constant 6 : i32
      %mul3A_371 = arith.muli %mul3A_370, %scan3A_130 : i32
      %add3A_372 = arith.constant 5 : i32
      %add3A_373 = arith.addi %mul3A_371, %add3A_372 : i32
      %mul3A_374 = arith.constant 112 : i32
      %mul3A_375 = arith.muli %add3A_373, %mul3A_374 : i32
      %add3A_376 = arith.addi %mul3A_4, %mul3A_375 : i32
      %dma_wait3A_377 = arith.constant 2 : i32
      %dma_wait3A_378 = arith.constant 0 : i32
      %dma_wait3A_379 = arith.constant 0 : i32
      %dma_wait3A_380 = tpu.memref_slice %arg2[%dma_wait3A_378, %dma_wait3A_379] : memref<10000x128xf32, #tpu.memory_space<hbm>> -> memref<10000x128xf32, #tpu.memory_space<hbm>>
      %dma_wait3A_381 = tpu.memref_slice %arg22[%dma_wait3A_377] : memref<3x!tpu.dma_semaphore, #tpu.memory_space<semaphore_mem>> -> memref<1x!tpu.dma_semaphore, #tpu.memory_space<semaphore_mem>>
      %dma_wait3A_382 = tpu.memref_squeeze %dma_wait3A_381 : memref<1x!tpu.dma_semaphore, #tpu.memory_space<semaphore_mem>> -> memref<!tpu.dma_semaphore, #tpu.memory_space<semaphore_mem>>
      tpu.wait_indirect_dma semaphore(%dma_wait3A_382 : memref<!tpu.dma_semaphore, #tpu.memory_space<semaphore_mem>>) src(%dma_wait3A_380 : memref<10000x128xf32, #tpu.memory_space<hbm>>) dst(%arg20 : memref<112x128xf32, #tpu.memory_space<vmem>>)
      %dma_start3A_383 = arith.constant 2 : i32
      %dma_start3A_384 = arith.constant 0 : i32
      %dma_start3A_385 = arith.constant 0 : i32
      %dma_start3A_386 = tpu.memref_slice %arg21[%dma_start3A_384, %dma_start3A_385] : memref<10512x128xf32, #tpu.memory_space<vmem_shared>> -> memref<10512x128xf32, #tpu.memory_space<vmem_shared>>
      %dma_start3A_387 = tpu.memref_slice %arg23[%dma_start3A_383] : memref<3x!tpu.dma_semaphore, #tpu.memory_space<semaphore_mem>> -> memref<1x!tpu.dma_semaphore, #tpu.memory_space<semaphore_mem>>
      %dma_start3A_388 = tpu.memref_squeeze %dma_start3A_387 : memref<1x!tpu.dma_semaphore, #tpu.memory_space<semaphore_mem>> -> memref<!tpu.dma_semaphore, #tpu.memory_space<semaphore_mem>>
      tpu.enqueue_indirect_dma source(%arg20 : memref<112x128xf32, #tpu.memory_space<vmem>>) target(%dma_start3A_386 : memref<10512x128xf32, #tpu.memory_space<vmem_shared>>) offsets(%arg17 : memref<112xi32, #tpu.memory_space<vmem>>) semaphore(%dma_start3A_388 : memref<!tpu.dma_semaphore, #tpu.memory_space<semaphore_mem>>) {add = true}
      %dma_wait3A_389 = arith.constant 1 : i32
      %dma_wait3A_390 = arith.constant 0 : i32
      %dma_wait3A_391 = arith.constant 0 : i32
      %dma_wait3A_392 = tpu.memref_slice %arg21[%dma_wait3A_390, %dma_wait3A_391] : memref<10512x128xf32, #tpu.memory_space<vmem_shared>> -> memref<10512x128xf32, #tpu.memory_space<vmem_shared>>
      %dma_wait3A_393 = tpu.memref_slice %arg23[%dma_wait3A_389] : memref<3x!tpu.dma_semaphore, #tpu.memory_space<semaphore_mem>> -> memref<1x!tpu.dma_semaphore, #tpu.memory_space<semaphore_mem>>
      %dma_wait3A_394 = tpu.memref_squeeze %dma_wait3A_393 : memref<1x!tpu.dma_semaphore, #tpu.memory_space<semaphore_mem>> -> memref<!tpu.dma_semaphore, #tpu.memory_space<semaphore_mem>>
      tpu.wait_indirect_dma semaphore(%dma_wait3A_394 : memref<!tpu.dma_semaphore, #tpu.memory_space<semaphore_mem>>) src(%arg19 : memref<112x128xf32, #tpu.memory_space<vmem>>) dst(%dma_wait3A_392 : memref<10512x128xf32, #tpu.memory_space<vmem_shared>>)
      %lt3A_395 = arith.constant 14 : i32
      %lt3A_396 = arith.cmpi slt, %scan3A_130, %lt3A_395 : i32
      %convert_element_type3A_397 = arith.extui %lt3A_396 : i1 to i32
      %cond3A_398 = arith.constant 0 : i32
      %cond3A_399 = arith.cmpi ne, %convert_element_type3A_397, %cond3A_398 : i32
      scf.if %cond3A_399 {
        %add3A_406 = arith.constant 224 : i32
        %add3A_407 = arith.addi %add3A_376, %add3A_406 : i32
        %dma_wait3A_408 = arith.constant 1 : i32
        %dma_wait3A_409 = tpu.memref_slice %arg3[%add3A_407] : memref<322560xi32, #tpu.memory_space<hbm>> -> memref<112xi32, #tpu.memory_space<hbm>>
        %dma_wait3A_410 = tpu.memref_slice %arg24[%dma_wait3A_408] : memref<6x!tpu.dma_semaphore, #tpu.memory_space<semaphore_mem>> -> memref<1x!tpu.dma_semaphore, #tpu.memory_space<semaphore_mem>>
        %dma_wait3A_411 = tpu.memref_squeeze %dma_wait3A_410 : memref<1x!tpu.dma_semaphore, #tpu.memory_space<semaphore_mem>> -> memref<!tpu.dma_semaphore, #tpu.memory_space<semaphore_mem>>
        %dma_wait3A_412 = tpu.memref_slice %arg3[%add3A_407] : memref<322560xi32, #tpu.memory_space<hbm>> -> memref<112xi32, #tpu.memory_space<hbm>>
        tpu.wait_dma2 semaphore(%dma_wait3A_411 : memref<!tpu.dma_semaphore, #tpu.memory_space<semaphore_mem>>) src(%dma_wait3A_412 : memref<112xi32, #tpu.memory_space<hbm>>) dst(%arg7 : memref<112xi32, #tpu.memory_space<vmem>>)
        %dma_wait3A_413 = arith.constant 1 : i32
        %dma_wait3A_414 = tpu.memref_slice %arg4[%add3A_407] : memref<322560xi32, #tpu.memory_space<hbm>> -> memref<112xi32, #tpu.memory_space<hbm>>
        %dma_wait3A_415 = tpu.memref_slice %arg25[%dma_wait3A_413] : memref<6x!tpu.dma_semaphore, #tpu.memory_space<semaphore_mem>> -> memref<1x!tpu.dma_semaphore, #tpu.memory_space<semaphore_mem>>
        %dma_wait3A_416 = tpu.memref_squeeze %dma_wait3A_415 : memref<1x!tpu.dma_semaphore, #tpu.memory_space<semaphore_mem>> -> memref<!tpu.dma_semaphore, #tpu.memory_space<semaphore_mem>>
        %dma_wait3A_417 = tpu.memref_slice %arg4[%add3A_407] : memref<322560xi32, #tpu.memory_space<hbm>> -> memref<112xi32, #tpu.memory_space<hbm>>
        tpu.wait_dma2 semaphore(%dma_wait3A_416 : memref<!tpu.dma_semaphore, #tpu.memory_space<semaphore_mem>>) src(%dma_wait3A_417 : memref<112xi32, #tpu.memory_space<hbm>>) dst(%arg13 : memref<112xi32, #tpu.memory_space<vmem>>)
        %dma_start3A_418 = arith.constant 1 : i32
        %dma_start3A_419 = arith.constant 0 : i32
        %dma_start3A_420 = arith.constant 0 : i32
        %dma_start3A_421 = tpu.memref_slice %arg2[%dma_start3A_419, %dma_start3A_420] : memref<10000x128xf32, #tpu.memory_space<hbm>> -> memref<10000x128xf32, #tpu.memory_space<hbm>>
        %dma_start3A_422 = tpu.memref_slice %arg22[%dma_start3A_418] : memref<3x!tpu.dma_semaphore, #tpu.memory_space<semaphore_mem>> -> memref<1x!tpu.dma_semaphore, #tpu.memory_space<semaphore_mem>>
        %dma_start3A_423 = tpu.memref_squeeze %dma_start3A_422 : memref<1x!tpu.dma_semaphore, #tpu.memory_space<semaphore_mem>> -> memref<!tpu.dma_semaphore, #tpu.memory_space<semaphore_mem>>
        tpu.enqueue_indirect_dma source(%dma_start3A_421 : memref<10000x128xf32, #tpu.memory_space<hbm>>) target(%arg19 : memref<112x128xf32, #tpu.memory_space<vmem>>) offsets(%arg7 : memref<112xi32, #tpu.memory_space<vmem>>) semaphore(%dma_start3A_423 : memref<!tpu.dma_semaphore, #tpu.memory_space<semaphore_mem>>)
      } else {
      }
      %lt3A_400 = arith.constant 14 : i32
      %lt3A_401 = arith.cmpi slt, %scan3A_130, %lt3A_400 : i32
      %convert_element_type3A_402 = arith.extui %lt3A_401 : i1 to i32
      %cond3A_403 = arith.constant 0 : i32
      %cond3A_404 = arith.cmpi ne, %convert_element_type3A_402, %cond3A_403 : i32
      scf.if %cond3A_404 {
        %add3A_406 = arith.constant 448 : i32
        %add3A_407 = arith.addi %add3A_376, %add3A_406 : i32
        %dma_start3A_408 = arith.constant 3 : i32
        %dma_start3A_409 = tpu.memref_slice %arg3[%add3A_407] : memref<322560xi32, #tpu.memory_space<hbm>> -> memref<112xi32, #tpu.memory_space<hbm>>
        %dma_start3A_410 = tpu.memref_slice %arg24[%dma_start3A_408] : memref<6x!tpu.dma_semaphore, #tpu.memory_space<semaphore_mem>> -> memref<1x!tpu.dma_semaphore, #tpu.memory_space<semaphore_mem>>
        %dma_start3A_411 = tpu.memref_squeeze %dma_start3A_410 : memref<1x!tpu.dma_semaphore, #tpu.memory_space<semaphore_mem>> -> memref<!tpu.dma_semaphore, #tpu.memory_space<semaphore_mem>>
        %dma_start3A_412 = tpu.memref_slice %arg3[%add3A_407] : memref<322560xi32, #tpu.memory_space<hbm>> -> memref<112xi32, #tpu.memory_space<hbm>>
        tpu.enqueue_dma source(%dma_start3A_412 : memref<112xi32, #tpu.memory_space<hbm>>) target(%arg9 : memref<112xi32, #tpu.memory_space<vmem>>) target_semaphore(%dma_start3A_411 : memref<!tpu.dma_semaphore, #tpu.memory_space<semaphore_mem>>)
        %dma_start3A_413 = arith.constant 3 : i32
        %dma_start3A_414 = tpu.memref_slice %arg4[%add3A_407] : memref<322560xi32, #tpu.memory_space<hbm>> -> memref<112xi32, #tpu.memory_space<hbm>>
        %dma_start3A_415 = tpu.memref_slice %arg25[%dma_start3A_413] : memref<6x!tpu.dma_semaphore, #tpu.memory_space<semaphore_mem>> -> memref<1x!tpu.dma_semaphore, #tpu.memory_space<semaphore_mem>>
        %dma_start3A_416 = tpu.memref_squeeze %dma_start3A_415 : memref<1x!tpu.dma_semaphore, #tpu.memory_space<semaphore_mem>> -> memref<!tpu.dma_semaphore, #tpu.memory_space<semaphore_mem>>
        %dma_start3A_417 = tpu.memref_slice %arg4[%add3A_407] : memref<322560xi32, #tpu.memory_space<hbm>> -> memref<112xi32, #tpu.memory_space<hbm>>
        tpu.enqueue_dma source(%dma_start3A_417 : memref<112xi32, #tpu.memory_space<hbm>>) target(%arg15 : memref<112xi32, #tpu.memory_space<vmem>>) target_semaphore(%dma_start3A_416 : memref<!tpu.dma_semaphore, #tpu.memory_space<semaphore_mem>>)
      } else {
      }
      %scan3A_405 = arith.constant 0 : i32
      scf.yield %scan3A_405 : i32
    }
    %scan3A_113 = arith.constant 15 : i32
    %dma_wait3A_114 = arith.constant 2 : i32
    %dma_wait3A_115 = arith.constant 0 : i32
    %dma_wait3A_116 = arith.constant 0 : i32
    %dma_wait3A_117 = tpu.memref_slice %arg21[%dma_wait3A_115, %dma_wait3A_116] : memref<10512x128xf32, #tpu.memory_space<vmem_shared>> -> memref<10512x128xf32, #tpu.memory_space<vmem_shared>>
    %dma_wait3A_118 = tpu.memref_slice %arg23[%dma_wait3A_114] : memref<3x!tpu.dma_semaphore, #tpu.memory_space<semaphore_mem>> -> memref<1x!tpu.dma_semaphore, #tpu.memory_space<semaphore_mem>>
    %dma_wait3A_119 = tpu.memref_squeeze %dma_wait3A_118 : memref<1x!tpu.dma_semaphore, #tpu.memory_space<semaphore_mem>> -> memref<!tpu.dma_semaphore, #tpu.memory_space<semaphore_mem>>
    tpu.wait_indirect_dma semaphore(%dma_wait3A_119 : memref<!tpu.dma_semaphore, #tpu.memory_space<semaphore_mem>>) src(%arg20 : memref<112x128xf32, #tpu.memory_space<vmem>>) dst(%dma_wait3A_117 : memref<10512x128xf32, #tpu.memory_space<vmem_shared>>)
    %barrier3A_120 = arith.constant 0 : index
    tpu.barrier barrier_id(%barrier3A_120)
    %mul3A_121 = arith.constant 624 : i32
    %mul3A_122 = arith.muli %arg1, %mul3A_121 : i32
    %mul3A_123 = arith.constant 624 : i32
    %mul3A_124 = arith.muli %arg1, %mul3A_123 : i32
    "tpu.region"() ({
      %run_scoped3A = tpu.sem_alloc : memref<!tpu.dma_semaphore, #tpu.memory_space<semaphore_mem>>
      %dma_start3A_130 = arith.constant 0 : i32
      %dma_start3A_131 = tpu.memref_slice %arg5[%arg0, %mul3A_124, %dma_start3A_130] : memref<2x10000x128xf32, #tpu.memory_space<hbm>> -> memref<1x624x128xf32, #tpu.memory_space<hbm>>
      %dma_start3A_132 = tpu.memref_squeeze %dma_start3A_131 : memref<1x624x128xf32, #tpu.memory_space<hbm>> -> memref<624x128xf32, #tpu.memory_space<hbm>>
      %dma_start3A_133 = arith.constant 0 : i32
      %dma_start3A_134 = tpu.memref_slice %arg21[%mul3A_122, %dma_start3A_133] : memref<10512x128xf32, #tpu.memory_space<vmem_shared>> -> memref<624x128xf32, #tpu.memory_space<vmem_shared>>
      tpu.enqueue_dma source(%dma_start3A_134 : memref<624x128xf32, #tpu.memory_space<vmem_shared>>) target(%dma_start3A_132 : memref<624x128xf32, #tpu.memory_space<hbm>>) target_semaphore(%run_scoped3A : memref<!tpu.dma_semaphore, #tpu.memory_space<semaphore_mem>>)
      %dma_wait3A_135 = arith.constant 0 : i32
      %dma_wait3A_136 = tpu.memref_slice %arg5[%arg0, %mul3A_124, %dma_wait3A_135] : memref<2x10000x128xf32, #tpu.memory_space<hbm>> -> memref<1x624x128xf32, #tpu.memory_space<hbm>>
      %dma_wait3A_137 = tpu.memref_squeeze %dma_wait3A_136 : memref<1x624x128xf32, #tpu.memory_space<hbm>> -> memref<624x128xf32, #tpu.memory_space<hbm>>
      %dma_wait3A_138 = arith.constant 0 : i32
      %dma_wait3A_139 = tpu.memref_slice %arg21[%mul3A_122, %dma_wait3A_138] : memref<10512x128xf32, #tpu.memory_space<vmem_shared>> -> memref<624x128xf32, #tpu.memory_space<vmem_shared>>
      tpu.wait_dma2 semaphore(%run_scoped3A : memref<!tpu.dma_semaphore, #tpu.memory_space<semaphore_mem>>) src(%dma_wait3A_139 : memref<624x128xf32, #tpu.memory_space<vmem_shared>>) dst(%dma_wait3A_137 : memref<624x128xf32, #tpu.memory_space<hbm>>)
      tpu.yield
    }) : () -> ()
    %eq3A_125 = arith.constant 15 : i32
    %eq3A_126 = arith.cmpi eq, %arg1, %eq3A_125 : i32
    %convert_element_type3A_127 = arith.extui %eq3A_126 : i1 to i32
    %cond3A_128 = arith.constant 0 : i32
    %cond3A_129 = arith.cmpi ne, %convert_element_type3A_127, %cond3A_128 : i32
    scf.if %cond3A_129 {
      "tpu.region"() ({
        %run_scoped3A = tpu.sem_alloc : memref<!tpu.dma_semaphore, #tpu.memory_space<semaphore_mem>>
        %dma_start3A_130 = arith.constant 9984 : i32
        %dma_start3A_131 = arith.constant 0 : i32
        %dma_start3A_132 = tpu.memref_slice %arg5[%arg0, %dma_start3A_130, %dma_start3A_131] : memref<2x10000x128xf32, #tpu.memory_space<hbm>> -> memref<1x16x128xf32, #tpu.memory_space<hbm>>
        %dma_start3A_133 = tpu.memref_squeeze %dma_start3A_132 : memref<1x16x128xf32, #tpu.memory_space<hbm>> -> memref<16x128xf32, #tpu.memory_space<hbm>>
        %dma_start3A_134 = arith.constant 9984 : i32
        %dma_start3A_135 = arith.constant 0 : i32
        %dma_start3A_136 = tpu.memref_slice %arg21[%dma_start3A_134, %dma_start3A_135] : memref<10512x128xf32, #tpu.memory_space<vmem_shared>> -> memref<16x128xf32, #tpu.memory_space<vmem_shared>>
        tpu.enqueue_dma source(%dma_start3A_136 : memref<16x128xf32, #tpu.memory_space<vmem_shared>>) target(%dma_start3A_133 : memref<16x128xf32, #tpu.memory_space<hbm>>) target_semaphore(%run_scoped3A : memref<!tpu.dma_semaphore, #tpu.memory_space<semaphore_mem>>)
        %dma_wait3A_137 = arith.constant 9984 : i32
        %dma_wait3A_138 = arith.constant 0 : i32
        %dma_wait3A_139 = tpu.memref_slice %arg5[%arg0, %dma_wait3A_137, %dma_wait3A_138] : memref<2x10000x128xf32, #tpu.memory_space<hbm>> -> memref<1x16x128xf32, #tpu.memory_space<hbm>>
        %dma_wait3A_140 = tpu.memref_squeeze %dma_wait3A_139 : memref<1x16x128xf32, #tpu.memory_space<hbm>> -> memref<16x128xf32, #tpu.memory_space<hbm>>
        %dma_wait3A_141 = arith.constant 9984 : i32
        %dma_wait3A_142 = arith.constant 0 : i32
        %dma_wait3A_143 = tpu.memref_slice %arg21[%dma_wait3A_141, %dma_wait3A_142] : memref<10512x128xf32, #tpu.memory_space<vmem_shared>> -> memref<16x128xf32, #tpu.memory_space<vmem_shared>>
        tpu.wait_dma2 semaphore(%run_scoped3A : memref<!tpu.dma_semaphore, #tpu.memory_space<semaphore_mem>>) src(%dma_wait3A_143 : memref<16x128xf32, #tpu.memory_space<vmem_shared>>) dst(%dma_wait3A_140 : memref<16x128xf32, #tpu.memory_space<hbm>>)
        tpu.yield
      }) : () -> ()
    } else {
    }
    return
  }
}

module attributes {stable_mosaic.version = 14 : i64} {
  func.func @_mlp_pool_body(%arg0: memref<10000x128xf32, #tpu.memory_space<vmem>>, %arg1: memref<2x10000x128xf32, #tpu.memory_space<vmem>>, %arg2: memref<1x10000xi32, #tpu.memory_space<vmem>>, %arg3: memref<128x128xf32, #tpu.memory_space<vmem>>, %arg4: memref<1x128xf32, #tpu.memory_space<vmem>>, %arg5: memref<1x128xf32, #tpu.memory_space<vmem>>, %arg6: memref<1x128xf32, #tpu.memory_space<vmem>>, %arg7: memref<128x128xf32, #tpu.memory_space<vmem>>, %arg8: memref<1x128xf32, #tpu.memory_space<vmem>>, %arg9: memref<8x128xf32, #tpu.memory_space<vmem>>) attributes {dimension_semantics = [], scalar_prefetch = 0 : i64, scratch_operands = 0 : i64, tpu.core_type = #tpu.core_type<tc>} {
    %get3A = arith.constant 0 : index
    %get3A_0 = arith.constant 0 : index
    %get3A_1 = vector.load %arg0[%get3A, %get3A_0] : memref<10000x128xf32, #tpu.memory_space<vmem>>, vector<10000x128xf32>
    %get3A_2 = arith.constant 0 : index
    %get3A_3 = arith.constant 0 : index
    %get3A_4 = arith.constant 0 : index
    %get3A_5 = vector.load %arg1[%get3A_2, %get3A_3, %get3A_4] : memref<2x10000x128xf32, #tpu.memory_space<vmem>>, vector<1x10000x128xf32>
    %get3A_6 = vector.shape_cast %get3A_5 : vector<1x10000x128xf32> to vector<10000x128xf32>
    %add3A = arith.addf %get3A_1, %get3A_6 : vector<10000x128xf32>
    %get3A_7 = arith.constant 1 : index
    %get3A_8 = arith.constant 0 : index
    %get3A_9 = arith.constant 0 : index
    %get3A_10 = vector.load %arg1[%get3A_7, %get3A_8, %get3A_9] : memref<2x10000x128xf32, #tpu.memory_space<vmem>>, vector<1x10000x128xf32>
    %get3A_11 = vector.shape_cast %get3A_10 : vector<1x10000x128xf32> to vector<10000x128xf32>
    %add3A_12 = arith.addf %add3A, %get3A_11 : vector<10000x128xf32>
    %get3A_13 = arith.constant 0 : index
    %get3A_14 = arith.constant 0 : index
    %get3A_15 = vector.load %arg3[%get3A_13, %get3A_14] : memref<128x128xf32, #tpu.memory_space<vmem>>, vector<128x128xf32>
    %dot_general3A = arith.constant dense<0.000000e+00> : vector<10000x128xf32>
    %dot_general3A_16 = tpu.matmul %add3A_12, %get3A_15, %dot_general3A {dimension_numbers = #tpu.dot_dimension_numbers<[1], [0], [0], [1], [0, 0, 1, 1], [], []>, transpose_lhs_hint = false} : vector<10000x128xf32>, vector<128x128xf32>, vector<10000x128xf32> -> vector<10000x128xf32>
    %get3A_17 = arith.constant 0 : index
    %get3A_18 = arith.constant 0 : index
    %get3A_19 = vector.load %arg4[%get3A_17, %get3A_18] : memref<1x128xf32, #tpu.memory_space<vmem>>, vector<1x128xf32>
    %add3A_20 = vector.broadcast %get3A_19 : vector<1x128xf32> to vector<10000x128xf32>
    %add3A_21 = arith.addf %dot_general3A_16, %add3A_20 : vector<10000x128xf32>
    %reduce_sum3A = arith.constant dense<0.000000e+00> : vector<128xf32>
    %reduce_sum3A_22 = vector.multi_reduction <add>, %add3A_21, %reduce_sum3A [0] : vector<10000x128xf32> to vector<128xf32>
    %broadcast_in_dim3A = vector.shape_cast %reduce_sum3A_22 : vector<128xf32> to vector<1x128xf32>
    %div3A = arith.constant 1.000000e+04 : f32
    %div3A_23 = vector.broadcast %div3A : f32 to vector<1x128xf32>
    %div3A_24 = arith.divf %broadcast_in_dim3A, %div3A_23 : vector<1x128xf32>
    %mul3A = arith.mulf %add3A_21, %add3A_21 : vector<10000x128xf32>
    %reduce_sum3A_25 = arith.constant dense<0.000000e+00> : vector<128xf32>
    %reduce_sum3A_26 = vector.multi_reduction <add>, %mul3A, %reduce_sum3A_25 [0] : vector<10000x128xf32> to vector<128xf32>
    %broadcast_in_dim3A_27 = vector.shape_cast %reduce_sum3A_26 : vector<128xf32> to vector<1x128xf32>
    %div3A_28 = arith.constant 1.000000e+04 : f32
    %div3A_29 = vector.broadcast %div3A_28 : f32 to vector<1x128xf32>
    %div3A_30 = arith.divf %broadcast_in_dim3A_27, %div3A_29 : vector<1x128xf32>
    %mul3A_31 = arith.mulf %div3A_24, %div3A_24 : vector<1x128xf32>
    %sub3A = arith.subf %div3A_30, %mul3A_31 : vector<1x128xf32>
    %sub3A_32 = vector.broadcast %div3A_24 : vector<1x128xf32> to vector<10000x128xf32>
    %sub3A_33 = arith.subf %add3A_21, %sub3A_32 : vector<10000x128xf32>
    %get3A_34 = arith.constant 0 : index
    %get3A_35 = arith.constant 0 : index
    %get3A_36 = vector.load %arg5[%get3A_34, %get3A_35] : memref<1x128xf32, #tpu.memory_space<vmem>>, vector<1x128xf32>
    %add3A_37 = arith.constant 9.99999974E-6 : f32
    %add3A_38 = vector.broadcast %add3A_37 : f32 to vector<1x128xf32>
    %add3A_39 = arith.addf %sub3A, %add3A_38 : vector<1x128xf32>
    %rsqrt3A = math.rsqrt %add3A_39 : vector<1x128xf32>
    %mul3A_40 = arith.mulf %get3A_36, %rsqrt3A : vector<1x128xf32>
    %mul3A_41 = vector.broadcast %mul3A_40 : vector<1x128xf32> to vector<10000x128xf32>
    %mul3A_42 = arith.mulf %sub3A_33, %mul3A_41 : vector<10000x128xf32>
    %get3A_43 = arith.constant 0 : index
    %get3A_44 = arith.constant 0 : index
    %get3A_45 = vector.load %arg6[%get3A_43, %get3A_44] : memref<1x128xf32, #tpu.memory_space<vmem>>, vector<1x128xf32>
    %add3A_46 = vector.broadcast %get3A_45 : vector<1x128xf32> to vector<10000x128xf32>
    %add3A_47 = arith.addf %mul3A_42, %add3A_46 : vector<10000x128xf32>
    %max3A = arith.constant 0.000000e+00 : f32
    %max3A_48 = vector.broadcast %max3A : f32 to vector<10000x128xf32>
    %max3A_49 = arith.maximumf %add3A_47, %max3A_48 : vector<10000x128xf32>
    %get3A_50 = arith.constant 0 : index
    %get3A_51 = arith.constant 0 : index
    %get3A_52 = vector.load %arg7[%get3A_50, %get3A_51] : memref<128x128xf32, #tpu.memory_space<vmem>>, vector<128x128xf32>
    %dot_general3A_53 = arith.constant dense<0.000000e+00> : vector<10000x128xf32>
    %dot_general3A_54 = tpu.matmul %max3A_49, %get3A_52, %dot_general3A_53 {dimension_numbers = #tpu.dot_dimension_numbers<[1], [0], [0], [1], [0, 0, 1, 1], [], []>, transpose_lhs_hint = false} : vector<10000x128xf32>, vector<128x128xf32>, vector<10000x128xf32> -> vector<10000x128xf32>
    %get3A_55 = arith.constant 0 : index
    %get3A_56 = arith.constant 0 : index
    %get3A_57 = vector.load %arg8[%get3A_55, %get3A_56] : memref<1x128xf32, #tpu.memory_space<vmem>>, vector<1x128xf32>
    %add3A_58 = vector.broadcast %get3A_57 : vector<1x128xf32> to vector<10000x128xf32>
    %add3A_59 = arith.addf %dot_general3A_54, %add3A_58 : vector<10000x128xf32>
    %max3A_60 = arith.constant 0.000000e+00 : f32
    %max3A_61 = vector.broadcast %max3A_60 : f32 to vector<10000x128xf32>
    %max3A_62 = arith.maximumf %add3A_59, %max3A_61 : vector<10000x128xf32>
    %get3A_63 = arith.constant 0 : index
    %get3A_64 = arith.constant 0 : index
    %get3A_65 = vector.load %arg2[%get3A_63, %get3A_64] : memref<1x10000xi32, #tpu.memory_space<vmem>>, vector<1x10000xi32>
    %iota3A = tpu.iota {dimensions = array<i32: 0>} : vector<8x10000xi32>
    %eq3A = vector.broadcast %get3A_65 : vector<1x10000xi32> to vector<8x10000xi32>
    %eq3A_66 = arith.cmpi eq, %eq3A, %iota3A : vector<8x10000xi32>
    %convert_element_type3A = arith.extui %eq3A_66 : vector<8x10000xi1> to vector<8x10000xi32>
    %convert_element_type3A_67 = arith.sitofp %convert_element_type3A : vector<8x10000xi32> to vector<8x10000xf32>
    %dot_general3A_68 = arith.constant dense<0.000000e+00> : vector<8x128xf32>
    %dot_general3A_69 = tpu.matmul %convert_element_type3A_67, %max3A_62, %dot_general3A_68 {dimension_numbers = #tpu.dot_dimension_numbers<[1], [0], [0], [1], [0, 0, 1, 1], [], []>, transpose_lhs_hint = false} : vector<8x10000xf32>, vector<10000x128xf32>, vector<8x128xf32> -> vector<8x128xf32>
    %swap3A = arith.constant 0 : index
    %swap3A_70 = arith.constant 0 : index
    %swap3A_71 = vector.load %arg9[%swap3A, %swap3A_70] : memref<8x128xf32, #tpu.memory_space<vmem>>, vector<8x128xf32>
    tpu.vector_store %arg9[%swap3A, %swap3A_70], %dot_general3A_69 {strides = array<i32>} : memref<8x128xf32, #tpu.memory_space<vmem>>, vector<8x128xf32>,
    return
  }
}

module attributes {stable_mosaic.version = 14 : i64} {
  func.func @_mlp_pool_body(%arg0: memref<10000x128xf32, #tpu.memory_space<vmem>>, %arg1: memref<2x10000x128xf32, #tpu.memory_space<vmem>>, %arg2: memref<1x10000xi32, #tpu.memory_space<vmem>>, %arg3: memref<128x128xf32, #tpu.memory_space<vmem>>, %arg4: memref<1x128xf32, #tpu.memory_space<vmem>>, %arg5: memref<1x128xf32, #tpu.memory_space<vmem>>, %arg6: memref<1x128xf32, #tpu.memory_space<vmem>>, %arg7: memref<128x128xf32, #tpu.memory_space<vmem>>, %arg8: memref<1x128xf32, #tpu.memory_space<vmem>>, %arg9: memref<10000x128xf32, #tpu.memory_space<vmem>>, %arg10: memref<8x128xf32, #tpu.memory_space<vmem>>) attributes {dimension_semantics = [], scalar_prefetch = 0 : i64, scratch_operands = 0 : i64, tpu.core_type = #tpu.core_type<tc>} {
    %get3A = arith.constant 0 : index
    %get3A_0 = arith.constant 0 : index
    %get3A_1 = vector.load %arg0[%get3A, %get3A_0] : memref<10000x128xf32, #tpu.memory_space<vmem>>, vector<10000x128xf32>
    %get3A_2 = arith.constant 0 : index
    %get3A_3 = arith.constant 0 : index
    %get3A_4 = arith.constant 0 : index
    %get3A_5 = vector.load %arg1[%get3A_2, %get3A_3, %get3A_4] : memref<2x10000x128xf32, #tpu.memory_space<vmem>>, vector<1x10000x128xf32>
    %get3A_6 = vector.shape_cast %get3A_5 : vector<1x10000x128xf32> to vector<10000x128xf32>
    %add3A = arith.addf %get3A_1, %get3A_6 : vector<10000x128xf32>
    %get3A_7 = arith.constant 1 : index
    %get3A_8 = arith.constant 0 : index
    %get3A_9 = arith.constant 0 : index
    %get3A_10 = vector.load %arg1[%get3A_7, %get3A_8, %get3A_9] : memref<2x10000x128xf32, #tpu.memory_space<vmem>>, vector<1x10000x128xf32>
    %get3A_11 = vector.shape_cast %get3A_10 : vector<1x10000x128xf32> to vector<10000x128xf32>
    %add3A_12 = arith.addf %add3A, %get3A_11 : vector<10000x128xf32>
    %get3A_13 = arith.constant 0 : index
    %get3A_14 = arith.constant 0 : index
    %get3A_15 = vector.load %arg3[%get3A_13, %get3A_14] : memref<128x128xf32, #tpu.memory_space<vmem>>, vector<128x128xf32>
    %dot_general3A = arith.constant dense<0.000000e+00> : vector<10000x128xf32>
    %dot_general3A_16 = tpu.matmul %add3A_12, %get3A_15, %dot_general3A {dimension_numbers = #tpu.dot_dimension_numbers<[1], [0], [0], [1], [0, 0, 1, 1], [], []>, transpose_lhs_hint = false} : vector<10000x128xf32>, vector<128x128xf32>, vector<10000x128xf32> -> vector<10000x128xf32>
    %get3A_17 = arith.constant 0 : index
    %get3A_18 = arith.constant 0 : index
    %get3A_19 = vector.load %arg4[%get3A_17, %get3A_18] : memref<1x128xf32, #tpu.memory_space<vmem>>, vector<1x128xf32>
    %add3A_20 = vector.broadcast %get3A_19 : vector<1x128xf32> to vector<10000x128xf32>
    %add3A_21 = arith.addf %dot_general3A_16, %add3A_20 : vector<10000x128xf32>
    %reduce_sum3A = arith.constant dense<0.000000e+00> : vector<128xf32>
    %reduce_sum3A_22 = vector.multi_reduction <add>, %add3A_21, %reduce_sum3A [0] : vector<10000x128xf32> to vector<128xf32>
    %broadcast_in_dim3A = vector.shape_cast %reduce_sum3A_22 : vector<128xf32> to vector<1x128xf32>
    %div3A = arith.constant 1.000000e+04 : f32
    %div3A_23 = vector.broadcast %div3A : f32 to vector<1x128xf32>
    %div3A_24 = arith.divf %broadcast_in_dim3A, %div3A_23 : vector<1x128xf32>
    %mul3A = arith.mulf %add3A_21, %add3A_21 : vector<10000x128xf32>
    %reduce_sum3A_25 = arith.constant dense<0.000000e+00> : vector<128xf32>
    %reduce_sum3A_26 = vector.multi_reduction <add>, %mul3A, %reduce_sum3A_25 [0] : vector<10000x128xf32> to vector<128xf32>
    %broadcast_in_dim3A_27 = vector.shape_cast %reduce_sum3A_26 : vector<128xf32> to vector<1x128xf32>
    %div3A_28 = arith.constant 1.000000e+04 : f32
    %div3A_29 = vector.broadcast %div3A_28 : f32 to vector<1x128xf32>
    %div3A_30 = arith.divf %broadcast_in_dim3A_27, %div3A_29 : vector<1x128xf32>
    %mul3A_31 = arith.mulf %div3A_24, %div3A_24 : vector<1x128xf32>
    %sub3A = arith.subf %div3A_30, %mul3A_31 : vector<1x128xf32>
    %sub3A_32 = vector.broadcast %div3A_24 : vector<1x128xf32> to vector<10000x128xf32>
    %sub3A_33 = arith.subf %add3A_21, %sub3A_32 : vector<10000x128xf32>
    %get3A_34 = arith.constant 0 : index
    %get3A_35 = arith.constant 0 : index
    %get3A_36 = vector.load %arg5[%get3A_34, %get3A_35] : memref<1x128xf32, #tpu.memory_space<vmem>>, vector<1x128xf32>
    %add3A_37 = arith.constant 9.99999974E-6 : f32
    %add3A_38 = vector.broadcast %add3A_37 : f32 to vector<1x128xf32>
    %add3A_39 = arith.addf %sub3A, %add3A_38 : vector<1x128xf32>
    %rsqrt3A = math.rsqrt %add3A_39 : vector<1x128xf32>
    %mul3A_40 = arith.mulf %get3A_36, %rsqrt3A : vector<1x128xf32>
    %mul3A_41 = vector.broadcast %mul3A_40 : vector<1x128xf32> to vector<10000x128xf32>
    %mul3A_42 = arith.mulf %sub3A_33, %mul3A_41 : vector<10000x128xf32>
    %get3A_43 = arith.constant 0 : index
    %get3A_44 = arith.constant 0 : index
    %get3A_45 = vector.load %arg6[%get3A_43, %get3A_44] : memref<1x128xf32, #tpu.memory_space<vmem>>, vector<1x128xf32>
    %add3A_46 = vector.broadcast %get3A_45 : vector<1x128xf32> to vector<10000x128xf32>
    %add3A_47 = arith.addf %mul3A_42, %add3A_46 : vector<10000x128xf32>
    %max3A = arith.constant 0.000000e+00 : f32
    %max3A_48 = vector.broadcast %max3A : f32 to vector<10000x128xf32>
    %max3A_49 = arith.maximumf %add3A_47, %max3A_48 : vector<10000x128xf32>
    %get3A_50 = arith.constant 0 : index
    %get3A_51 = arith.constant 0 : index
    %get3A_52 = vector.load %arg7[%get3A_50, %get3A_51] : memref<128x128xf32, #tpu.memory_space<vmem>>, vector<128x128xf32>
    %dot_general3A_53 = arith.constant dense<0.000000e+00> : vector<10000x128xf32>
    %dot_general3A_54 = tpu.matmul %max3A_49, %get3A_52, %dot_general3A_53 {dimension_numbers = #tpu.dot_dimension_numbers<[1], [0], [0], [1], [0, 0, 1, 1], [], []>, transpose_lhs_hint = false} : vector<10000x128xf32>, vector<128x128xf32>, vector<10000x128xf32> -> vector<10000x128xf32>
    %get3A_55 = arith.constant 0 : index
    %get3A_56 = arith.constant 0 : index
    %get3A_57 = vector.load %arg8[%get3A_55, %get3A_56] : memref<1x128xf32, #tpu.memory_space<vmem>>, vector<1x128xf32>
    %add3A_58 = vector.broadcast %get3A_57 : vector<1x128xf32> to vector<10000x128xf32>
    %add3A_59 = arith.addf %dot_general3A_54, %add3A_58 : vector<10000x128xf32>
    %max3A_60 = arith.constant 0.000000e+00 : f32
    %max3A_61 = vector.broadcast %max3A_60 : f32 to vector<10000x128xf32>
    %max3A_62 = arith.maximumf %add3A_59, %max3A_61 : vector<10000x128xf32>
    %get3A_63 = arith.constant 0 : index
    %get3A_64 = arith.constant 0 : index
    %get3A_65 = vector.load %arg2[%get3A_63, %get3A_64] : memref<1x10000xi32, #tpu.memory_space<vmem>>, vector<1x10000xi32>
    %iota3A = tpu.iota {dimensions = array<i32: 0>} : vector<8x10000xi32>
    %eq3A = vector.broadcast %get3A_65 : vector<1x10000xi32> to vector<8x10000xi32>
    %eq3A_66 = arith.cmpi eq, %eq3A, %iota3A : vector<8x10000xi32>
    %convert_element_type3A = arith.extui %eq3A_66 : vector<8x10000xi1> to vector<8x10000xi32>
    %convert_element_type3A_67 = arith.sitofp %convert_element_type3A : vector<8x10000xi32> to vector<8x10000xf32>
    %dot_general3A_68 = arith.constant dense<0.000000e+00> : vector<8x128xf32>
    %dot_general3A_69 = tpu.matmul %convert_element_type3A_67, %max3A_62, %dot_general3A_68 {dimension_numbers = #tpu.dot_dimension_numbers<[1], [0], [0], [1], [0, 0, 1, 1], [], []>, transpose_lhs_hint = false} : vector<8x10000xf32>, vector<10000x128xf32>, vector<8x128xf32> -> vector<8x128xf32>
    %swap3A = arith.constant 0 : index
    %swap3A_70 = arith.constant 0 : index
    %swap3A_71 = vector.load %arg9[%swap3A, %swap3A_70] : memref<10000x128xf32, #tpu.memory_space<vmem>>, vector<10000x128xf32>
    tpu.vector_store %arg9[%swap3A, %swap3A_70], %max3A_62 {strides = array<i32>} : memref<10000x128xf32, #tpu.memory_space<vmem>>, vector<10000x128xf32>,
    %swap3A_72 = arith.constant 0 : index
    %swap3A_73 = arith.constant 0 : index
    %swap3A_74 = vector.load %arg10[%swap3A_72, %swap3A_73] : memref<8x128xf32, #tpu.memory_space<vmem>>, vector<8x128xf32>
    tpu.vector_store %arg10[%swap3A_72, %swap3A_73], %dot_general3A_69 {strides = array<i32>} : memref<8x128xf32, #tpu.memory_space<vmem>>, vector<8x128xf32>,
    return
  }
}

</mosaic_0001>

<sc_bundles>
// kernel: kernel.6.cloned.1.call-start
scs
__scs_entry_jumppad:
0x0: {  	(pc) =	sbr.rel $0x88, $3  }
0x1: {  	(tag) =	ssettag $0x0;
	lr =	simm.s32 $0x1  }
0x2: {  	[smem:$0x3F92] =	sst lr;
	_ =	strace $0xD0000000  }
0x3: {  	_ = 	snop  }
0x4: {  	_ = 	snop  }
0x5: {  	_ = 	snop  }
0x6: {  	_ = 	snop  }
0x7: {  	_ = 	snop  }
__scs_overlays_trampoline_lowered:
0x8: {  	[smem:$0x3FA1] =	sst s0  }
0x9: {  	[smem:$0x3FA2] =	sst s1  }
0xa: {  	[smem:$0x3FA3] =	sst s2  }
0xb: {  	[smem:$0x3FA4] =	sst s3  }
0xc: {  	[smem:$0x3FA5] =	sst s4  }
0xd: {  	[smem:$0x3FA6] =	sst s5  }
0xe: {  	[smem:$0x3FA7] =	sst s6  }
0xf: {  	[smem:$0x3FA8] =	sst s7  }
0x10: {  	[smem:$0x3FA9] =	sst s8  }
0x11: {  	[smem:$0x3FAA] =	sst s9;
	s0 =	simm.s32 @!p0 $0x0  }
0x12: {  	s1 =	sld [smem:$0x3F90];
	s0 =	simm.s32 @p0 $0x1  }
0x13: {  	[smem:$0x3FAB] =	sst s0;
	s0 =	simm.s32 @!p1 $0x0  }
0x14: {  	s2 =	sld [smem:$0x3F8F];
	s0 =	simm.s32 @p1 $0x1  }
0x15: {  	[smem:$0x3FAC] =	sst s0;
	s0 =	simm.s32 @!p2 $0x0  }
0x16: {  	s3 =	sld [smem:$0x3FDB];
	s0 =	simm.s32 @p2 $0x1  }
0x17: {  	s4 =	simm.s32 $0x1BF5;
	[smem:$0x3FAE] =	sst s0  }
0x18: {  	s0 =	sld [smem:$0x3F91];
	_ =	swait.ge [sflag:s4], $0x0  }
0x19: {  	s7 =	sld [smem:$0x3F92]  }
0x1a: {  	s8 =	sadd.s32 $0xFFFFE003, lr  }
0x1b: {  	s9 =	sadd.s32 $0xFFFFFEF7, lr;
	s5 =	simm.s32 $0xFFFFFFFF;
	p2 =	slt.u32 s8, $0xFFFFF086  }
0x1c: {  	p1 =	slt.u32 s9, $0xF7A;
	s5 =	simm.s32 @!p2 $0x0  }
0x1d: {  	s5 =	simm.s32 @p1 $0x1;
	p0 =	seq.s32 s7, s2  }
0x1e: {  	s7 =	smul.u32 @!p0 $0xF7A, s2;
	p2 =	seq.s32 @!p0 s5, $0x0  }
0x1f: {  	s9 =	smul.u32 $0xF7A, s1;
	s8 =	simm.s32 @!p0 $0x1BF5;
	p2 =	por !p2, p0  }
0x20: {  	[sflag:s8] =	ssyncset.s32 @!p0 $0xFFFFF086;
	s6 =	sadd.s32 @!p0 s3, s7;
	s7 =	simm.s32 @!p0 $0x108  }
0x21: {  	s3 =	sadd.s32 s3, s9;
	s6 =	sadd.s32 @!p0 $0x88, s6;
	s7 =	simm.s32 @p2 $0x1082  }
0x22: {  	[simem:s7], [sflag:s8] =	dma.local @!p0 [hbm:s6], $0xF7A  }
0x23: {  	s9 =	sor.u32 $0xD0000000, s2;
	s6 =	simm.s32 $0x108;
	_ =	swait.ge @!p0 [sflag:s8], $0x0  }
0x24: {  	s3 =	sadd.s32 $0x88, s3;
	s6 =	simm.s32 @!p1 $0x1082;
	[sflag:s4] =	ssyncset.s32 $0xFFFFF086  }
0x25: {  	[simem:s6], [sflag:s4] =	dma.local [hbm:s3], $0xF7A  }
0x26: {  	[smem:$0x3F92] =	sst s1;
	(tag) =	ssettag s2;
	_ =	strace s9  }
0x27: {  	s1 =	sld [smem:$0x3FA2]  }
0x28: {  	s2 =	sld [smem:$0x3FA3]  }
0x29: {  	s4 =	sld [smem:$0x3FA5]  }
0x2a: {  	p0 =	seq.s32 s5, $0x0;
	s5 =	sld [smem:$0x3FA6]  }
0x2b: {  	s6 =	sld [smem:$0x3FA7]  }
0x2c: {  	s7 =	sld [smem:$0x3FA8]  }
0x2d: {  	s3 =	simm.s32 $0x108;
	s8 =	sld [smem:$0x3FA9]  }
0x2e: {  	s3 =	simm.s32 @!p0 $0x1082;
	s9 =	sld [smem:$0x3FAA]  }
0x2f: {  	lr =	sadd.s32 s0, s3;
	s0 =	sld [smem:$0x3FA1]  }
0x30: {  	s3 =	sld [smem:$0x3FA4]  }
0x31: {  	[smem:$0x3FAD] =	sst s10  }
0x32: {  	s10 =	sld [smem:$0x3FAB];
	_ =	sdelay $0x3  }
0x33: {  	p0 =	seq.s32 s10, $0x1;
	s10 =	sld [smem:$0x3FAD];
	_ =	sdelay $0x3  }
0x34: {  	[smem:$0x3FAD] =	sst s10  }
0x35: {  	s10 =	sld [smem:$0x3FAC];
	_ =	sdelay $0x3  }
0x36: {  	p1 =	seq.s32 s10, $0x1;
	s10 =	sld [smem:$0x3FAD];
	_ =	sdelay $0x3  }
0x37: {  	[smem:$0x3FAD] =	sst s10  }
0x38: {  	s10 =	sld [smem:$0x3FAE]  }
0x39: {  	_ = 	snop;
	(pc) =	sbr.ind lr, $3  }
0x3a: {  	_ = 	snop  }
0x3b: {  	_ = 	snop  }
0x3c: {  	p2 =	seq.s32 s10, $0x1;
	s10 =	sld [smem:$0x3FAD]  }
0x3d: {  	_ =	shalt  }
0x3e: {  	_ =	shalt  }
0x3f: {  	_ =	shalt  }
0x40: {  	_ =	shalt  }
0x41: {  	_ =	shalt  }
0x42: {  	_ =	shalt  }
0x43: {  	_ =	shalt  }
0x44: {  	_ =	shalt  }
0x45: {  	_ =	shalt  }
0x46: {  	_ =	shalt  }
0x47: {  	_ =	shalt  }
0x48: {  	_ =	shalt  }
0x49: {  	_ =	shalt  }
0x4a: {  	_ =	shalt  }
0x4b: {  	_ =	shalt  }
0x4c: {  	_ =	shalt  }
0x4d: {  	_ =	shalt  }
0x4e: {  	_ =	shalt  }
0x4f: {  	_ =	shalt  }
0x50: {  	_ =	shalt  }
0x51: {  	_ =	shalt  }
0x52: {  	_ =	shalt  }
0x53: {  	_ =	shalt  }
0x54: {  	_ =	shalt  }
0x55: {  	_ =	shalt  }
0x56: {  	_ =	shalt  }
0x57: {  	_ =	shalt  }
0x58: {  	_ =	shalt  }
0x59: {  	_ =	shalt  }
0x5a: {  	_ =	shalt  }
0x5b: {  	_ =	shalt  }
0x5c: {  	_ =	shalt  }
0x5d: {  	_ =	shalt  }
0x5e: {  	_ =	shalt  }
0x5f: {  	_ =	shalt  }
0x60: {  	_ =	shalt  }
0x61: {  	_ =	shalt  }
0x62: {  	_ =	shalt  }
0x63: {  	_ =	shalt  }
0x64: {  	_ =	shalt  }
0x65: {  	_ =	shalt  }
0x66: {  	_ =	shalt  }
0x67: {  	_ =	shalt  }
0x68: {  	_ =	shalt  }
0x69: {  	_ =	shalt  }
0x6a: {  	_ =	shalt  }
0x6b: {  	_ =	shalt  }
0x6c: {  	_ =	shalt  }
0x6d: {  	_ =	shalt  }
0x6e: {  	_ =	shalt  }
0x6f: {  	_ =	shalt  }
0x70: {  	_ =	shalt  }
0x71: {  	_ =	shalt  }
0x72: {  	_ =	shalt  }
0x73: {  	_ =	shalt  }
0x74: {  	_ =	shalt  }
0x75: {  	_ =	shalt  }
0x76: {  	_ =	shalt  }
0x77: {  	_ =	shalt  }
0x78: {  	_ =	shalt  }
0x79: {  	_ =	shalt  }
0x7a: {  	_ =	shalt  }
0x7b: {  	_ =	shalt  }
0x7c: {  	_ =	shalt  }
0x7d: {  	_ =	shalt  }
0x7e: {  	_ =	shalt  }
0x7f: {  	_ =	shalt  }
0x80: {  	_ =	shalt  }
0x81: {  	_ =	shalt  }
0x82: {  	_ =	shalt  }
0x83: {  	_ =	shalt  }
0x84: {  	_ =	shalt  }
0x85: {  	_ =	shalt  }
0x86: {  	_ =	shalt  }
0x87: {  	_ =	shalt  }
.Lfunc_end0:
.L_simem_size_0:
called_computation_lowered:
.L_overlay_start_0:
0x88: {  	s2 =	sld [smem:$0x3FD9]  }
0x89: {  	s3 =	sld [smem:$0x3FFE];
	_ =	sdelay $0x1  }
0x8a: {  	s1 =	srdreg.scid  }
0x8b: {  	s0 =	sand.u32 $0x1, s1  }
0x8c: {  	s17 =	sshll.u32 s0, $0xA;
	s2 =	sadd.s32 s3, s2  }
0x8d: {  	s2 =	sadd.s32 s2, s17  }
0x8e: {  	[smem:$0x3FB9] =	sst s2  }
0x8f: {  	_ = 	snop  }
0x90: {  	s2 =	sld [smem:$0x3FC9];
	(tm) =	ssettm $0x1  }
0x91: {  	s18 =	sld [smem:$0x3FFB];
	_ =	sdelay $0x3  }
0x92: {  	_ =	strace s18  }
0x93: {  	s3 =	sld [smem:$0x3FFC];
	_ =	sdelay $0x3  }
0x94: {  	_ =	strace s3  }
0x95: {  	s3 =	sld [smem:$0x3FFD];
	_ =	sdelay $0x3  }
0x96: {  	_ =	strace s3  }
0x97: {  	_ =	strace $0x8FFFFFFF  }
0x98: {  	s19 =	sld [smem:$0x3FDB];
	_ =	sdelay $0x1  }
0x99: {  	s4 =	simm.s32 $_scs_section_size  }
0x9a: {  	s5 =	simm.s32 $_size__tile_overlayer_lowered;
	s6 =	simm.s32 $_tile_overlayer_lowered  }
0x9b: {  	s22 =	simm.s32 $0x1BFF;
	s21 =	sshll.u32 s6, $0x1;
	s3 =	sadd.s32 s4, s19  }
0x9c: {  	s7 =	simm.s32 $0x0;
	s20 =	sshll.u32 s5, $0x1;
	s5 =	sadd.s32 s21, s3  }
0x9d: {  	[timem:s7], [sflag:s22] =	dma.local [hbm:s5], s20  }
0x9e: {  	_ =	swait.ge [sflag:s22], s20  }
0x9f: {  	s4 =	ssub.s32 $0x0, s20;
	[sflag:s22] =	ssyncset.done $0x0  }
0xa0: {  	[sflag:s22] =	ssyncadd.s32 s4;
	_ =	sdelay $0x1  }
0xa1: {  	s23 =	simm.s32 $0x1B8B  }
0xa2: {  	_ =	swait.ge [sflag:s23], $0x1  }
0xa3: {  	[sflag:s23] =	ssyncset.done $0x0  }
0xa4: {  	s25 =	simm.s32 $0x1B8E;
	s24 =	sld [smem:$0x3FFE];
	[sflag:s23] =	ssyncadd.s32 $0xFFFFFFFF  }
0xa5: {  	s26 =	simm.s32 $execute0_lowered;
	[smem:$0x3FD2] =	sst s25  }
0xa6: {  	s5 =	sshll.u32 s26, $0x1;
	_ =	strace $0x80000046;
	[dreg:$0x1] =	wrdreg $0xFFFFFFFF  }
0xa7: {  	s28 =	simm.s32 $_size_execute0_lowered;
	s3 =	sadd.s32 s3, s5;
	[dreg:$0x0] =	wrdreg $0x0  }
0xa8: {  	s5 =	sshll.u32 s28, $0x1;
	[dreg:$0x2] =	wrdreg s3  }
0xa9: {  	[dreg:$0x3] =	wrdreg s5  }
0xaa: {  	[dreg:$0x4] =	wrdreg $0xC0  }
0xab: {  	_ =	task [dreg:s7], $0x5FFFF  }
0xac: {  	[dreg:$0x1] =	wrdreg $0xFFFFFFFF  }
0xad: {  	[dreg:$0x0] =	wrdreg $0x60  }
0xae: {  	[dreg:$0x2] =	wrdreg s2  }
0xaf: {  	[dreg:$0x3] =	wrdreg s24  }
0xb0: {  	[dreg:$0x4] =	wrdreg $0xAE000  }
0xb1: {  	[dreg:$0x5] =	wrdreg $0x9  }
0xb2: {  	_ =	task.clear_ibuf [dreg:s7], $0x6FFFF;
	_ =	strace $0x90000046  }
0xb3: {  	s29 =	simm.s32 $0x9;
	_ =	strace $0x80000048  }
0xb4: {  	_ =	swait.ge [sflag:s29], $0x1  }
0xb5: {  	[sflag:s29] =	ssyncadd.s32 $0xFFFFFFFF  }
0xb6: {  	_ =	strace $0x90000048  }
0xb7: {  	_ =	sfence  }
0xb8: {  	s30 =	sld [smem:$0x0];
	_ =	sdelay $0x2  }
0xb9: {  	s31 =	sshll.u32 s1, $0xD;
	s1 =	sshrl.u32 s1, $0x2  }
0xba: {  	s3 =	sand.u32 $0x4000, s31;
	s1 =	sadd.s32 s1, s30  }
0xbb: {  	s0 =	sor.u32 s3, s0;
	s1 =	sshll.u32 s1, $0x11  }
0xbc: {  	s0 =	sor.u32 s1, s0  }
0xbd: {  	s0 =	sadd.s32 $0x8F2B, s0  }
0xbe: {  	[sflag:s0] =	ssyncadd.remote.s32 $0x1  }
0xbf: {  	_ =	sfence.sel $0xFFFF  }
0xc0: {  	[dreg:$0x0] =	wrdreg $0xFFFFFFFF;
	(pc) =	sbr.abs _section_cstart, $3  }
0xc1: {  	[dreg:$0x1] =	wrdreg $0xFFFFFFFF  }
0xc2: {  	_ =	task.clear_ibuf [dreg:s7], $0x2FFFF;
	_ =	strace $0x9FFFFFFF  }
0xc3: {  	(tm) =	ssettm $0x7FFFFFFF  }
tec
execute0_lowered:
.L_overlay_start_1:
0x0: {  	(tag) =	ssettag $0x1  }
0x1: {  	s1 =	rddreg [dreg:$0x0]  }
0x2: {  	s0 =	rddreg [dreg:$0x1]  }
0x3: {  	s2 =	rddreg [dreg:$0x2];
	s3 =	srdreg.scid;
	s4 =	simm.s32 $0x0  }
0x4: {  	s11 =	stileid.u32;
	s31 =	simm.s32 $0x70;
	s3 =	sand.u32 $0x1, s3  }
0x5: {  	[smem:$0x7FF] =	sst s4;
	s12 =	sadd.s32 $0x3400, s0;
	s8 =	smul.u32 $0x4E000, s11  }
0x6: {  	s13 =	sadd.s32 $0xD200, s0;
	s0 =	sadd.s32 $0x17000, s0;
	s10 =	smul.u32 $0x13800, s11  }
0x7: {  	s25 =	smul.u32 $0x2760, s11;
	p0 =	seq.s32 s11, $0xF;
	p1 =	sne.s32 s11, $0xF  }
0x8: {  	s30 =	sadd.s32 $0x138000, s2;
	_ =	strace $0x80000047;
	[dreg:$0x5] =	wrdreg s13  }
0x9: {  	s5 =	sshll.u32 s3, $0x4;
	s22 =	smul.u32 $0x138800, s3;
	[dreg:$0x4] =	wrdreg s12  }
0xa: {  	s6 =	ssub.s32 $0x2, s3;
	s3 =	smul.u32 $0x27600, s3;
	[dreg:$0x1e] =	wrdreg s30  }
0xb: {  	s5 =	sor.u32 s11, s5;
	s7 =	sshrl.u32 s6, $0x1;
	s24 =	sshrl.u32 s8, $0x2  }
0xc: {  	s11 =	simm.s32 $0x10;
	s5 =	smul.u32 $0x2760, s5;
	s6 =	ssub.s32 s6, s7  }
0xd: {  	s17 =	sadd.s32 s24, s2;
	s28 =	sadd.s32 s10, s22;
	s3 =	sadd.s32 s25, s3  }
0xe: {  	s29 =	sshrl.u32 s22, $0x3;
	s8 =	sadd.s32 $0x3F0, s3;
	s16 =	sadd.s32 $0x310, s3  }
0xf: {  	s24 =	sadd.s32 $0x11800, s17;
	s25 =	sadd.s32 $0x3800, s17;
	[dreg:$0xe] =	wrdreg s17  }
0x10: {  	s5 =	sshrl.u32 s5, $0x3;
	s8 =	sshrl.u32 s8, $0x3;
	[dreg:$0x1d] =	wrdreg s24  }
0x11: {  	[dreg:$0x1f] =	wrdreg s25;
	s25 =	simm.s32 $0xF;
	s19 =	sadd.s32 s12, s5  }
0x12: {  	s24 =	simm.s32 $0xC;
	s9 =	sadd.s32 s13, s5;
	[dreg:$0x6] =	wrdreg s19  }
0x13: {  	s20 =	sadd.s32 $0xE, s5;
	s10 =	sadd.s32 s8, s13;
	[dreg:$0x7] =	wrdreg s9  }
0x14: {  	s23 =	sadd.s32 $0x1C, s5;
	s21 =	sadd.s32 s12, s20;
	[dreg:$0x12] =	wrdreg s10  }
0x15: {  	s5 =	sadd.s32 $0x2A, s5;
	s7 =	sadd.s32 s13, s20;
	[dreg:$0x8] =	wrdreg s21  }
0x16: {  	s14 =	sadd.s32 s12, s23;
	s26 =	sadd.s32 s12, s5;
	[dreg:$0x9] =	wrdreg s7  }
0x17: {  	s5 =	sadd.s32 s13, s5;
	s9 =	smax.u32 s6, $0x1;
	[dreg:$0xa] =	wrdreg s14  }
0x18: {  	s19 =	sshrl.u32 s16, $0x3;
	s20 =	sadd.s32 $0x230, s3;
	[dreg:$0xc] =	wrdreg s26  }
0x19: {  	s6 =	simm.s32 $0x480;
	s7 =	sadd.s32 s13, s23;
	[dreg:$0xd] =	wrdreg s5  }
0x1a: {  	s5 =	sshrl.u32 s28, $0x3;
	[dreg:$0x11] =	wrdreg s9;
	s14 =	sadd.s32 $0x380, s3  }
0x1b: {  	s21 =	sadd.s32 $0x2A0, s3;
	s3 =	sadd.s32 $0x1C0, s3;
	[dreg:$0xb] =	wrdreg s7  }
0x1c: {  	s26 =	sadd.s32 $0x7000, s17;
	s28 =	sadd.s32 $0xA800, s17;
	[dreg:$0x18] =	wrdreg s21  }
0x1d: {  	s9 =	simm.s32 $0x3E00;
	s7 =	sadd.s32 s0, s29;
	[smem:$0x7FB] =	sst s26  }
0x1e: {  	s0 =	sadd.s32 s0, s5;
	s15 =	sshrl.u32 s14, $0x3;
	[smem:$0x7FC] =	sst s28  }
0x1f: {  	s5 =	sadd.s32 s19, s13;
	s23 =	sshrl.u32 s3, $0x3;
	[dreg:$0xf] =	wrdreg s0  }
0x20: {  	s29 =	sadd.s32 $0xE000, s17;
	s14 =	simm.s32 $0xA;
	[dreg:$0x16] =	wrdreg s5  }
0x21: {  	s21 =	simm.s32 $0xB;
	s7 =	sadd.s32 $0x27000, s7;
	[smem:$0x7FD] =	sst s29  }
0x22: {  	s26 =	simm.s32 $0x12;
	s0 =	sadd.s32 s8, s12;
	[dreg:$0x10] =	wrdreg s7  }
0x23: {  	s18 =	sadd.s32 s15, s13;
	s3 =	sadd.s32 s23, s13;
	[dreg:$0x13] =	wrdreg s0  }
0x24: {  	s5 =	simm.s32 $0x180;
	s8 =	simm.s32 $0x580;
	[dreg:$0x14] =	wrdreg s18  }
0x25: {  	s0 =	sadd.s32 s15, s12;
	[dreg:$0x1b] =	wrdreg s3;
	s3 =	simm.s32 $0x600  }
0x26: {  	s18 =	simm.s32 $0x7600;
	[dreg:$0x15] =	wrdreg s0;
	s0 =	sadd.s32 s19, s12  }
0x27: {  	s15 =	simm.s32 $0x1;
	[dreg:$0x17] =	wrdreg s0;
	s0 =	sshrl.u32 s20, $0x3  }
.Ltmp0:
0x28: {  	s7 =	simm.s32 $0x0;
	s22 =	sadd.s32 s0, s13;
	(pc) =	sbr.rel .LBB2_1-.Ltmp0, $4  }
0x29: {  	s19 =	simm.s32 $0x3;
	s0 =	sadd.s32 s0, s12;
	[dreg:$0x19] =	wrdreg s22  }
0x2a: {  	s20 =	simm.s32 $0x5;
	s13 =	simm.s32 $0x4;
	[dreg:$0x1a] =	wrdreg s0  }
0x2b: {  	s0 =	sadd.s32 s23, s12;
	s12 =	simm.s32 $0x2;
	s22 =	simm.s32 $0x11  }
0x2c: {  	v0 =	vimm.f32 $0.0e+00;
	s23 =	simm.s32 $0x6;
	[dreg:$0x1c] =	wrdreg s0;
	s0 =	simm.s32 $0x9  }
.LBB2_6:
0x2d: {  	_ =	swait.ge [sflag:s23], $0x3800  }
0x2e: {  	[sflag:s23] =	ssyncset.done $0x0  }
0x2f: {  	[sflag:s23] =	ssyncadd.s32 $0xFFFFC800  }
0x30: {  	s10 =	stileid.u32;
	[bflag:$0x0] =	sbarrier.arrive $0xFFFF  }
0x31: {  	s6 =	simm.s32 $0x13;
	s10 =	sshll.u32 s10, $0x6;
	s17 =	rddreg [dreg:$0xe]  }
0x32: {  	s10 =	sor.u32 $0x1C13, s10;
	s28 =	rddreg [dreg:$0xf];
	s16 =	sshrl.u32 s17, $0x3  }
0x33: {  	[hbm:s28], [sflag:s10] =	dma.local [spmem:s16], $0x2700  }
0x34: {  	_ =	swait.ge [sflag:s6], $0x2700  }
0x35: {  	[sflag:s6] =	ssyncset.done $0x0;
	s30 =	rddreg [dreg:$0x1e]  }
0x36: {  	s28 =	rddreg [dreg:$0x10];
	[sflag:s6] =	ssyncadd.s32 $0xFFFFD900;
	s16 =	sshrl.u32 @!p1 s30, $0x3  }
0x37: {  	[hbm:s28], [sflag:s10] =	dma.local @!p1 [spmem:s16], $0x100  }
0x38: {  	s10 =	simm.s32 @!p1 $0x13  }
0x39: {  	_ =	swait.ge @!p1 [sflag:s10], $0x100  }
0x3a: {  	s7 =	sld [smem:$0x7FA];
	_ =	sdelay $0x2  }
0x3b: {  	s29 =	rddreg [dreg:$0x11];
	s7 =	sadd.s32 $0x1, s7  }
0x3c: {  	p2 =	sne.s32 s7, s29  }
.Ltmp1:
0x3d: {  	_ = 	snop;
	(pc) =	sbr.rel @!p2 .LBB2_7-.Ltmp1, $3  }
0x3e: {  	_ =	sdelay $0x1  }
0x3f: {  	[sflag:s10] =	ssyncset.done @!p1 $0x0  }
0x40: {  	s5 =	simm.s32 $0x180;
	s6 =	simm.s32 $0x480;
	[sflag:s10] =	ssyncadd.s32 @!p1 $0xFFFFFF00  }
.LBB2_1:
0x41: {  	s10 =	rddreg [dreg:$0x6]  }
0x42: {  	[tilespmem:s4], [sflag:$0x7] =	stream.linear.gather [hbm4b:s10+s4], $0x70, $0x38;
	[tilespmem:$0x1F680] =	vst v63  }
0x43: {  	s16 =	simm.s32 $0x300;
	s10 =	rddreg [dreg:$0x7]  }
0x44: {  	[tilespmem:s16], [sflag:$0xD] =	stream.linear.gather [hbm4b:s10+s4], $0x70, $0x38;
	[tilespmem:$0x1F680] =	vst v63  }
0x45: {  	s10 =	rddreg [dreg:$0x8];
	s16 =	simm.s32 $0x80  }
0x46: {  	[tilespmem:s16], [sflag:$0x8] =	stream.linear.gather [hbm4b:s10+s4], $0x70, $0x38;
	[tilespmem:$0x1F680] =	vst v63  }
0x47: {  	s28 =	simm.s32 $0x380;
	s10 =	rddreg [dreg:$0x9]  }
0x48: {  	[tilespmem:s28], [sflag:$0xE] =	stream.linear.gather [hbm4b:s10+s4], $0x70, $0x38;
	[tilespmem:$0x1F680] =	vst v63  }
0x49: {  	s10 =	rddreg [dreg:$0xa];
	s28 =	simm.s32 $0x100  }
0x4a: {  	[tilespmem:s28], [sflag:$0x9] =	stream.linear.gather [hbm4b:s10+s4], $0x70, $0x38;
	[tilespmem:$0x1F680] =	vst v63  }
0x4b: {  	s10 =	rddreg [dreg:$0xb];
	s28 =	simm.s32 $0x400  }
0x4c: {  	[tilespmem:s28], [sflag:$0xF] =	stream.linear.gather [hbm4b:s10+s4], $0x70, $0x38;
	[tilespmem:$0x1F680] =	vst v63  }
0x4d: {  	s10 =	rddreg [dreg:$0xc]  }
0x4e: {  	[tilespmem:s5], [sflag:$0xA] =	stream.linear.gather [hbm4b:s10+s4], $0x70, $0x38;
	[tilespmem:$0x1F680] =	vst v63  }
0x4f: {  	s5 =	rddreg [dreg:$0xd]  }
0x50: {  	[tilespmem:s6], [sflag:$0x10] =	stream.linear.gather [hbm4b:s5+s4], $0x70, $0x38;
	[tilespmem:$0x1F680] =	vst v63  }
0x51: {  	s6 =	simm.s32 $0x7  }
0x52: {  	_ =	swait.ge [sflag:s6], $0x70  }
0x53: {  	[sflag:s6] =	ssyncset.done $0x0  }
0x54: {  	s10 =	simm.s32 $0xD;
	[sflag:s6] =	ssyncadd.s32 $0xFFFFFF90  }
0x55: {  	_ =	swait.ge [sflag:s10], $0x70  }
0x56: {  	[sflag:s10] =	ssyncset.done $0x0  }
0x57: {  	s6 =	simm.s32 $0x8;
	[sflag:s10] =	ssyncadd.s32 $0xFFFFFF90  }
0x58: {  	[tilespmem:s3], [sflag:$0x1] =	stream.indirect.gather [hbm4b:s1+s31], $0x80, s4, s31, $0xb8;
	[tilespmem:$0x1F680] =	vst v63  }
0x59: {  	_ =	swait.ge [sflag:s6], $0x70  }
0x5a: {  	[sflag:s6] =	ssyncset.done $0x0  }
0x5b: {  	s10 =	simm.s32 $0xE;
	[sflag:s6] =	ssyncadd.s32 $0xFFFFFF90  }
0x5c: {  	_ =	swait.ge [sflag:s10], $0x70  }
0x5d: {  	[sflag:s10] =	ssyncset.done $0x0  }
0x5e: {  	s29 =	simm.s32 $0x3C0;
	s28 =	simm.s32 $0x70;
	[sflag:s10] =	ssyncadd.s32 $0xFFFFFF90  }
0x5f: {  	[tilespmem:s9], [sflag:$0x2] =	stream.indirect.gather [hbm4b:s1+s31], $0x80, s16, s31, $0xb8;
	[tilespmem:$0x1F680] =	vst v63  }
.LBB2_2:
0x60: {  	p2 =	seq.s32 s29, $0xDFC0;
	[tilespmem:s28+$0x7600] =	vst v0  }
0x61: {  	[tilespmem:s28+$0x7590] =	vst v0  }
0x62: {  	[tilespmem:s28+$0x75A0] =	vst v0  }
.Ltmp2:
0x63: {  	[tilespmem:s28+$0x75B0] =	vst v0;
	(pc) =	sbr.rel @!p2 .LBB2_2-.Ltmp2, $4  }
0x64: {  	[tilespmem:s28+$0x75C0] =	vst v0  }
0x65: {  	[tilespmem:s28+$0x75D0] =	vst v0  }
0x66: {  	[tilespmem:s28+$0x75E0] =	vst v0  }
0x67: {  	[tilespmem:s28+$0x75F0] =	vst v0;
	s28 =	sshra.s32 s29, $0x2;
	s29 =	sadd.s32 $0x200, s29  }
0x68: {  	[tilespmem:s28+$0x7600] =	vst v0  }
0x69: {  	[tilespmem:s28+$0x7590] =	vst v0  }
0x6a: {  	[tilespmem:s28+$0x75A0] =	vst v0  }
0x6b: {  	[tilespmem:s28+$0x75B0] =	vst v0  }
0x6c: {  	[tilespmem:s28+$0x75C0] =	vst v0  }
0x6d: {  	[tilespmem:s28+$0x75D0] =	vst v0  }
0x6e: {  	[tilespmem:s28+$0x75E0] =	vst v0  }
0x6f: {  	[tilespmem:s28+$0x75F0] =	vst v0;
	[smem:$0x7FA] =	sst s7;
	s6 =	simm.s32 $0x13  }
0x70: {  	[spmem:s17] =	stream.linear.scatter [tilespmem:s18], [sflag:$0x13], $0x3800, $0x38;
	[tilespmem:$0x1F680] =	vst v63  }
0x71: {  	_ =	swait.ge [sflag:s6], $0x3800  }
0x72: {  	[sflag:s6] =	ssyncset.done $0x0  }
0x73: {  	s10 =	rddreg [dreg:$0x1f];
	[sflag:s6] =	ssyncadd.s32 $0xFFFFC800  }
0x74: {  	[spmem:s10] =	stream.linear.scatter [tilespmem:s18], [sflag:$0x13], $0x3800, $0x38;
	[tilespmem:$0x1F680] =	vst v63  }
0x75: {  	_ =	swait.ge [sflag:s6], $0x3800  }
0x76: {  	s17 =	sld [smem:$0x7FB]  }
0x77: {  	[sflag:s6] =	ssyncset.done $0x0  }
0x78: {  	[sflag:s6] =	ssyncadd.s32 $0xFFFFC800  }
0x79: {  	[spmem:s17] =	stream.linear.scatter [tilespmem:s18], [sflag:$0x13], $0x3800, $0x38;
	[tilespmem:$0x1F680] =	vst v63  }
0x7a: {  	_ =	swait.ge [sflag:s6], $0x3800  }
0x7b: {  	s7 =	sld [smem:$0x7FC]  }
0x7c: {  	[sflag:s6] =	ssyncset.done $0x0  }
0x7d: {  	[sflag:s6] =	ssyncadd.s32 $0xFFFFC800  }
0x7e: {  	[spmem:s7] =	stream.linear.scatter [tilespmem:s18], [sflag:$0x13], $0x3800, $0x38;
	[tilespmem:$0x1F680] =	vst v63  }
0x7f: {  	_ =	swait.ge [sflag:s6], $0x3800  }
0x80: {  	s16 =	sld [smem:$0x7FD]  }
0x81: {  	[sflag:s6] =	ssyncset.done $0x0  }
0x82: {  	[sflag:s6] =	ssyncadd.s32 $0xFFFFC800  }
0x83: {  	[spmem:s16] =	stream.linear.scatter [tilespmem:s18], [sflag:$0x13], $0x3800, $0x38;
	[tilespmem:$0x1F680] =	vst v63  }
0x84: {  	_ =	swait.ge [sflag:s6], $0x3800  }
0x85: {  	[sflag:s6] =	ssyncset.done $0x0  }
0x86: {  	s17 =	rddreg [dreg:$0x1d];
	[sflag:s6] =	ssyncadd.s32 $0xFFFFC800  }
0x87: {  	[spmem:s17] =	stream.linear.scatter [tilespmem:s18], [sflag:$0x13], $0x2000, $0x38;
	[tilespmem:$0x1F680] =	vst v63  }
0x88: {  	_ =	swait.ge [sflag:s6], $0x2000  }
0x89: {  	[sflag:s6] =	ssyncset.done $0x0  }
0x8a: {  	s28 =	simm.s32 @p0 $0x7600;
	[sflag:s6] =	ssyncadd.s32 $0xFFFFE000  }
0x8b: {  	[spmem:s30] =	stream.linear.scatter @p0 [tilespmem:s28], [sflag:$0x13], $0x800, $0x38;
	[tilespmem:$0x1F680] =	vst v63  }
0x8c: {  	s28 =	simm.s32 @p0 $0x13  }
0x8d: {  	_ =	swait.ge @p0 [sflag:s28], $0x800  }
0x8e: {  	[sflag:s28] =	ssyncset.done @p0 $0x0  }
0x8f: {  	[sflag:s28] =	ssyncadd.s32 @p0 $0xFFFFF800  }
0x90: {  	s5 =	simm.s32 $0x180;
	[bflag:$0x0] =	sbarrier.arrive $0xFFFF  }
0x91: {  	s6 =	simm.s32 $0x480;
	s28 =	simm.s32 $0x0;
	s29 =	rddreg [dreg:$0x18]  }
.LBB2_4:
0x92: {  	_ =	swait.ge [sflag:s15], $0x3800  }
0x93: {  	p2 =	seq.s32 s28, $0x0;
	[sflag:s15] =	ssyncset.done $0x0  }
0x94: {  	s10 =	simm.s32 $0x300;
	s30 =	simm.s32 @!p2 $0x6;
	[sflag:s15] =	ssyncadd.s32 $0xFFFFC800  }
0x95: {  	[spmem:s2] =	stream.indirect.scatter.add.f32 [tilespmem:s3], [sflag:$0x4], $0x80, s10, s31, $0xb8;
	[tilespmem:$0x1F680] =	vst v63  }
0x96: {  	_ =	swait.ge @!p2 [sflag:s30], $0x3800  }
0x97: {  	[sflag:s30] =	ssyncset.done @!p2 $0x0  }
0x98: {  	[sflag:s30] =	ssyncadd.s32 @!p2 $0xFFFFC800  }
0x99: {  	_ =	swait.ge [sflag:s0], $0x70  }
0x9a: {  	[sflag:s0] =	ssyncset.done $0x0  }
0x9b: {  	[sflag:s0] =	ssyncadd.s32 $0xFFFFFF90  }
0x9c: {  	_ =	swait.ge [sflag:s25], $0x70  }
0x9d: {  	[sflag:s25] =	ssyncset.done $0x0  }
0x9e: {  	s7 =	simm.s32 $0x100;
	s16 =	rddreg [dreg:$0x1c];
	[sflag:s25] =	ssyncadd.s32 $0xFFFFFF90  }
0x9f: {  	[tilespmem:s18], [sflag:$0x3] =	stream.indirect.gather [hbm4b:s1+s31], $0x80, s7, s31, $0xb8;
	[tilespmem:$0x1F680] =	vst v63  }
0xa0: {  	s17 =	sadd.s32 s28, s16;
	s16 =	simm.s32 $0x200;
	s7 =	rddreg [dreg:$0x1b]  }
0xa1: {  	[tilespmem:s16], [sflag:$0xB] =	stream.linear.gather [hbm4b:s17+s4], $0x70, $0x38;
	[tilespmem:$0x1F680] =	vst v63  }
0xa2: {  	s10 =	sadd.s32 s28, s7;
	s17 =	simm.s32 $0x500  }
0xa3: {  	[tilespmem:s17], [sflag:$0x11] =	stream.linear.gather [hbm4b:s10+s4], $0x70, $0x38;
	[tilespmem:$0x1F680] =	vst v63  }
0xa4: {  	_ =	swait.ge [sflag:s12], $0x3800  }
0xa5: {  	[sflag:s12] =	ssyncset.done $0x0  }
0xa6: {  	s30 =	simm.s32 $0x380;
	[sflag:s12] =	ssyncadd.s32 $0xFFFFC800  }
0xa7: {  	[spmem:s2] =	stream.indirect.scatter.add.f32 [tilespmem:s9], [sflag:$0x5], $0x80, s30, s31, $0xb8;
	[tilespmem:$0x1F680] =	vst v63  }
0xa8: {  	_ =	swait.ge [sflag:s13], $0x3800  }
0xa9: {  	[sflag:s13] =	ssyncset.done $0x0  }
0xaa: {  	[sflag:s13] =	ssyncadd.s32 $0xFFFFC800  }
0xab: {  	_ =	swait.ge [sflag:s14], $0x70  }
0xac: {  	[sflag:s14] =	ssyncset.done $0x0  }
0xad: {  	[sflag:s14] =	ssyncadd.s32 $0xFFFFFF90  }
0xae: {  	_ =	swait.ge [sflag:s11], $0x70  }
0xaf: {  	[sflag:s11] =	ssyncset.done $0x0  }
0xb0: {  	s7 =	rddreg [dreg:$0x1a];
	[sflag:s11] =	ssyncadd.s32 $0xFFFFFF90  }
0xb1: {  	[tilespmem:s3], [sflag:$0x1] =	stream.indirect.gather [hbm4b:s1+s31], $0x80, s5, s31, $0xb8;
	[tilespmem:$0x1F680] =	vst v63  }
0xb2: {  	s17 =	sadd.s32 s28, s7;
	s7 =	simm.s32 $0x280;
	s5 =	rddreg [dreg:$0x19]  }
0xb3: {  	[tilespmem:s7], [sflag:$0xC] =	stream.linear.gather [hbm4b:s17+s4], $0x70, $0x38;
	[tilespmem:$0x1F680] =	vst v63  }
0xb4: {  	s17 =	sadd.s32 s28, s5  }
0xb5: {  	[tilespmem:s8], [sflag:$0x12] =	stream.linear.gather [hbm4b:s17+s4], $0x70, $0x38;
	[tilespmem:$0x1F680] =	vst v63  }
0xb6: {  	_ =	swait.ge [sflag:s19], $0x3800  }
0xb7: {  	[sflag:s19] =	ssyncset.done $0x0  }
0xb8: {  	s30 =	simm.s32 $0x400;
	[sflag:s19] =	ssyncadd.s32 $0xFFFFC800  }
0xb9: {  	[spmem:s2] =	stream.indirect.scatter.add.f32 [tilespmem:s18], [sflag:$0x6], $0x80, s30, s31, $0xb8;
	[tilespmem:$0x1F680] =	vst v63  }
0xba: {  	_ =	swait.ge [sflag:s20], $0x3800  }
0xbb: {  	[sflag:s20] =	ssyncset.done $0x0  }
0xbc: {  	[sflag:s20] =	ssyncadd.s32 $0xFFFFC800  }
0xbd: {  	_ =	swait.ge [sflag:s21], $0x70  }
0xbe: {  	[sflag:s21] =	ssyncset.done $0x0  }
0xbf: {  	[sflag:s21] =	ssyncadd.s32 $0xFFFFFF90  }
0xc0: {  	_ =	swait.ge [sflag:s22], $0x70  }
0xc1: {  	[sflag:s22] =	ssyncset.done $0x0  }
0xc2: {  	p2 =	seq.s32 s28, $0x498;
	[sflag:s22] =	ssyncadd.s32 $0xFFFFFF90  }
0xc3: {  	[tilespmem:s9], [sflag:$0x2] =	stream.indirect.gather [hbm4b:s1+s31], $0x80, s16, s31, $0xb8;
	[tilespmem:$0x1F680] =	vst v63  }
0xc4: {  	s10 =	rddreg [dreg:$0x4];
	s16 =	sshrl.u32 @!p2 s29, $0x3  }
0xc5: {  	s30 =	simm.s32 @!p2 $0x0;
	s17 =	sadd.s32 @!p2 s10, s16;
	s10 =	rddreg [dreg:$0x5]  }
0xc6: {  	[tilespmem:s30], [sflag:$0x7] =	stream.linear.gather @!p2 [hbm4b:s17+s30], $0x70, $0x38;
	[tilespmem:$0x1F680] =	vst v63  }
0xc7: {  	s16 =	sadd.s32 @!p2 s10, s16;
	s17 =	simm.s32 @!p2 $0x300  }
0xc8: {  	[tilespmem:s17], [sflag:$0xD] =	stream.linear.gather @!p2 [hbm4b:s16+s30], $0x70, $0x38;
	[tilespmem:$0x1F680] =	vst v63  }
0xc9: {  	_ =	swait.ge [sflag:s15], $0x3800  }
0xca: {  	[sflag:s15] =	ssyncset.done $0x0  }
0xcb: {  	[sflag:s15] =	ssyncadd.s32 $0xFFFFC800  }
0xcc: {  	[spmem:s2] =	stream.indirect.scatter.add.f32 [tilespmem:s3], [sflag:$0x4], $0x80, s6, s31, $0xb8;
	[tilespmem:$0x1F680] =	vst v63  }
0xcd: {  	_ =	swait.ge [sflag:s23], $0x3800  }
0xce: {  	[sflag:s23] =	ssyncset.done $0x0  }
0xcf: {  	[sflag:s23] =	ssyncadd.s32 $0xFFFFC800  }
0xd0: {  	_ =	swait.ge [sflag:s24], $0x70  }
0xd1: {  	[sflag:s24] =	ssyncset.done $0x0  }
0xd2: {  	[sflag:s24] =	ssyncadd.s32 $0xFFFFFF90  }
0xd3: {  	_ =	swait.ge [sflag:s26], $0x70  }
0xd4: {  	[sflag:s26] =	ssyncset.done $0x0  }
0xd5: {  	s16 =	simm.s32 @p2 $0x2;
	[sflag:s26] =	ssyncadd.s32 $0xFFFFFF90  }
0xd6: {  	[tilespmem:s18], [sflag:$0x3] =	stream.indirect.gather [hbm4b:s1+s31], $0x80, s7, s31, $0xb8;
	[tilespmem:$0x1F680] =	vst v63  }
0xd7: {  	_ =	swait.ge @p2 [sflag:s16], $0x3800  }
0xd8: {  	s10 =	simm.s32 @p2 $0x3E00;
	[sflag:s16] =	ssyncset.done @p2 $0x0  }
0xd9: {  	s17 =	simm.s32 @p2 $0x500;
	[sflag:s16] =	ssyncadd.s32 @p2 $0xFFFFC800;
	s16 =	simm.s32 @p2 $0x70  }
0xda: {  	[spmem:s2] =	stream.indirect.scatter.add.f32 @p2 [tilespmem:s10], [sflag:$0x5], $0x80, s17, s16, $0xb8;
	[tilespmem:$0x1F680] =	vst v63  }
0xdb: {  	s10 =	simm.s32 @p2 $0x4  }
0xdc: {  	_ =	swait.ge @p2 [sflag:s10], $0x3800  }
0xdd: {  	[sflag:s10] =	ssyncset.done @p2 $0x0  }
0xde: {  	[sflag:s10] =	ssyncadd.s32 @p2 $0xFFFFC800;
	s10 =	rddreg [dreg:$0x17]  }
0xdf: {  	s16 =	simm.s32 @!p2 $0x80;
	s10 =	sadd.s32 @!p2 s28, s10  }
0xe0: {  	[tilespmem:s16], [sflag:$0x8] =	stream.linear.gather @!p2 [hbm4b:s10+s30], $0x70, $0x38;
	[tilespmem:$0x1F680] =	vst v63  }
0xe1: {  	s10 =	rddreg [dreg:$0x16]  }
0xe2: {  	s16 =	simm.s32 @!p2 $0x380;
	s10 =	sadd.s32 @!p2 s28, s10  }
0xe3: {  	[tilespmem:s16], [sflag:$0xE] =	stream.linear.gather @!p2 [hbm4b:s10+s30], $0x70, $0x38;
	[tilespmem:$0x1F680] =	vst v63  }
0xe4: {  	s10 =	simm.s32 @!p2 $0x2  }
0xe5: {  	_ =	swait.ge @!p2 [sflag:s10], $0x3800  }
0xe6: {  	s17 =	simm.s32 @!p2 $0x3E00;
	[sflag:s10] =	ssyncset.done @!p2 $0x0  }
0xe7: {  	s16 =	simm.s32 @!p2 $0x500;
	[sflag:s10] =	ssyncadd.s32 @!p2 $0xFFFFC800;
	s10 =	simm.s32 @!p2 $0x70  }
0xe8: {  	[spmem:s2] =	stream.indirect.scatter.add.f32 @!p2 [tilespmem:s17], [sflag:$0x5], $0x80, s16, s10, $0xb8;
	[tilespmem:$0x1F680] =	vst v63  }
0xe9: {  	s16 =	simm.s32 @!p2 $0x4  }
0xea: {  	_ =	swait.ge @!p2 [sflag:s16], $0x3800  }
0xeb: {  	[sflag:s16] =	ssyncset.done @!p2 $0x0  }
0xec: {  	[sflag:s16] =	ssyncadd.s32 @!p2 $0xFFFFC800;
	s16 =	simm.s32 @!p2 $0x7  }
0xed: {  	_ =	swait.ge @!p2 [sflag:s16], $0x70  }
0xee: {  	[sflag:s16] =	ssyncset.done @!p2 $0x0  }
0xef: {  	[sflag:s16] =	ssyncadd.s32 @!p2 $0xFFFFFF90;
	s16 =	simm.s32 @!p2 $0xD  }
0xf0: {  	_ =	swait.ge @!p2 [sflag:s16], $0x70  }
0xf1: {  	[sflag:s16] =	ssyncset.done @!p2 $0x0  }
0xf2: {  	[sflag:s16] =	ssyncadd.s32 @!p2 $0xFFFFFF90;
	s16 =	simm.s32 @!p2 $0x600  }
0xf3: {  	[tilespmem:s16], [sflag:$0x1] =	stream.indirect.gather @!p2 [hbm4b:s1+s10], $0x80, s30, s10, $0xb8;
	[tilespmem:$0x1F680] =	vst v63  }
0xf4: {  	s10 =	rddreg [dreg:$0x15]  }
0xf5: {  	s16 =	simm.s32 @!p2 $0x100;
	s10 =	sadd.s32 @!p2 s28, s10  }
0xf6: {  	[tilespmem:s16], [sflag:$0x9] =	stream.linear.gather @!p2 [hbm4b:s10+s30], $0x70, $0x38;
	[tilespmem:$0x1F680] =	vst v63  }
0xf7: {  	s10 =	rddreg [dreg:$0x14]  }
0xf8: {  	s16 =	simm.s32 @!p2 $0x400;
	s10 =	sadd.s32 @!p2 s28, s10  }
0xf9: {  	[tilespmem:s16], [sflag:$0xF] =	stream.linear.gather @!p2 [hbm4b:s10+s30], $0x70, $0x38;
	[tilespmem:$0x1F680] =	vst v63  }
0xfa: {  	_ =	swait.ge [sflag:s19], $0x3800  }
0xfb: {  	[sflag:s19] =	ssyncset.done $0x0  }
.Ltmp3:
0xfc: {  	[sflag:s19] =	ssyncadd.s32 $0xFFFFC800;
	(pc) =	sbr.rel @p2 .LBB2_6-.Ltmp3, $4  }
0xfd: {  	[spmem:s2] =	stream.indirect.scatter.add.f32 [tilespmem:s18], [sflag:$0x6], $0x80, s8, s31, $0xb8;
	[tilespmem:$0x1F680] =	vst v63  }
0xfe: {  	_ =	swait.ge [sflag:s20], $0x3800  }
0xff: {  	[sflag:s20] =	ssyncset.done $0x0  }
0x100: {  	s5 =	simm.s32 $0x180;
	[sflag:s20] =	ssyncadd.s32 $0xFFFFC800  }
0x101: {  	s7 =	simm.s32 $0x8  }
0x102: {  	_ =	swait.ge [sflag:s7], $0x70  }
0x103: {  	[sflag:s7] =	ssyncset.done $0x0  }
0x104: {  	s16 =	simm.s32 $0xE;
	[sflag:s7] =	ssyncadd.s32 $0xFFFFFF90  }
0x105: {  	_ =	swait.ge [sflag:s16], $0x70  }
0x106: {  	[sflag:s16] =	ssyncset.done $0x0  }
0x107: {  	s10 =	simm.s32 $0x80;
	[sflag:s16] =	ssyncadd.s32 $0xFFFFFF90  }
0x108: {  	[tilespmem:s9], [sflag:$0x2] =	stream.indirect.gather [hbm4b:s1+s31], $0x80, s10, s31, $0xb8;
	[tilespmem:$0x1F680] =	vst v63  }
.Ltmp4:
0x109: {  	s17 =	rddreg [dreg:$0x13];
	(pc) =	sbr.rel .LBB2_4-.Ltmp4, $4  }
0x10a: {  	s29 =	sadd.s32 $0x2A0, s29;
	s30 =	rddreg [dreg:$0x12];
	s10 =	sadd.s32 s28, s17  }
0x10b: {  	[tilespmem:s5], [sflag:$0xA] =	stream.linear.gather [hbm4b:s10+s4], $0x70, $0x38;
	[tilespmem:$0x1F680] =	vst v63  }
0x10c: {  	s10 =	sadd.s32 s28, s30;
	s28 =	sadd.s32 $0x54, s28;
	s5 =	simm.s32 $0x180  }
0x10d: {  	[tilespmem:s6], [sflag:$0x10] =	stream.linear.gather [hbm4b:s10+s4], $0x70, $0x38;
	[tilespmem:$0x1F680] =	vst v63  }
.LBB2_7:
0x10e: {  	_ =	sfence.sel $0x180000  }
0x10f: {  	[bflag:$0x0] =	sbarrier.arrive $0xFFFF  }
0x110: {  	_ =	strace $0x90000047  }
0x111: {  	s0 =	stileid.u32;
	[bflag:$0x2] =	sbarrier.arrive $0xFFFF  }
0x112: {  	p0 =	sne.s32 s0, $0x0;
	s0 =	rddreg [dreg:$0x3]  }
0x113: {  	s0 =	sadd.s32 @!p0 $0x100000, s0  }
0x114: {  	[sflag:s0] =	ssyncadd.tile.s32 @!p0 $0x1;
	_ =	shalt  }
.Lfunc_end2:
_tile_overlayer_lowered:
.L_overlay_start_2:
0x115: {  	(tag) =	ssettag $0x2  }
0x116: {  	s0 =	rddreg [dreg:$0x0];
	s2 =	stileid.u32  }
0x117: {  	s1 =	rddreg [dreg:$0x1];
	p0 =	sne.s32 s2, $0x0  }
0x118: {  	s3 =	rddreg [dreg:$0x2];
	[bflag:$0x3] =	sbarrier.arrive $0xFFFF;
	s2 =	simm.s32 @!p0 $0x1C13  }
0x119: {  	[timem:s3], [sflag:s2] =	dma.local @!p0 [hbm:s0], s1  }
0x11a: {  	s0 =	simm.s32 @!p0 $0x13  }
0x11b: {  	_ =	swait.ge @!p0 [sflag:s0], s1  }
0x11c: {  	s1 =	ssub.s32 @!p0 $0x0, s1;
	[sflag:s0] =	ssyncset.done @!p0 $0x0  }
0x11d: {  	[sflag:s0] =	ssyncadd.s32 @!p0 s1  }
0x11e: {  	[bflag:$0x3] =	sbarrier.arrive $0xFFFF  }
0x11f: {  	_ =	shalt  }

// kernel: kernel.9.cloned.1.call-start
scs
__scs_entry_jumppad:
0x0: {  	(pc) =	sbr.rel $0x88, $3  }
0x1: {  	(tag) =	ssettag $0x0;
	lr =	simm.s32 $0x1  }
0x2: {  	[smem:$0x3F92] =	sst lr;
	_ =	strace $0xD0000000  }
0x3: {  	_ = 	snop  }
0x4: {  	_ = 	snop  }
0x5: {  	_ = 	snop  }
0x6: {  	_ = 	snop  }
0x7: {  	_ = 	snop  }
__scs_overlays_trampoline_lowered:
0x8: {  	[smem:$0x3FA1] =	sst s0  }
0x9: {  	[smem:$0x3FA2] =	sst s1  }
0xa: {  	[smem:$0x3FA3] =	sst s2  }
0xb: {  	[smem:$0x3FA4] =	sst s3  }
0xc: {  	[smem:$0x3FA5] =	sst s4  }
0xd: {  	[smem:$0x3FA6] =	sst s5  }
0xe: {  	[smem:$0x3FA7] =	sst s6  }
0xf: {  	[smem:$0x3FA8] =	sst s7  }
0x10: {  	[smem:$0x3FA9] =	sst s8  }
0x11: {  	[smem:$0x3FAA] =	sst s9;
	s0 =	simm.s32 @!p0 $0x0  }
0x12: {  	s1 =	sld [smem:$0x3F90];
	s0 =	simm.s32 @p0 $0x1  }
0x13: {  	[smem:$0x3FAB] =	sst s0;
	s0 =	simm.s32 @!p1 $0x0  }
0x14: {  	s2 =	sld [smem:$0x3F8F];
	s0 =	simm.s32 @p1 $0x1  }
0x15: {  	[smem:$0x3FAC] =	sst s0;
	s0 =	simm.s32 @!p2 $0x0  }
0x16: {  	s3 =	sld [smem:$0x3FDB];
	s0 =	simm.s32 @p2 $0x1  }
0x17: {  	s4 =	simm.s32 $0x1BF5;
	[smem:$0x3FAE] =	sst s0  }
0x18: {  	s0 =	sld [smem:$0x3F91];
	_ =	swait.ge [sflag:s4], $0x0  }
0x19: {  	s7 =	sld [smem:$0x3F92]  }
0x1a: {  	s8 =	sadd.s32 $0xFFFFE003, lr  }
0x1b: {  	s9 =	sadd.s32 $0xFFFFFEF7, lr;
	s5 =	simm.s32 $0xFFFFFFFF;
	p2 =	slt.u32 s8, $0xFFFFF086  }
0x1c: {  	p1 =	slt.u32 s9, $0xF7A;
	s5 =	simm.s32 @!p2 $0x0  }
0x1d: {  	s5 =	simm.s32 @p1 $0x1;
	p0 =	seq.s32 s7, s2  }
0x1e: {  	s7 =	smul.u32 @!p0 $0xF7A, s2;
	p2 =	seq.s32 @!p0 s5, $0x0  }
0x1f: {  	s9 =	smul.u32 $0xF7A, s1;
	s8 =	simm.s32 @!p0 $0x1BF5;
	p2 =	por !p2, p0  }
0x20: {  	[sflag:s8] =	ssyncset.s32 @!p0 $0xFFFFF086;
	s6 =	sadd.s32 @!p0 s3, s7;
	s7 =	simm.s32 @!p0 $0x108  }
0x21: {  	s3 =	sadd.s32 s3, s9;
	s6 =	sadd.s32 @!p0 $0x88, s6;
	s7 =	simm.s32 @p2 $0x1082  }
0x22: {  	[simem:s7], [sflag:s8] =	dma.local @!p0 [hbm:s6], $0xF7A  }
0x23: {  	s9 =	sor.u32 $0xD0000000, s2;
	s6 =	simm.s32 $0x108;
	_ =	swait.ge @!p0 [sflag:s8], $0x0  }
0x24: {  	s3 =	sadd.s32 $0x88, s3;
	s6 =	simm.s32 @!p1 $0x1082;
	[sflag:s4] =	ssyncset.s32 $0xFFFFF086  }
0x25: {  	[simem:s6], [sflag:s4] =	dma.local [hbm:s3], $0xF7A  }
0x26: {  	[smem:$0x3F92] =	sst s1;
	(tag) =	ssettag s2;
	_ =	strace s9  }
0x27: {  	s1 =	sld [smem:$0x3FA2]  }
0x28: {  	s2 =	sld [smem:$0x3FA3]  }
0x29: {  	s4 =	sld [smem:$0x3FA5]  }
0x2a: {  	p0 =	seq.s32 s5, $0x0;
	s5 =	sld [smem:$0x3FA6]  }
0x2b: {  	s6 =	sld [smem:$0x3FA7]  }
0x2c: {  	s7 =	sld [smem:$0x3FA8]  }
0x2d: {  	s3 =	simm.s32 $0x108;
	s8 =	sld [smem:$0x3FA9]  }
0x2e: {  	s3 =	simm.s32 @!p0 $0x1082;
	s9 =	sld [smem:$0x3FAA]  }
0x2f: {  	lr =	sadd.s32 s0, s3;
	s0 =	sld [smem:$0x3FA1]  }
0x30: {  	s3 =	sld [smem:$0x3FA4]  }
0x31: {  	[smem:$0x3FAD] =	sst s10  }
0x32: {  	s10 =	sld [smem:$0x3FAB];
	_ =	sdelay $0x3  }
0x33: {  	p0 =	seq.s32 s10, $0x1;
	s10 =	sld [smem:$0x3FAD];
	_ =	sdelay $0x3  }
0x34: {  	[smem:$0x3FAD] =	sst s10  }
0x35: {  	s10 =	sld [smem:$0x3FAC];
	_ =	sdelay $0x3  }
0x36: {  	p1 =	seq.s32 s10, $0x1;
	s10 =	sld [smem:$0x3FAD];
	_ =	sdelay $0x3  }
0x37: {  	[smem:$0x3FAD] =	sst s10  }
0x38: {  	s10 =	sld [smem:$0x3FAE]  }
0x39: {  	_ = 	snop;
	(pc) =	sbr.ind lr, $3  }
0x3a: {  	_ = 	snop  }
0x3b: {  	_ = 	snop  }
0x3c: {  	p2 =	seq.s32 s10, $0x1;
	s10 =	sld [smem:$0x3FAD]  }
0x3d: {  	_ =	shalt  }
0x3e: {  	_ =	shalt  }
0x3f: {  	_ =	shalt  }
0x40: {  	_ =	shalt  }
0x41: {  	_ =	shalt  }
0x42: {  	_ =	shalt  }
0x43: {  	_ =	shalt  }
0x44: {  	_ =	shalt  }
0x45: {  	_ =	shalt  }
0x46: {  	_ =	shalt  }
0x47: {  	_ =	shalt  }
0x48: {  	_ =	shalt  }
0x49: {  	_ =	shalt  }
0x4a: {  	_ =	shalt  }
0x4b: {  	_ =	shalt  }
0x4c: {  	_ =	shalt  }
0x4d: {  	_ =	shalt  }
0x4e: {  	_ =	shalt  }
0x4f: {  	_ =	shalt  }
0x50: {  	_ =	shalt  }
0x51: {  	_ =	shalt  }
0x52: {  	_ =	shalt  }
0x53: {  	_ =	shalt  }
0x54: {  	_ =	shalt  }
0x55: {  	_ =	shalt  }
0x56: {  	_ =	shalt  }
0x57: {  	_ =	shalt  }
0x58: {  	_ =	shalt  }
0x59: {  	_ =	shalt  }
0x5a: {  	_ =	shalt  }
0x5b: {  	_ =	shalt  }
0x5c: {  	_ =	shalt  }
0x5d: {  	_ =	shalt  }
0x5e: {  	_ =	shalt  }
0x5f: {  	_ =	shalt  }
0x60: {  	_ =	shalt  }
0x61: {  	_ =	shalt  }
0x62: {  	_ =	shalt  }
0x63: {  	_ =	shalt  }
0x64: {  	_ =	shalt  }
0x65: {  	_ =	shalt  }
0x66: {  	_ =	shalt  }
0x67: {  	_ =	shalt  }
0x68: {  	_ =	shalt  }
0x69: {  	_ =	shalt  }
0x6a: {  	_ =	shalt  }
0x6b: {  	_ =	shalt  }
0x6c: {  	_ =	shalt  }
0x6d: {  	_ =	shalt  }
0x6e: {  	_ =	shalt  }
0x6f: {  	_ =	shalt  }
0x70: {  	_ =	shalt  }
0x71: {  	_ =	shalt  }
0x72: {  	_ =	shalt  }
0x73: {  	_ =	shalt  }
0x74: {  	_ =	shalt  }
0x75: {  	_ =	shalt  }
0x76: {  	_ =	shalt  }
0x77: {  	_ =	shalt  }
0x78: {  	_ =	shalt  }
0x79: {  	_ =	shalt  }
0x7a: {  	_ =	shalt  }
0x7b: {  	_ =	shalt  }
0x7c: {  	_ =	shalt  }
0x7d: {  	_ =	shalt  }
0x7e: {  	_ =	shalt  }
0x7f: {  	_ =	shalt  }
0x80: {  	_ =	shalt  }
0x81: {  	_ =	shalt  }
0x82: {  	_ =	shalt  }
0x83: {  	_ =	shalt  }
0x84: {  	_ =	shalt  }
0x85: {  	_ =	shalt  }
0x86: {  	_ =	shalt  }
0x87: {  	_ =	shalt  }
.Lfunc_end0:
.L_simem_size_0:
called_computation.1_lowered:
.L_overlay_start_0:
0x88: {  	s2 =	sld [smem:$0x3FD9]  }
0x89: {  	s3 =	sld [smem:$0x3FFE];
	_ =	sdelay $0x1  }
0x8a: {  	s1 =	srdreg.scid  }
0x8b: {  	s0 =	sand.u32 $0x1, s1  }
0x8c: {  	s16 =	sshll.u32 s0, $0xA;
	s2 =	sadd.s32 s3, s2  }
0x8d: {  	s2 =	sadd.s32 s2, s16  }
0x8e: {  	[smem:$0x3FB9] =	sst s2  }
0x8f: {  	_ = 	snop  }
0x90: {  	(tm) =	ssettm $0x1  }
0x91: {  	s17 =	sld [smem:$0x3FFB];
	_ =	sdelay $0x3  }
0x92: {  	_ =	strace s17  }
0x93: {  	s2 =	sld [smem:$0x3FFC];
	_ =	sdelay $0x3  }
0x94: {  	_ =	strace s2  }
0x95: {  	s2 =	sld [smem:$0x3FFD];
	_ =	sdelay $0x3  }
0x96: {  	_ =	strace s2  }
0x97: {  	_ =	strace $0x8FFFFFFF  }
0x98: {  	s18 =	sld [smem:$0x3FDB];
	_ =	sdelay $0x1  }
0x99: {  	s19 =	simm.s32 $_scs_section_size  }
0x9a: {  	s4 =	simm.s32 $_size__tile_overlayer_lowered;
	s5 =	simm.s32 $_tile_overlayer_lowered  }
0x9b: {  	s22 =	simm.s32 $0x1BFF;
	s21 =	sshll.u32 s5, $0x1;
	s2 =	sadd.s32 s19, s18  }
0x9c: {  	s6 =	simm.s32 $0x0;
	s20 =	sshll.u32 s4, $0x1;
	s4 =	sadd.s32 s21, s2  }
0x9d: {  	[timem:s6], [sflag:s22] =	dma.local [hbm:s4], s20  }
0x9e: {  	_ =	swait.ge [sflag:s22], s20  }
0x9f: {  	s3 =	ssub.s32 $0x0, s20;
	[sflag:s22] =	ssyncset.done $0x0  }
0xa0: {  	[sflag:s22] =	ssyncadd.s32 s3;
	_ =	sdelay $0x1  }
0xa1: {  	s23 =	simm.s32 $0x1B8B  }
0xa2: {  	_ =	swait.ge [sflag:s23], $0x1  }
0xa3: {  	[sflag:s23] =	ssyncset.done $0x0  }
0xa4: {  	s25 =	simm.s32 $0x1B8E;
	s24 =	sld [smem:$0x3FFE];
	[sflag:s23] =	ssyncadd.s32 $0xFFFFFFFF  }
0xa5: {  	s26 =	simm.s32 $execute0_lowered;
	[smem:$0x3FD2] =	sst s25  }
0xa6: {  	s4 =	sshll.u32 s26, $0x1;
	_ =	strace $0x80000049;
	[dreg:$0x1] =	wrdreg $0xFFFFFFFF  }
0xa7: {  	s28 =	simm.s32 $_size_execute0_lowered;
	s2 =	sadd.s32 s2, s4;
	[dreg:$0x0] =	wrdreg $0x0  }
0xa8: {  	s4 =	sshll.u32 s28, $0x1;
	[dreg:$0x2] =	wrdreg s2  }
0xa9: {  	[dreg:$0x3] =	wrdreg s4  }
0xaa: {  	[dreg:$0x4] =	wrdreg $0xC0  }
0xab: {  	_ =	task [dreg:s6], $0x5FFFF  }
0xac: {  	[dreg:$0x1] =	wrdreg $0xFFFFFFFF  }
0xad: {  	[dreg:$0x0] =	wrdreg $0x60  }
0xae: {  	[dreg:$0x2] =	wrdreg s24  }
0xaf: {  	[dreg:$0x3] =	wrdreg $0xAE000  }
0xb0: {  	[dreg:$0x4] =	wrdreg $0x9  }
0xb1: {  	_ =	task.clear_ibuf [dreg:s6], $0x5FFFF;
	_ =	strace $0x90000049  }
0xb2: {  	s29 =	simm.s32 $0x9;
	_ =	strace $0x8000004B  }
0xb3: {  	_ =	swait.ge [sflag:s29], $0x1  }
0xb4: {  	[sflag:s29] =	ssyncadd.s32 $0xFFFFFFFF  }
0xb5: {  	_ =	strace $0x9000004B  }
0xb6: {  	_ =	sfence  }
0xb7: {  	s30 =	sld [smem:$0x0];
	_ =	sdelay $0x2  }
0xb8: {  	s31 =	sshll.u32 s1, $0xD;
	s1 =	sshrl.u32 s1, $0x2  }
0xb9: {  	s3 =	sand.u32 $0x4000, s31;
	s1 =	sadd.s32 s1, s30  }
0xba: {  	s0 =	sor.u32 s3, s0;
	s1 =	sshll.u32 s1, $0x11  }
0xbb: {  	s0 =	sor.u32 s1, s0  }
0xbc: {  	s0 =	sadd.s32 $0x8F2B, s0  }
0xbd: {  	[sflag:s0] =	ssyncadd.remote.s32 $0x1  }
0xbe: {  	_ =	sfence.sel $0xFFFF  }
0xbf: {  	[dreg:$0x0] =	wrdreg $0xFFFFFFFF;
	(pc) =	sbr.abs _section_cstart, $3  }
0xc0: {  	[dreg:$0x1] =	wrdreg $0xFFFFFFFF  }
0xc1: {  	_ =	task.clear_ibuf [dreg:s6], $0x2FFFF;
	_ =	strace $0x9FFFFFFF  }
0xc2: {  	(tm) =	ssettm $0x7FFFFFFF  }
0xc3: {  	_ =	shalt  }
tec
execute0_lowered:
.L_overlay_start_1:
0x0: {  	(tag) =	ssettag $0x1  }
0x1: {  	s0 =	rddreg [dreg:$0x0]  }
0x2: {  	s1 =	rddreg [dreg:$0x1]  }
0x3: {  	s2 =	srdreg.scid;
	s3 =	simm.s32 $0x0;
	s11 =	stileid.u32  }
0x4: {  	s31 =	simm.s32 $0x70;
	s2 =	sand.u32 $0x1, s2;
	s8 =	smul.u32 $0x4E000, s11  }
0x5: {  	[smem:$0x7FF] =	sst s3;
	s12 =	sadd.s32 $0x3400, s0;
	s10 =	smul.u32 $0x13800, s11  }
0x6: {  	s13 =	sadd.s32 $0xD200, s0;
	s25 =	smul.u32 $0x2760, s11;
	p0 =	seq.s32 s11, $0xF  }
0x7: {  	p1 =	sne.s32 s11, $0xF;
	s30 =	sadd.s32 $0x138000, s1;
	s4 =	sshll.u32 s2, $0x4  }
0x8: {  	_ =	strace $0x8000004A;
	s22 =	smul.u32 $0x138800, s2;
	[dreg:$0x4] =	wrdreg s13  }
0x9: {  	s6 =	ssub.s32 $0x2, s2;
	s2 =	smul.u32 $0x27600, s2;
	[dreg:$0x3] =	wrdreg s12  }
0xa: {  	[dreg:$0x1d] =	wrdreg s30;
	s5 =	sor.u32 s11, s4;
	s4 =	sadd.s32 $0x17000, s0  }
0xb: {  	s7 =	sshrl.u32 s6, $0x1;
	s0 =	sadd.s32 $0x3E200, s0;
	s24 =	sshrl.u32 s8, $0x2  }
0xc: {  	s11 =	simm.s32 $0x10;
	s5 =	smul.u32 $0x2760, s5;
	s6 =	ssub.s32 s6, s7  }
0xd: {  	s17 =	sadd.s32 s24, s1;
	s28 =	sadd.s32 s10, s22;
	s2 =	sadd.s32 s25, s2  }
0xe: {  	s29 =	sshrl.u32 s22, $0x3;
	s8 =	sadd.s32 $0x3F0, s2;
	s16 =	sadd.s32 $0x310, s2  }
0xf: {  	s24 =	sadd.s32 $0x11800, s17;
	s25 =	sadd.s32 $0x3800, s17;
	[dreg:$0xd] =	wrdreg s17  }
0x10: {  	s5 =	sshrl.u32 s5, $0x3;
	s8 =	sshrl.u32 s8, $0x3;
	[dreg:$0x1c] =	wrdreg s24  }
0x11: {  	[dreg:$0x1e] =	wrdreg s25;
	s25 =	simm.s32 $0xF;
	s19 =	sadd.s32 s12, s5  }
0x12: {  	s24 =	simm.s32 $0xC;
	s9 =	sadd.s32 s13, s5;
	[dreg:$0x5] =	wrdreg s19  }
0x13: {  	s20 =	sadd.s32 $0xE, s5;
	s10 =	sadd.s32 s8, s13;
	[dreg:$0x6] =	wrdreg s9  }
0x14: {  	s23 =	sadd.s32 $0x1C, s5;
	s21 =	sadd.s32 s12, s20;
	[dreg:$0x11] =	wrdreg s10  }
0x15: {  	s5 =	sadd.s32 $0x2A, s5;
	s7 =	sadd.s32 s13, s20;
	[dreg:$0x7] =	wrdreg s21  }
0x16: {  	s14 =	sadd.s32 s12, s23;
	s26 =	sadd.s32 s12, s5;
	[dreg:$0x8] =	wrdreg s7  }
0x17: {  	s5 =	sadd.s32 s13, s5;
	s9 =	smax.u32 s6, $0x1;
	[dreg:$0x9] =	wrdreg s14  }
0x18: {  	s19 =	sshrl.u32 s16, $0x3;
	s20 =	sadd.s32 $0x230, s2;
	[dreg:$0xb] =	wrdreg s26  }
0x19: {  	s6 =	simm.s32 $0x480;
	s7 =	sadd.s32 s13, s23;
	[dreg:$0xc] =	wrdreg s5  }
0x1a: {  	s5 =	sshrl.u32 s28, $0x3;
	[dreg:$0x10] =	wrdreg s9;
	s14 =	sadd.s32 $0x380, s2  }
0x1b: {  	s21 =	sadd.s32 $0x2A0, s2;
	s2 =	sadd.s32 $0x1C0, s2;
	[dreg:$0xa] =	wrdreg s7  }
0x1c: {  	s26 =	sadd.s32 $0x7000, s17;
	s28 =	sadd.s32 $0xA800, s17;
	[dreg:$0x17] =	wrdreg s21  }
0x1d: {  	s9 =	simm.s32 $0x3E00;
	s7 =	sadd.s32 s0, s29;
	[dreg:$0x1f] =	wrdreg s26  }
0x1e: {  	s0 =	sadd.s32 s0, s5;
	s15 =	sshrl.u32 s14, $0x3;
	[smem:$0x7FC] =	sst s28  }
0x1f: {  	s5 =	sadd.s32 s19, s13;
	s23 =	sshrl.u32 s2, $0x3;
	[dreg:$0xe] =	wrdreg s0  }
0x20: {  	s29 =	sadd.s32 $0xE000, s17;
	s14 =	simm.s32 $0xA;
	[dreg:$0x15] =	wrdreg s5  }
0x21: {  	s21 =	simm.s32 $0xB;
	s7 =	sadd.s32 $0x27000, s7;
	[smem:$0x7FD] =	sst s29  }
0x22: {  	s26 =	simm.s32 $0x12;
	s0 =	sadd.s32 s8, s12;
	[dreg:$0xf] =	wrdreg s7  }
0x23: {  	s18 =	sadd.s32 s15, s13;
	s2 =	sadd.s32 s23, s13;
	[dreg:$0x12] =	wrdreg s0  }
0x24: {  	s5 =	simm.s32 $0x180;
	s8 =	simm.s32 $0x580;
	[dreg:$0x13] =	wrdreg s18  }
0x25: {  	s0 =	sadd.s32 s15, s12;
	[dreg:$0x1a] =	wrdreg s2;
	s2 =	simm.s32 $0x600  }
0x26: {  	s18 =	simm.s32 $0x7600;
	[dreg:$0x14] =	wrdreg s0;
	s0 =	sadd.s32 s19, s12  }
0x27: {  	s15 =	simm.s32 $0x1;
	[dreg:$0x16] =	wrdreg s0;
	s0 =	sshrl.u32 s20, $0x3  }
.Ltmp0:
0x28: {  	s7 =	simm.s32 $0x0;
	s22 =	sadd.s32 s0, s13;
	(pc) =	sbr.rel .LBB2_1-.Ltmp0, $4  }
0x29: {  	s19 =	simm.s32 $0x3;
	s0 =	sadd.s32 s0, s12;
	[dreg:$0x18] =	wrdreg s22  }
0x2a: {  	s20 =	simm.s32 $0x5;
	s13 =	simm.s32 $0x4;
	[dreg:$0x19] =	wrdreg s0  }
0x2b: {  	s0 =	sadd.s32 s23, s12;
	s12 =	simm.s32 $0x2;
	s22 =	simm.s32 $0x11  }
0x2c: {  	v0 =	vimm.f32 $0.0e+00;
	s23 =	simm.s32 $0x6;
	[dreg:$0x1b] =	wrdreg s0;
	s0 =	simm.s32 $0x9  }
.LBB2_6:
0x2d: {  	_ =	swait.ge [sflag:s23], $0x3800  }
0x2e: {  	[sflag:s23] =	ssyncset.done $0x0  }
0x2f: {  	[sflag:s23] =	ssyncadd.s32 $0xFFFFC800  }
0x30: {  	s10 =	stileid.u32;
	[bflag:$0x0] =	sbarrier.arrive $0xFFFF  }
0x31: {  	s6 =	simm.s32 $0x13;
	s10 =	sshll.u32 s10, $0x6;
	s17 =	rddreg [dreg:$0xd]  }
0x32: {  	s10 =	sor.u32 $0x1C13, s10;
	s28 =	rddreg [dreg:$0xe];
	s16 =	sshrl.u32 s17, $0x3  }
0x33: {  	[hbm:s28], [sflag:s10] =	dma.local [spmem:s16], $0x2700  }
0x34: {  	_ =	swait.ge [sflag:s6], $0x2700  }
0x35: {  	[sflag:s6] =	ssyncset.done $0x0;
	s30 =	rddreg [dreg:$0x1d]  }
0x36: {  	s28 =	rddreg [dreg:$0xf];
	[sflag:s6] =	ssyncadd.s32 $0xFFFFD900;
	s16 =	sshrl.u32 @!p1 s30, $0x3  }
0x37: {  	[hbm:s28], [sflag:s10] =	dma.local @!p1 [spmem:s16], $0x100  }
0x38: {  	s10 =	simm.s32 @!p1 $0x13  }
0x39: {  	_ =	swait.ge @!p1 [sflag:s10], $0x100  }
0x3a: {  	s7 =	sld [smem:$0x7FB];
	_ =	sdelay $0x2  }
0x3b: {  	s29 =	rddreg [dreg:$0x10];
	s7 =	sadd.s32 $0x1, s7  }
0x3c: {  	p2 =	sne.s32 s7, s29  }
.Ltmp1:
0x3d: {  	_ = 	snop;
	(pc) =	sbr.rel @!p2 .LBB2_7-.Ltmp1, $3  }
0x3e: {  	_ =	sdelay $0x1  }
0x3f: {  	[sflag:s10] =	ssyncset.done @!p1 $0x0  }
0x40: {  	s5 =	simm.s32 $0x180;
	s6 =	simm.s32 $0x480;
	[sflag:s10] =	ssyncadd.s32 @!p1 $0xFFFFFF00  }
.LBB2_1:
0x41: {  	s10 =	rddreg [dreg:$0x5]  }
0x42: {  	[tilespmem:s3], [sflag:$0x7] =	stream.linear.gather [hbm4b:s10+s3], $0x70, $0x38;
	[tilespmem:$0x1F680] =	vst v63  }
0x43: {  	s16 =	simm.s32 $0x300;
	s10 =	rddreg [dreg:$0x6]  }
0x44: {  	[tilespmem:s16], [sflag:$0xD] =	stream.linear.gather [hbm4b:s10+s3], $0x70, $0x38;
	[tilespmem:$0x1F680] =	vst v63  }
0x45: {  	s10 =	rddreg [dreg:$0x7];
	s16 =	simm.s32 $0x80  }
0x46: {  	[tilespmem:s16], [sflag:$0x8] =	stream.linear.gather [hbm4b:s10+s3], $0x70, $0x38;
	[tilespmem:$0x1F680] =	vst v63  }
0x47: {  	s28 =	simm.s32 $0x380;
	s10 =	rddreg [dreg:$0x8]  }
0x48: {  	[tilespmem:s28], [sflag:$0xE] =	stream.linear.gather [hbm4b:s10+s3], $0x70, $0x38;
	[tilespmem:$0x1F680] =	vst v63  }
0x49: {  	s10 =	rddreg [dreg:$0x9];
	s28 =	simm.s32 $0x100  }
0x4a: {  	[tilespmem:s28], [sflag:$0x9] =	stream.linear.gather [hbm4b:s10+s3], $0x70, $0x38;
	[tilespmem:$0x1F680] =	vst v63  }
0x4b: {  	s10 =	rddreg [dreg:$0xa];
	s28 =	simm.s32 $0x400  }
0x4c: {  	[tilespmem:s28], [sflag:$0xF] =	stream.linear.gather [hbm4b:s10+s3], $0x70, $0x38;
	[tilespmem:$0x1F680] =	vst v63  }
0x4d: {  	s10 =	rddreg [dreg:$0xb]  }
0x4e: {  	[tilespmem:s5], [sflag:$0xA] =	stream.linear.gather [hbm4b:s10+s3], $0x70, $0x38;
	[tilespmem:$0x1F680] =	vst v63  }
0x4f: {  	s5 =	rddreg [dreg:$0xc]  }
0x50: {  	[tilespmem:s6], [sflag:$0x10] =	stream.linear.gather [hbm4b:s5+s3], $0x70, $0x38;
	[tilespmem:$0x1F680] =	vst v63  }
0x51: {  	s6 =	simm.s32 $0x7  }
0x52: {  	_ =	swait.ge [sflag:s6], $0x70  }
0x53: {  	[sflag:s6] =	ssyncset.done $0x0  }
0x54: {  	s10 =	simm.s32 $0xD;
	[sflag:s6] =	ssyncadd.s32 $0xFFFFFF90  }
0x55: {  	_ =	swait.ge [sflag:s10], $0x70  }
0x56: {  	[sflag:s10] =	ssyncset.done $0x0  }
0x57: {  	s6 =	simm.s32 $0x8;
	[sflag:s10] =	ssyncadd.s32 $0xFFFFFF90  }
0x58: {  	[tilespmem:s2], [sflag:$0x1] =	stream.indirect.gather [hbm4b:s4+s31], $0x80, s3, s31, $0xb8;
	[tilespmem:$0x1F680] =	vst v63  }
0x59: {  	_ =	swait.ge [sflag:s6], $0x70  }
0x5a: {  	[sflag:s6] =	ssyncset.done $0x0  }
0x5b: {  	s10 =	simm.s32 $0xE;
	[sflag:s6] =	ssyncadd.s32 $0xFFFFFF90  }
0x5c: {  	_ =	swait.ge [sflag:s10], $0x70  }
0x5d: {  	[sflag:s10] =	ssyncset.done $0x0  }
0x5e: {  	s29 =	simm.s32 $0x3C0;
	s28 =	simm.s32 $0x70;
	[sflag:s10] =	ssyncadd.s32 $0xFFFFFF90  }
0x5f: {  	[tilespmem:s9], [sflag:$0x2] =	stream.indirect.gather [hbm4b:s4+s31], $0x80, s16, s31, $0xb8;
	[tilespmem:$0x1F680] =	vst v63  }
.LBB2_2:
0x60: {  	p2 =	seq.s32 s29, $0xDFC0;
	[tilespmem:s28+$0x7600] =	vst v0  }
0x61: {  	[tilespmem:s28+$0x7590] =	vst v0  }
0x62: {  	[tilespmem:s28+$0x75A0] =	vst v0  }
.Ltmp2:
0x63: {  	[tilespmem:s28+$0x75B0] =	vst v0;
	(pc) =	sbr.rel @!p2 .LBB2_2-.Ltmp2, $4  }
0x64: {  	[tilespmem:s28+$0x75C0] =	vst v0  }
0x65: {  	[tilespmem:s28+$0x75D0] =	vst v0  }
0x66: {  	[tilespmem:s28+$0x75E0] =	vst v0  }
0x67: {  	[tilespmem:s28+$0x75F0] =	vst v0;
	s28 =	sshra.s32 s29, $0x2;
	s29 =	sadd.s32 $0x200, s29  }
0x68: {  	[tilespmem:s28+$0x7600] =	vst v0  }
0x69: {  	[tilespmem:s28+$0x7590] =	vst v0  }
0x6a: {  	[tilespmem:s28+$0x75A0] =	vst v0  }
0x6b: {  	[tilespmem:s28+$0x75B0] =	vst v0  }
0x6c: {  	[tilespmem:s28+$0x75C0] =	vst v0  }
0x6d: {  	[tilespmem:s28+$0x75D0] =	vst v0  }
0x6e: {  	[tilespmem:s28+$0x75E0] =	vst v0  }
0x6f: {  	[tilespmem:s28+$0x75F0] =	vst v0;
	[smem:$0x7FB] =	sst s7;
	s6 =	simm.s32 $0x13  }
0x70: {  	[spmem:s17] =	stream.linear.scatter [tilespmem:s18], [sflag:$0x13], $0x3800, $0x38;
	[tilespmem:$0x1F680] =	vst v63  }
0x71: {  	_ =	swait.ge [sflag:s6], $0x3800  }
0x72: {  	[sflag:s6] =	ssyncset.done $0x0  }
0x73: {  	s10 =	rddreg [dreg:$0x1e];
	[sflag:s6] =	ssyncadd.s32 $0xFFFFC800  }
0x74: {  	[spmem:s10] =	stream.linear.scatter [tilespmem:s18], [sflag:$0x13], $0x3800, $0x38;
	[tilespmem:$0x1F680] =	vst v63  }
0x75: {  	_ =	swait.ge [sflag:s6], $0x3800  }
0x76: {  	[sflag:s6] =	ssyncset.done $0x0  }
0x77: {  	s17 =	rddreg [dreg:$0x1f];
	[sflag:s6] =	ssyncadd.s32 $0xFFFFC800  }
0x78: {  	[spmem:s17] =	stream.linear.scatter [tilespmem:s18], [sflag:$0x13], $0x3800, $0x38;
	[tilespmem:$0x1F680] =	vst v63  }
0x79: {  	_ =	swait.ge [sflag:s6], $0x3800  }
0x7a: {  	s7 =	sld [smem:$0x7FC]  }
0x7b: {  	[sflag:s6] =	ssyncset.done $0x0  }
0x7c: {  	[sflag:s6] =	ssyncadd.s32 $0xFFFFC800  }
0x7d: {  	[spmem:s7] =	stream.linear.scatter [tilespmem:s18], [sflag:$0x13], $0x3800, $0x38;
	[tilespmem:$0x1F680] =	vst v63  }
0x7e: {  	_ =	swait.ge [sflag:s6], $0x3800  }
0x7f: {  	s16 =	sld [smem:$0x7FD]  }
0x80: {  	[sflag:s6] =	ssyncset.done $0x0  }
0x81: {  	[sflag:s6] =	ssyncadd.s32 $0xFFFFC800  }
0x82: {  	[spmem:s16] =	stream.linear.scatter [tilespmem:s18], [sflag:$0x13], $0x3800, $0x38;
	[tilespmem:$0x1F680] =	vst v63  }
0x83: {  	_ =	swait.ge [sflag:s6], $0x3800  }
0x84: {  	[sflag:s6] =	ssyncset.done $0x0  }
0x85: {  	s17 =	rddreg [dreg:$0x1c];
	[sflag:s6] =	ssyncadd.s32 $0xFFFFC800  }
0x86: {  	[spmem:s17] =	stream.linear.scatter [tilespmem:s18], [sflag:$0x13], $0x2000, $0x38;
	[tilespmem:$0x1F680] =	vst v63  }
0x87: {  	_ =	swait.ge [sflag:s6], $0x2000  }
0x88: {  	[sflag:s6] =	ssyncset.done $0x0  }
0x89: {  	s28 =	simm.s32 @p0 $0x7600;
	[sflag:s6] =	ssyncadd.s32 $0xFFFFE000  }
0x8a: {  	[spmem:s30] =	stream.linear.scatter @p0 [tilespmem:s28], [sflag:$0x13], $0x800, $0x38;
	[tilespmem:$0x1F680] =	vst v63  }
0x8b: {  	s28 =	simm.s32 @p0 $0x13  }
0x8c: {  	_ =	swait.ge @p0 [sflag:s28], $0x800  }
0x8d: {  	[sflag:s28] =	ssyncset.done @p0 $0x0  }
0x8e: {  	[sflag:s28] =	ssyncadd.s32 @p0 $0xFFFFF800  }
0x8f: {  	s5 =	simm.s32 $0x180;
	[bflag:$0x0] =	sbarrier.arrive $0xFFFF  }
0x90: {  	s6 =	simm.s32 $0x480;
	s28 =	simm.s32 $0x0;
	s29 =	rddreg [dreg:$0x17]  }
.LBB2_4:
0x91: {  	_ =	swait.ge [sflag:s15], $0x3800  }
0x92: {  	p2 =	seq.s32 s28, $0x0;
	[sflag:s15] =	ssyncset.done $0x0  }
0x93: {  	s10 =	simm.s32 $0x300;
	s30 =	simm.s32 @!p2 $0x6;
	[sflag:s15] =	ssyncadd.s32 $0xFFFFC800  }
0x94: {  	[spmem:s1] =	stream.indirect.scatter.add.f32 [tilespmem:s2], [sflag:$0x4], $0x80, s10, s31, $0xb8;
	[tilespmem:$0x1F680] =	vst v63  }
0x95: {  	_ =	swait.ge @!p2 [sflag:s30], $0x3800  }
0x96: {  	[sflag:s30] =	ssyncset.done @!p2 $0x0  }
0x97: {  	[sflag:s30] =	ssyncadd.s32 @!p2 $0xFFFFC800  }
0x98: {  	_ =	swait.ge [sflag:s0], $0x70  }
0x99: {  	[sflag:s0] =	ssyncset.done $0x0  }
0x9a: {  	[sflag:s0] =	ssyncadd.s32 $0xFFFFFF90  }
0x9b: {  	_ =	swait.ge [sflag:s25], $0x70  }
0x9c: {  	[sflag:s25] =	ssyncset.done $0x0  }
0x9d: {  	s7 =	simm.s32 $0x100;
	s16 =	rddreg [dreg:$0x1b];
	[sflag:s25] =	ssyncadd.s32 $0xFFFFFF90  }
0x9e: {  	[tilespmem:s18], [sflag:$0x3] =	stream.indirect.gather [hbm4b:s4+s31], $0x80, s7, s31, $0xb8;
	[tilespmem:$0x1F680] =	vst v63  }
0x9f: {  	s17 =	sadd.s32 s28, s16;
	s16 =	simm.s32 $0x200;
	s7 =	rddreg [dreg:$0x1a]  }
0xa0: {  	[tilespmem:s16], [sflag:$0xB] =	stream.linear.gather [hbm4b:s17+s3], $0x70, $0x38;
	[tilespmem:$0x1F680] =	vst v63  }
0xa1: {  	s10 =	sadd.s32 s28, s7;
	s17 =	simm.s32 $0x500  }
0xa2: {  	[tilespmem:s17], [sflag:$0x11] =	stream.linear.gather [hbm4b:s10+s3], $0x70, $0x38;
	[tilespmem:$0x1F680] =	vst v63  }
0xa3: {  	_ =	swait.ge [sflag:s12], $0x3800  }
0xa4: {  	[sflag:s12] =	ssyncset.done $0x0  }
0xa5: {  	s30 =	simm.s32 $0x380;
	[sflag:s12] =	ssyncadd.s32 $0xFFFFC800  }
0xa6: {  	[spmem:s1] =	stream.indirect.scatter.add.f32 [tilespmem:s9], [sflag:$0x5], $0x80, s30, s31, $0xb8;
	[tilespmem:$0x1F680] =	vst v63  }
0xa7: {  	_ =	swait.ge [sflag:s13], $0x3800  }
0xa8: {  	[sflag:s13] =	ssyncset.done $0x0  }
0xa9: {  	[sflag:s13] =	ssyncadd.s32 $0xFFFFC800  }
0xaa: {  	_ =	swait.ge [sflag:s14], $0x70  }
0xab: {  	[sflag:s14] =	ssyncset.done $0x0  }
0xac: {  	[sflag:s14] =	ssyncadd.s32 $0xFFFFFF90  }
0xad: {  	_ =	swait.ge [sflag:s11], $0x70  }
0xae: {  	[sflag:s11] =	ssyncset.done $0x0  }
0xaf: {  	s7 =	rddreg [dreg:$0x19];
	[sflag:s11] =	ssyncadd.s32 $0xFFFFFF90  }
0xb0: {  	[tilespmem:s2], [sflag:$0x1] =	stream.indirect.gather [hbm4b:s4+s31], $0x80, s5, s31, $0xb8;
	[tilespmem:$0x1F680] =	vst v63  }
0xb1: {  	s17 =	sadd.s32 s28, s7;
	s7 =	simm.s32 $0x280;
	s5 =	rddreg [dreg:$0x18]  }
0xb2: {  	[tilespmem:s7], [sflag:$0xC] =	stream.linear.gather [hbm4b:s17+s3], $0x70, $0x38;
	[tilespmem:$0x1F680] =	vst v63  }
0xb3: {  	s17 =	sadd.s32 s28, s5  }
0xb4: {  	[tilespmem:s8], [sflag:$0x12] =	stream.linear.gather [hbm4b:s17+s3], $0x70, $0x38;
	[tilespmem:$0x1F680] =	vst v63  }
0xb5: {  	_ =	swait.ge [sflag:s19], $0x3800  }
0xb6: {  	[sflag:s19] =	ssyncset.done $0x0  }
0xb7: {  	s30 =	simm.s32 $0x400;
	[sflag:s19] =	ssyncadd.s32 $0xFFFFC800  }
0xb8: {  	[spmem:s1] =	stream.indirect.scatter.add.f32 [tilespmem:s18], [sflag:$0x6], $0x80, s30, s31, $0xb8;
	[tilespmem:$0x1F680] =	vst v63  }
0xb9: {  	_ =	swait.ge [sflag:s20], $0x3800  }
0xba: {  	[sflag:s20] =	ssyncset.done $0x0  }
0xbb: {  	[sflag:s20] =	ssyncadd.s32 $0xFFFFC800  }
0xbc: {  	_ =	swait.ge [sflag:s21], $0x70  }
0xbd: {  	[sflag:s21] =	ssyncset.done $0x0  }
0xbe: {  	[sflag:s21] =	ssyncadd.s32 $0xFFFFFF90  }
0xbf: {  	_ =	swait.ge [sflag:s22], $0x70  }
0xc0: {  	[sflag:s22] =	ssyncset.done $0x0  }
0xc1: {  	p2 =	seq.s32 s28, $0x498;
	[sflag:s22] =	ssyncadd.s32 $0xFFFFFF90  }
0xc2: {  	[tilespmem:s9], [sflag:$0x2] =	stream.indirect.gather [hbm4b:s4+s31], $0x80, s16, s31, $0xb8;
	[tilespmem:$0x1F680] =	vst v63  }
0xc3: {  	s10 =	rddreg [dreg:$0x3];
	s16 =	sshrl.u32 @!p2 s29, $0x3  }
0xc4: {  	s30 =	simm.s32 @!p2 $0x0;
	s17 =	sadd.s32 @!p2 s10, s16;
	s10 =	rddreg [dreg:$0x4]  }
0xc5: {  	[tilespmem:s30], [sflag:$0x7] =	stream.linear.gather @!p2 [hbm4b:s17+s30], $0x70, $0x38;
	[tilespmem:$0x1F680] =	vst v63  }
0xc6: {  	s16 =	sadd.s32 @!p2 s10, s16;
	s17 =	simm.s32 @!p2 $0x300  }
0xc7: {  	[tilespmem:s17], [sflag:$0xD] =	stream.linear.gather @!p2 [hbm4b:s16+s30], $0x70, $0x38;
	[tilespmem:$0x1F680] =	vst v63  }
0xc8: {  	_ =	swait.ge [sflag:s15], $0x3800  }
0xc9: {  	[sflag:s15] =	ssyncset.done $0x0  }
0xca: {  	[sflag:s15] =	ssyncadd.s32 $0xFFFFC800  }
0xcb: {  	[spmem:s1] =	stream.indirect.scatter.add.f32 [tilespmem:s2], [sflag:$0x4], $0x80, s6, s31, $0xb8;
	[tilespmem:$0x1F680] =	vst v63  }
0xcc: {  	_ =	swait.ge [sflag:s23], $0x3800  }
0xcd: {  	[sflag:s23] =	ssyncset.done $0x0  }
0xce: {  	[sflag:s23] =	ssyncadd.s32 $0xFFFFC800  }
0xcf: {  	_ =	swait.ge [sflag:s24], $0x70  }
0xd0: {  	[sflag:s24] =	ssyncset.done $0x0  }
0xd1: {  	[sflag:s24] =	ssyncadd.s32 $0xFFFFFF90  }
0xd2: {  	_ =	swait.ge [sflag:s26], $0x70  }
0xd3: {  	[sflag:s26] =	ssyncset.done $0x0  }
0xd4: {  	s16 =	simm.s32 @p2 $0x2;
	[sflag:s26] =	ssyncadd.s32 $0xFFFFFF90  }
0xd5: {  	[tilespmem:s18], [sflag:$0x3] =	stream.indirect.gather [hbm4b:s4+s31], $0x80, s7, s31, $0xb8;
	[tilespmem:$0x1F680] =	vst v63  }
0xd6: {  	_ =	swait.ge @p2 [sflag:s16], $0x3800  }
0xd7: {  	s10 =	simm.s32 @p2 $0x3E00;
	[sflag:s16] =	ssyncset.done @p2 $0x0  }
0xd8: {  	s17 =	simm.s32 @p2 $0x500;
	[sflag:s16] =	ssyncadd.s32 @p2 $0xFFFFC800;
	s16 =	simm.s32 @p2 $0x70  }
0xd9: {  	[spmem:s1] =	stream.indirect.scatter.add.f32 @p2 [tilespmem:s10], [sflag:$0x5], $0x80, s17, s16, $0xb8;
	[tilespmem:$0x1F680] =	vst v63  }
0xda: {  	s10 =	simm.s32 @p2 $0x4  }
0xdb: {  	_ =	swait.ge @p2 [sflag:s10], $0x3800  }
0xdc: {  	[sflag:s10] =	ssyncset.done @p2 $0x0  }
0xdd: {  	[sflag:s10] =	ssyncadd.s32 @p2 $0xFFFFC800;
	s10 =	rddreg [dreg:$0x16]  }
0xde: {  	s16 =	simm.s32 @!p2 $0x80;
	s10 =	sadd.s32 @!p2 s28, s10  }
0xdf: {  	[tilespmem:s16], [sflag:$0x8] =	stream.linear.gather @!p2 [hbm4b:s10+s30], $0x70, $0x38;
	[tilespmem:$0x1F680] =	vst v63  }
0xe0: {  	s10 =	rddreg [dreg:$0x15]  }
0xe1: {  	s16 =	simm.s32 @!p2 $0x380;
	s10 =	sadd.s32 @!p2 s28, s10  }
0xe2: {  	[tilespmem:s16], [sflag:$0xE] =	stream.linear.gather @!p2 [hbm4b:s10+s30], $0x70, $0x38;
	[tilespmem:$0x1F680] =	vst v63  }
0xe3: {  	s10 =	simm.s32 @!p2 $0x2  }
0xe4: {  	_ =	swait.ge @!p2 [sflag:s10], $0x3800  }
0xe5: {  	s17 =	simm.s32 @!p2 $0x3E00;
	[sflag:s10] =	ssyncset.done @!p2 $0x0  }
0xe6: {  	s16 =	simm.s32 @!p2 $0x500;
	[sflag:s10] =	ssyncadd.s32 @!p2 $0xFFFFC800;
	s10 =	simm.s32 @!p2 $0x70  }
0xe7: {  	[spmem:s1] =	stream.indirect.scatter.add.f32 @!p2 [tilespmem:s17], [sflag:$0x5], $0x80, s16, s10, $0xb8;
	[tilespmem:$0x1F680] =	vst v63  }
0xe8: {  	s16 =	simm.s32 @!p2 $0x4  }
0xe9: {  	_ =	swait.ge @!p2 [sflag:s16], $0x3800  }
0xea: {  	[sflag:s16] =	ssyncset.done @!p2 $0x0  }
0xeb: {  	[sflag:s16] =	ssyncadd.s32 @!p2 $0xFFFFC800;
	s16 =	simm.s32 @!p2 $0x7  }
0xec: {  	_ =	swait.ge @!p2 [sflag:s16], $0x70  }
0xed: {  	[sflag:s16] =	ssyncset.done @!p2 $0x0  }
0xee: {  	[sflag:s16] =	ssyncadd.s32 @!p2 $0xFFFFFF90;
	s16 =	simm.s32 @!p2 $0xD  }
0xef: {  	_ =	swait.ge @!p2 [sflag:s16], $0x70  }
0xf0: {  	[sflag:s16] =	ssyncset.done @!p2 $0x0  }
0xf1: {  	[sflag:s16] =	ssyncadd.s32 @!p2 $0xFFFFFF90;
	s16 =	simm.s32 @!p2 $0x600  }
0xf2: {  	[tilespmem:s16], [sflag:$0x1] =	stream.indirect.gather @!p2 [hbm4b:s4+s10], $0x80, s30, s10, $0xb8;
	[tilespmem:$0x1F680] =	vst v63  }
0xf3: {  	s10 =	rddreg [dreg:$0x14]  }
0xf4: {  	s16 =	simm.s32 @!p2 $0x100;
	s10 =	sadd.s32 @!p2 s28, s10  }
0xf5: {  	[tilespmem:s16], [sflag:$0x9] =	stream.linear.gather @!p2 [hbm4b:s10+s30], $0x70, $0x38;
	[tilespmem:$0x1F680] =	vst v63  }
0xf6: {  	s10 =	rddreg [dreg:$0x13]  }
0xf7: {  	s16 =	simm.s32 @!p2 $0x400;
	s10 =	sadd.s32 @!p2 s28, s10  }
0xf8: {  	[tilespmem:s16], [sflag:$0xF] =	stream.linear.gather @!p2 [hbm4b:s10+s30], $0x70, $0x38;
	[tilespmem:$0x1F680] =	vst v63  }
0xf9: {  	_ =	swait.ge [sflag:s19], $0x3800  }
0xfa: {  	[sflag:s19] =	ssyncset.done $0x0  }
.Ltmp3:
0xfb: {  	[sflag:s19] =	ssyncadd.s32 $0xFFFFC800;
	(pc) =	sbr.rel @p2 .LBB2_6-.Ltmp3, $4  }
0xfc: {  	[spmem:s1] =	stream.indirect.scatter.add.f32 [tilespmem:s18], [sflag:$0x6], $0x80, s8, s31, $0xb8;
	[tilespmem:$0x1F680] =	vst v63  }
0xfd: {  	_ =	swait.ge [sflag:s20], $0x3800  }
0xfe: {  	[sflag:s20] =	ssyncset.done $0x0  }
0xff: {  	s5 =	simm.s32 $0x180;
	[sflag:s20] =	ssyncadd.s32 $0xFFFFC800  }
0x100: {  	s7 =	simm.s32 $0x8  }
0x101: {  	_ =	swait.ge [sflag:s7], $0x70  }
0x102: {  	[sflag:s7] =	ssyncset.done $0x0  }
0x103: {  	s16 =	simm.s32 $0xE;
	[sflag:s7] =	ssyncadd.s32 $0xFFFFFF90  }
0x104: {  	_ =	swait.ge [sflag:s16], $0x70  }
0x105: {  	[sflag:s16] =	ssyncset.done $0x0  }
0x106: {  	s10 =	simm.s32 $0x80;
	[sflag:s16] =	ssyncadd.s32 $0xFFFFFF90  }
0x107: {  	[tilespmem:s9], [sflag:$0x2] =	stream.indirect.gather [hbm4b:s4+s31], $0x80, s10, s31, $0xb8;
	[tilespmem:$0x1F680] =	vst v63  }
.Ltmp4:
0x108: {  	s17 =	rddreg [dreg:$0x12];
	(pc) =	sbr.rel .LBB2_4-.Ltmp4, $4  }
0x109: {  	s29 =	sadd.s32 $0x2A0, s29;
	s30 =	rddreg [dreg:$0x11];
	s10 =	sadd.s32 s28, s17  }
0x10a: {  	[tilespmem:s5], [sflag:$0xA] =	stream.linear.gather [hbm4b:s10+s3], $0x70, $0x38;
	[tilespmem:$0x1F680] =	vst v63  }
0x10b: {  	s10 =	sadd.s32 s28, s30;
	s28 =	sadd.s32 $0x54, s28;
	s5 =	simm.s32 $0x180  }
0x10c: {  	[tilespmem:s6], [sflag:$0x10] =	stream.linear.gather [hbm4b:s10+s3], $0x70, $0x38;
	[tilespmem:$0x1F680] =	vst v63  }
.LBB2_7:
0x10d: {  	_ =	sfence.sel $0x180000  }
0x10e: {  	[bflag:$0x0] =	sbarrier.arrive $0xFFFF  }
0x10f: {  	_ =	strace $0x9000004A  }
0x110: {  	s0 =	stileid.u32;
	[bflag:$0x2] =	sbarrier.arrive $0xFFFF  }
0x111: {  	p0 =	sne.s32 s0, $0x0;
	s0 =	rddreg [dreg:$0x2]  }
0x112: {  	s0 =	sadd.s32 @!p0 $0x100000, s0  }
0x113: {  	[sflag:s0] =	ssyncadd.tile.s32 @!p0 $0x1;
	_ =	shalt  }
.Lfunc_end2:
_tile_overlayer_lowered:
.L_overlay_start_2:
0x114: {  	(tag) =	ssettag $0x2  }
0x115: {  	s0 =	rddreg [dreg:$0x0];
	s2 =	stileid.u32  }
0x116: {  	s1 =	rddreg [dreg:$0x1];
	p0 =	sne.s32 s2, $0x0  }
0x117: {  	s3 =	rddreg [dreg:$0x2];
	[bflag:$0x3] =	sbarrier.arrive $0xFFFF;
	s2 =	simm.s32 @!p0 $0x1C13  }
0x118: {  	[timem:s3], [sflag:s2] =	dma.local @!p0 [hbm:s0], s1  }
0x119: {  	s0 =	simm.s32 @!p0 $0x13  }
0x11a: {  	_ =	swait.ge @!p0 [sflag:s0], s1  }
0x11b: {  	s1 =	ssub.s32 @!p0 $0x0, s1;
	[sflag:s0] =	ssyncset.done @!p0 $0x0  }
0x11c: {  	[sflag:s0] =	ssyncadd.s32 @!p0 s1  }
0x11d: {  	[bflag:$0x3] =	sbarrier.arrive $0xFFFF  }
0x11e: {  	_ =	shalt  }

</sc_bundles>
